<compile_context>
chip_gen: v7x
topology: tpu7x:2x2x1
jax: 0.10.2.dev20260603
libtpu: 0.0.44.dev20260713+nightly
codegen_flags: <defaults>
</compile_context>

<pallas_src>
import functools

import jax
import jax.numpy as jnp
from jax import lax
from jax.experimental import pallas as pl
from jax.experimental.pallas import tpu as pltpu
from jax.experimental.pallas import tpu_sc as plsc

N = 10000
E = 160000
ND = 256
ED = 16
HD = 256

PW = 384
SW = 128
EP = 163840
N2 = 10240

BN = 2000
BE = 2048

CS = 128
EPT = EP // 32
GCH = EPT // CS
EPS = EP // 16
SCH = EPS // CS
RPT = N2 // 16
RCH = RPT // CS


def _silu(v):
    return v * jax.nn.sigmoid(v)


def _ln(v, g, b):
    m = jnp.mean(v, axis=-1, keepdims=True)
    var = jnp.var(v, axis=-1, keepdims=True)
    return (v - m) / jnp.sqrt(var + 1e-5) * g + b


def _k1_body(h_ref, x_ref, w1a_ref, w1b_ref, a_ref, b_ref):
    h = h_ref[...]
    x = x_ref[...]
    pad = jnp.zeros((h.shape[0], PW - ND - 3), jnp.float32)
    a_ref[...] = jnp.concatenate([h @ w1a_ref[...], -x, pad], axis=1)
    b_ref[...] = jnp.concatenate([h @ w1b_ref[...], x, pad], axis=1)


def _k1(h, x, w1a, w1b):
    grid = N // BN
    return pl.pallas_call(
        _k1_body,
        grid=(grid,),
        in_specs=[
            pl.BlockSpec((BN, ND), lambda i: (i, 0)),
            pl.BlockSpec((BN, 3), lambda i: (i, 0)),
            pl.BlockSpec((ND, HD), lambda i: (0, 0)),
            pl.BlockSpec((ND, HD), lambda i: (0, 0)),
        ],
        out_specs=[
            pl.BlockSpec((BN, PW), lambda i: (i, 0)),
            pl.BlockSpec((BN, PW), lambda i: (i, 0)),
        ],
        out_shape=[
            jax.ShapeDtypeStruct((N, PW), jnp.float32),
            jax.ShapeDtypeStruct((N, PW), jnp.float32),
        ],
    )(h, x, w1a, w1b)


GC = 64
GCH2 = EPT // GC


def _sc_gather_body(a_hbm, b_hbm, src_hbm, dst_hbm, pre_hbm,
                    srcv, dstv, ba0, bb0, ba1, bb1, sem0, sem1):
    wid = lax.axis_index("s") * 2 + lax.axis_index("c")
    pltpu.sync_copy(src_hbm.at[pl.ds(wid * GCH2, GCH2)], srcv)
    pltpu.sync_copy(dst_hbm.at[pl.ds(wid * GCH2, GCH2)], dstv)

    bufs = ((ba0, bb0, sem0), (ba1, bb1, sem1))

    for b in range(2):
        pltpu.async_copy(a_hbm.at[srcv.at[b]], bufs[b][0], bufs[b][2])
        pltpu.async_copy(b_hbm.at[dstv.at[b]], bufs[b][1], bufs[b][2])

    def pair(i, carry):
        for b in range(2):
            j = 2 * i + b
            ba, bb, sem = bufs[b]
            pltpu.make_async_copy(a_hbm.at[pl.ds(0, GC)], ba, sem).wait()
            pltpu.make_async_copy(b_hbm.at[pl.ds(0, GC)], bb, sem).wait()

            def row(r, c2):
                for c in range((ND + 16) // 16):
                    v = bb[r, pl.ds(c * 16, 16)]
                    plsc.addupdate(ba.at[r, pl.ds(c * 16, 16)], v)
                return c2

            lax.fori_loop(0, GC, row, 0)
            pltpu.sync_copy(ba, pre_hbm.at[pl.ds(wid * EPT + j * GC, GC)])

            def refill():
                pltpu.async_copy(a_hbm.at[srcv.at[j + 2]], ba, sem)
                pltpu.async_copy(b_hbm.at[dstv.at[j + 2]], bb, sem)

            pl.when(j + 2 < GCH2)(refill)
        return carry

    lax.fori_loop(0, GCH2 // 2, pair, 0)


def _sc_gather(a_tab, b_tab, src2d, dst2d):
    mesh = plsc.VectorSubcoreMesh(core_axis_name="c", subcore_axis_name="s")
    kern = functools.partial(
        pl.kernel,
        mesh=mesh,
        out_type=jax.ShapeDtypeStruct((EP, PW), jnp.float32),
        scratch_types=[
            pltpu.VMEM((GCH2, GC), jnp.int32),
            pltpu.VMEM((GCH2, GC), jnp.int32),
            pltpu.VMEM((GC, PW), jnp.float32),
            pltpu.VMEM((GC, PW), jnp.float32),
            pltpu.VMEM((GC, PW), jnp.float32),
            pltpu.VMEM((GC, PW), jnp.float32),
            pltpu.SemaphoreType.DMA,
            pltpu.SemaphoreType.DMA,
        ],
    )(_sc_gather_body)
    return kern(a_tab, b_tab, src2d, dst2d)


def _k2_body(pre_ref, e_ref, w1d_ref, w1e_ref, b1_ref, w2_ref, b2_ref,
             ew1a_ref, ew1b_ref, eb1_ref, ew2_ref, eb2_ref,
             elng_ref, elnb_ref,
             enew_ref, s0_ref, s1_ref):
    pre = pre_ref[...]
    z = pre[:, :ND]
    rel = pre[:, ND:ND + 3]
    e = e_ref[...]
    d2 = jnp.sum(rel * rel, axis=1, keepdims=True)
    dist = jnp.sqrt(d2)
    u1 = _silu(z + dist * w1d_ref[...] + e @ w1e_ref[...] + b1_ref[...])
    msg = _silu(u1 @ w2_ref[...] + b2_ref[...])
    ehid = _silu(e @ ew1a_ref[...] + msg @ ew1b_ref[...] + eb1_ref[...])
    eh = ehid @ ew2_ref[...] + eb2_ref[...]
    enew_ref[...] = _ln(e + eh, elng_ref[...], elnb_ref[...])
    rid = pl.program_id(0) * BE + lax.broadcasted_iota(jnp.int32, (BE, 1), 0)
    live = (rid < E).astype(jnp.float32)
    s0_ref[...] = msg[:, :SW] * live
    s1_ref[...] = msg[:, SW:] * live


def _k2(pre, e, w1d, w1e, b1, w2, b2, ew1a, ew1b, eb1, ew2, eb2,
        elng, elnb):
    grid = EP // BE
    full = lambda r, c: pl.BlockSpec((r, c), lambda i: (0, 0))
    return pl.pallas_call(
        _k2_body,
        grid=(grid,),
        in_specs=[
            pl.BlockSpec((BE, PW), lambda i: (i, 0)),
            pl.BlockSpec((BE, ED), lambda i: (i, 0)),
            full(1, HD), full(ED, HD), full(1, HD), full(HD, HD), full(1, HD),
            full(ED, HD), full(HD, HD), full(1, HD), full(HD, ED), full(1, ED),
            full(1, ED), full(1, ED),
        ],
        out_specs=[
            pl.BlockSpec((BE, ED), lambda i: (i, 0)),
            pl.BlockSpec((BE, SW), lambda i: (i, 0)),
            pl.BlockSpec((BE, SW), lambda i: (i, 0)),
        ],
        out_shape=[
            jax.ShapeDtypeStruct((EP, ED), jnp.float32),
            jax.ShapeDtypeStruct((EP, SW), jnp.float32),
            jax.ShapeDtypeStruct((EP, SW), jnp.float32),
        ],
    )(pre, e, w1d, w1e, b1, w2, b2, ew1a, ew1b, eb1, ew2, eb2,
      elng, elnb)


def _sc_scatter_body(s0_hbm, s1_hbm, dst_hbm, o0_hbm, o1_hbm,
                     dstv, pbuf, pbuf1, acc, sem0, sem1):
    cid = lax.axis_index("c")
    sid = lax.axis_index("s")

    pltpu.sync_copy(dst_hbm.at[pl.ds(sid * SCH, SCH)], dstv)

    def zrow(r, c2):
        for c in range(SW // 16):
            pbuf[r, pl.ds(c * 16, 16)] = jnp.zeros((16,), jnp.float32)
        return c2

    lax.fori_loop(0, CS, zrow, 0)

    def zcp(k, c2):
        pltpu.sync_copy(pbuf, acc.at[pl.ds(sid * RPT + k * CS, CS)])
        return c2

    lax.fori_loop(0, RCH, zcp, 0)
    plsc.subcore_barrier()

    bufs = ((pbuf, sem0), (pbuf1, sem1))

    def accumulate(s_hbm):
        for b in range(2):
            pltpu.async_copy(
                s_hbm.at[pl.ds(sid * EPS + b * CS, CS)], bufs[b][0], bufs[b][1])

        def pair(i, carry):
            for b in range(2):
                j = 2 * i + b
                pb, sem = bufs[b]
                pltpu.make_async_copy(s_hbm.at[pl.ds(0, CS)], pb, sem).wait()
                pltpu.sync_copy(pb, acc.at[dstv.at[j]], add=True)

                def refill():
                    pltpu.async_copy(
                        s_hbm.at[pl.ds(sid * EPS + (j + 2) * CS, CS)], pb, sem)

                pl.when(j + 2 < SCH)(refill)
            return carry

        lax.fori_loop(0, SCH // 2, pair, 0)

    pl.when(cid == 0)(lambda: accumulate(s0_hbm))
    pl.when(cid == 1)(lambda: accumulate(s1_hbm))
    plsc.subcore_barrier()

    def copyout(o_hbm):
        def cp(k, c2):
            sl = pl.ds(sid * RPT + k * CS, CS)
            pltpu.sync_copy(acc.at[sl], o_hbm.at[sl])
            return c2

        lax.fori_loop(0, RCH, cp, 0)

    pl.when(cid == 0)(lambda: copyout(o0_hbm))
    pl.when(cid == 1)(lambda: copyout(o1_hbm))


def _sc_scatter(s0, s1, dst2d):
    mesh = plsc.VectorSubcoreMesh(core_axis_name="c", subcore_axis_name="s")
    kern = functools.partial(
        pl.kernel,
        mesh=mesh,
        out_type=[
            jax.ShapeDtypeStruct((N2, SW), jnp.float32),
            jax.ShapeDtypeStruct((N2, SW), jnp.float32),
        ],
        scratch_types=[
            pltpu.VMEM((SCH, CS), jnp.int32),
            pltpu.VMEM((CS, SW), jnp.float32),
            pltpu.VMEM((CS, SW), jnp.float32),
            pltpu.VMEM_SHARED((N2, SW), jnp.float32),
            pltpu.SemaphoreType.DMA,
            pltpu.SemaphoreType.DMA,
        ],
    )(_sc_scatter_body)
    return kern(s0, s1, dst2d)


def _k3_body(h_ref, x_ref, s0_ref, s1_ref, nw1a_ref, nw1b0_ref,
             nw1b1_ref, nb1_ref, nw2_ref, nb2_ref, lng_ref, lnb_ref,
             hnew_ref, xnew_ref):
    h = h_ref[...]
    n1 = _silu(h @ nw1a_ref[...] + s0_ref[...] @ nw1b0_ref[...]
               + s1_ref[...] @ nw1b1_ref[...] + nb1_ref[...])
    nh = n1 @ nw2_ref[...] + nb2_ref[...]
    hnew_ref[...] = _ln(h + nh, lng_ref[...], lnb_ref[...])
    xnew_ref[...] = x_ref[...]


def _k3(h, x, s0, s1, nw1a, nw1b0, nw1b1, nb1, nw2, nb2, lng, lnb):
    grid = N // BN
    full = lambda r, c: pl.BlockSpec((r, c), lambda i: (0, 0))
    return pl.pallas_call(
        _k3_body,
        grid=(grid,),
        in_specs=[
            pl.BlockSpec((BN, ND), lambda i: (i, 0)),
            pl.BlockSpec((BN, 3), lambda i: (i, 0)),
            pl.BlockSpec((BN, SW), lambda i: (i, 0)),
            pl.BlockSpec((BN, SW), lambda i: (i, 0)),
            full(ND, HD), full(SW, HD), full(SW, HD), full(1, HD),
            full(HD, ND), full(1, ND), full(1, ND), full(1, ND),
        ],
        out_specs=[
            pl.BlockSpec((BN, ND), lambda i: (i, 0)),
            pl.BlockSpec((BN, 3), lambda i: (i, 0)),
        ],
        out_shape=[
            jax.ShapeDtypeStruct((N, ND), jnp.float32),
            jax.ShapeDtypeStruct((N, 3), jnp.float32),
        ],
    )(h, x, s0, s1, nw1a, nw1b0, nw1b1, nb1, nw2, nb2, lng, lnb)


def kernel(h, x, e, edge_index, msg_w1, msg_b1, msg_w2, msg_b2,
           node_w1, node_b1, node_w2, node_b2, edge_w1, edge_b1,
           edge_w2, edge_b2, coord_w1, coord_b1, coord_w2,
           node_ln_g, node_ln_b, edge_ln_g, edge_ln_b):
    src = edge_index[0]
    dst = edge_index[1]
    src_pad = jnp.concatenate([src, jnp.zeros((EP - E,), jnp.int32)])
    dst_pad = jnp.concatenate([dst, jnp.zeros((EP - E,), jnp.int32)])
    src2g = src_pad.reshape(EP // GC, GC)
    dst2g = dst_pad.reshape(EP // GC, GC)
    dst2d = dst_pad.reshape(EP // CS, CS)
    e_pad = jnp.concatenate([e, jnp.zeros((EP - E, ED), jnp.float32)], axis=0)

    w1a = msg_w1[:ND]
    w1b = msg_w1[ND:2 * ND]
    w1d = msg_w1[2 * ND:2 * ND + 1]
    w1e = msg_w1[2 * ND + 1:]

    a_tab, b_tab = _k1(h, x, w1a, w1b)

    pre = _sc_gather(a_tab, b_tab, src2g, dst2g)

    enew, s0_e, s1_e = _k2(
        pre, e_pad, w1d, w1e, msg_b1.reshape(1, HD), msg_w2,
        msg_b2.reshape(1, HD), edge_w1[:ED], edge_w1[ED:],
        edge_b1.reshape(1, HD), edge_w2, edge_b2.reshape(1, ED),
        edge_ln_g.reshape(1, ED), edge_ln_b.reshape(1, ED))

    s0_n, s1_n = _sc_scatter(s0_e, s1_e, dst2d)

    h_new, x_new = _k3(
        h, x, s0_n, s1_n, node_w1[:ND], node_w1[ND:ND + SW],
        node_w1[ND + SW:2 * ND], node_b1.reshape(1, HD),
        node_w2, node_b2.reshape(1, ND), node_ln_g.reshape(1, ND),
        node_ln_b.reshape(1, ND))
    return (h_new, x_new, enew[:E])

# --- scband reference (transcript-rebuilt; emitter-appended) ---
"""Pipeline reference for scband-egnnlayer-86380382257164 (READ-ONLY COPY).

The authoritative reference and input builder live on the scoring server;
editing this copy changes nothing except your own understanding.
"""

import jax, jax.numpy as jnp
import numpy as np

N = 10000
E = 160000
ND = 256
ED = 16
HD = 256


def setup_inputs(seed: int = 0):
    key = jax.random.key(seed)
    ks = jax.random.split(key, 24)

    def w(k, shape, s=0.05):
        return jax.random.normal(k, shape, dtype=jnp.float32) * s

    inp = {}
    inp["h"] = jax.random.normal(ks[0], (N, ND), dtype=jnp.float32)
    inp["x"] = jax.random.normal(ks[1], (N, 3), dtype=jnp.float32)
    inp["e"] = jax.random.normal(ks[2], (E, ED), dtype=jnp.float32)
    inp["edge_index"] = jax.random.randint(ks[3], (2, E), 0, N, dtype=jnp.int32)
    inp["msg_w1"] = w(ks[4], (2 * ND + 1 + ED, HD)); inp["msg_b1"] = jnp.zeros((HD,), jnp.float32)
    inp["msg_w2"] = w(ks[5], (HD, HD)); inp["msg_b2"] = jnp.zeros((HD,), jnp.float32)
    inp["node_w1"] = w(ks[6], (ND + HD, HD)); inp["node_b1"] = jnp.zeros((HD,), jnp.float32)
    inp["node_w2"] = w(ks[7], (HD, ND)); inp["node_b2"] = jnp.zeros((ND,), jnp.float32)
    inp["edge_w1"] = w(ks[8], (ED + HD, HD)); inp["edge_b1"] = jnp.zeros((HD,), jnp.float32)
    inp["edge_w2"] = w(ks[9], (HD, ED)); inp["edge_b2"] = jnp.zeros((ED,), jnp.float32)
    inp["coord_w1"] = w(ks[10], (HD, HD // 2)); inp["coord_b1"] = jnp.zeros((HD // 2,), jnp.float32)
    inp["coord_w2"] = jnp.zeros((HD // 2, 1), jnp.float32)
    inp["node_ln_g"] = jnp.ones((ND,), jnp.float32); inp["node_ln_b"] = jnp.zeros((ND,), jnp.float32)
    inp["edge_ln_g"] = jnp.ones((ED,), jnp.float32); inp["edge_ln_b"] = jnp.zeros((ED,), jnp.float32)
    return inp


def _layernorm(v, g, b):
    m = jnp.mean(v, axis=-1, keepdims=True)
    var = jnp.var(v, axis=-1, keepdims=True)
    return (v - m) / jnp.sqrt(var + 1e-5) * g + b


def reference(h, x, e, edge_index, msg_w1, msg_b1, msg_w2, msg_b2, node_w1, node_b1, node_w2, node_b2, edge_w1, edge_b1, edge_w2, edge_b2, coord_w1, coord_b1, coord_w2, node_ln_g, node_ln_b, edge_ln_g, edge_ln_b):
    src = edge_index[0]
    dst = edge_index[1]
    n_nodes = h.shape[0]
    rel_vec = x[dst] - x[src]
    dist = jnp.linalg.norm(rel_vec, axis=-1, keepdims=True)
    msg_in = jnp.concatenate([h[src], h[dst], dist, e], axis=-1)
    msg = jax.nn.silu(jax.nn.silu(msg_in @ msg_w1 + msg_b1) @ msg_w2 + msg_b2)
    agg = jnp.zeros((n_nodes, msg.shape[-1]), dtype=h.dtype).at[dst].add(msg)
    nh = jax.nn.silu(jnp.concatenate([h, agg], axis=-1) @ node_w1 + node_b1) @ node_w2 + node_b2
    h_new = _layernorm(h + nh, node_ln_g, node_ln_b)
    eh = jax.nn.silu(jnp.concatenate([e, msg], axis=-1) @ edge_w1 + edge_b1) @ edge_w2 + edge_b2
    e_new = _layernorm(e + eh, edge_ln_g, edge_ln_b)
    coord_w = jnp.tanh(jax.nn.silu(msg @ coord_w1 + coord_b1) @ coord_w2)
    rel_dir = rel_vec / (dist + 1e-8)
    coord_delta = jnp.zeros_like(x).at[dst].add(coord_w * rel_dir)
    x_new = x + 0.1 * coord_delta
    return (h_new, x_new, e_new)

if __name__ == "__main__":
    import jax
    _d = setup_inputs()
    print(jax.jit(kernel)(*tuple(_d.values())))

</pallas_src>

<mosaic_0001>
#map = affine_map<(d0, d1) -> (0, 0)>
module attributes {stable_mosaic.version = 14 : i64} {
  func.func @_sc_gather_body(%arg0: i32, %arg1: i32, %arg2: memref<10000x384xf32, #tpu.memory_space<hbm>>, %arg3: memref<10000x384xf32, #tpu.memory_space<hbm>>, %arg4: memref<2560x64xi32, #tpu.memory_space<hbm>>, %arg5: memref<2560x64xi32, #tpu.memory_space<hbm>>, %arg6: memref<163840x384xf32, #tpu.memory_space<hbm>>, %arg7: memref<80x64xi32, #tpu.memory_space<vmem>>, %arg8: memref<80x64xi32, #tpu.memory_space<vmem>>, %arg9: memref<64x384xf32, #tpu.memory_space<vmem>>, %arg10: memref<64x384xf32, #tpu.memory_space<vmem>>, %arg11: memref<64x384xf32, #tpu.memory_space<vmem>>, %arg12: memref<64x384xf32, #tpu.memory_space<vmem>>, %arg13: memref<!tpu.dma_semaphore, #tpu.memory_space<semaphore_mem>>, %arg14: memref<!tpu.dma_semaphore, #tpu.memory_space<semaphore_mem>>) attributes {dimension_semantics = [#tpu.dimension_semantics<core_parallel>, #tpu.dimension_semantics<subcore_parallel>], iteration_bounds = array<i64: 2, 16>, scalar_prefetch = 0 : i64, scratch_operands = 8 : i64, tpu.core_type = #tpu.core_type<sc_vector_subcore>, window_params = [{transform_indices = #map}, {transform_indices = #map}, {transform_indices = #map}, {transform_indices = #map}, {transform_indices = #map}]} {
    %mul3A = arith.constant 2 : i32
    %mul3A_0 = arith.muli %arg1, %mul3A : i32
    %add3A = arith.addi %mul3A_0, %arg0 : i32
    %mul3A_1 = arith.constant 80 : i32
    %mul3A_2 = arith.muli %add3A, %mul3A_1 : i32
    "tpu.region"() ({
      %run_scoped3A = tpu.sem_alloc : memref<!tpu.dma_semaphore, #tpu.memory_space<semaphore_mem>>
      %dma_start3A_37 = arith.constant 0 : i32
      %dma_start3A_38 = tpu.memref_slice %arg4[%mul3A_2, %dma_start3A_37] : memref<2560x64xi32, #tpu.memory_space<hbm>> -> memref<80x64xi32, #tpu.memory_space<hbm>>
      %dma_start3A_39 = arith.constant 0 : i32
      %dma_start3A_40 = tpu.memref_slice %arg4[%mul3A_2, %dma_start3A_39] : memref<2560x64xi32, #tpu.memory_space<hbm>> -> memref<80x64xi32, #tpu.memory_space<hbm>>
      tpu.enqueue_dma source(%dma_start3A_40 : memref<80x64xi32, #tpu.memory_space<hbm>>) target(%arg7 : memref<80x64xi32, #tpu.memory_space<vmem>>) target_semaphore(%run_scoped3A : memref<!tpu.dma_semaphore, #tpu.memory_space<semaphore_mem>>)
      %dma_wait3A = arith.constant 0 : i32
      %dma_wait3A_41 = tpu.memref_slice %arg4[%mul3A_2, %dma_wait3A] : memref<2560x64xi32, #tpu.memory_space<hbm>> -> memref<80x64xi32, #tpu.memory_space<hbm>>
      %dma_wait3A_42 = arith.constant 0 : i32
      %dma_wait3A_43 = tpu.memref_slice %arg4[%mul3A_2, %dma_wait3A_42] : memref<2560x64xi32, #tpu.memory_space<hbm>> -> memref<80x64xi32, #tpu.memory_space<hbm>>
      tpu.wait_dma2 semaphore(%run_scoped3A : memref<!tpu.dma_semaphore, #tpu.memory_space<semaphore_mem>>) src(%dma_wait3A_43 : memref<80x64xi32, #tpu.memory_space<hbm>>) dst(%arg7 : memref<80x64xi32, #tpu.memory_space<vmem>>)
      tpu.yield
    }) : () -> ()
    %mul3A_3 = arith.constant 80 : i32
    %mul3A_4 = arith.muli %add3A, %mul3A_3 : i32
    "tpu.region"() ({
      %run_scoped3A = tpu.sem_alloc : memref<!tpu.dma_semaphore, #tpu.memory_space<semaphore_mem>>
      %dma_start3A_37 = arith.constant 0 : i32
      %dma_start3A_38 = tpu.memref_slice %arg5[%mul3A_4, %dma_start3A_37] : memref<2560x64xi32, #tpu.memory_space<hbm>> -> memref<80x64xi32, #tpu.memory_space<hbm>>
      %dma_start3A_39 = arith.constant 0 : i32
      %dma_start3A_40 = tpu.memref_slice %arg5[%mul3A_4, %dma_start3A_39] : memref<2560x64xi32, #tpu.memory_space<hbm>> -> memref<80x64xi32, #tpu.memory_space<hbm>>
      tpu.enqueue_dma source(%dma_start3A_40 : memref<80x64xi32, #tpu.memory_space<hbm>>) target(%arg8 : memref<80x64xi32, #tpu.memory_space<vmem>>) target_semaphore(%run_scoped3A : memref<!tpu.dma_semaphore, #tpu.memory_space<semaphore_mem>>)
      %dma_wait3A = arith.constant 0 : i32
      %dma_wait3A_41 = tpu.memref_slice %arg5[%mul3A_4, %dma_wait3A] : memref<2560x64xi32, #tpu.memory_space<hbm>> -> memref<80x64xi32, #tpu.memory_space<hbm>>
      %dma_wait3A_42 = arith.constant 0 : i32
      %dma_wait3A_43 = tpu.memref_slice %arg5[%mul3A_4, %dma_wait3A_42] : memref<2560x64xi32, #tpu.memory_space<hbm>> -> memref<80x64xi32, #tpu.memory_space<hbm>>
      tpu.wait_dma2 semaphore(%run_scoped3A : memref<!tpu.dma_semaphore, #tpu.memory_space<semaphore_mem>>) src(%dma_wait3A_43 : memref<80x64xi32, #tpu.memory_space<hbm>>) dst(%arg8 : memref<80x64xi32, #tpu.memory_space<vmem>>)
      tpu.yield
    }) : () -> ()
    %dma_start3A = arith.constant 0 : i32
    %dma_start3A_5 = arith.constant 0 : i32
    %dma_start3A_6 = tpu.memref_slice %arg7[%dma_start3A, %dma_start3A_5] : memref<80x64xi32, #tpu.memory_space<vmem>> -> memref<1x64xi32, #tpu.memory_space<vmem>>
    %dma_start3A_7 = tpu.memref_squeeze %dma_start3A_6 : memref<1x64xi32, #tpu.memory_space<vmem>> -> memref<64xi32, #tpu.memory_space<vmem>>
    %dma_start3A_8 = arith.constant 0 : i32
    %dma_start3A_9 = arith.constant 0 : i32
    %dma_start3A_10 = tpu.memref_slice %arg2[%dma_start3A_8, %dma_start3A_9] : memref<10000x384xf32, #tpu.memory_space<hbm>> -> memref<10000x384xf32, #tpu.memory_space<hbm>>
    tpu.enqueue_indirect_dma source(%dma_start3A_10 : memref<10000x384xf32, #tpu.memory_space<hbm>>) target(%arg9 : memref<64x384xf32, #tpu.memory_space<vmem>>) offsets(%dma_start3A_7 : memref<64xi32, #tpu.memory_space<vmem>>) semaphore(%arg13 : memref<!tpu.dma_semaphore, #tpu.memory_space<semaphore_mem>>)
    %dma_start3A_11 = arith.constant 0 : i32
    %dma_start3A_12 = arith.constant 0 : i32
    %dma_start3A_13 = tpu.memref_slice %arg8[%dma_start3A_11, %dma_start3A_12] : memref<80x64xi32, #tpu.memory_space<vmem>> -> memref<1x64xi32, #tpu.memory_space<vmem>>
    %dma_start3A_14 = tpu.memref_squeeze %dma_start3A_13 : memref<1x64xi32, #tpu.memory_space<vmem>> -> memref<64xi32, #tpu.memory_space<vmem>>
    %dma_start3A_15 = arith.constant 0 : i32
    %dma_start3A_16 = arith.constant 0 : i32
    %dma_start3A_17 = tpu.memref_slice %arg3[%dma_start3A_15, %dma_start3A_16] : memref<10000x384xf32, #tpu.memory_space<hbm>> -> memref<10000x384xf32, #tpu.memory_space<hbm>>
    tpu.enqueue_indirect_dma source(%dma_start3A_17 : memref<10000x384xf32, #tpu.memory_space<hbm>>) target(%arg10 : memref<64x384xf32, #tpu.memory_space<vmem>>) offsets(%dma_start3A_14 : memref<64xi32, #tpu.memory_space<vmem>>) semaphore(%arg13 : memref<!tpu.dma_semaphore, #tpu.memory_space<semaphore_mem>>)
    %dma_start3A_18 = arith.constant 1 : i32
    %dma_start3A_19 = arith.constant 0 : i32
    %dma_start3A_20 = tpu.memref_slice %arg7[%dma_start3A_18, %dma_start3A_19] : memref<80x64xi32, #tpu.memory_space<vmem>> -> memref<1x64xi32, #tpu.memory_space<vmem>>
    %dma_start3A_21 = tpu.memref_squeeze %dma_start3A_20 : memref<1x64xi32, #tpu.memory_space<vmem>> -> memref<64xi32, #tpu.memory_space<vmem>>
    %dma_start3A_22 = arith.constant 0 : i32
    %dma_start3A_23 = arith.constant 0 : i32
    %dma_start3A_24 = tpu.memref_slice %arg2[%dma_start3A_22, %dma_start3A_23] : memref<10000x384xf32, #tpu.memory_space<hbm>> -> memref<10000x384xf32, #tpu.memory_space<hbm>>
    tpu.enqueue_indirect_dma source(%dma_start3A_24 : memref<10000x384xf32, #tpu.memory_space<hbm>>) target(%arg11 : memref<64x384xf32, #tpu.memory_space<vmem>>) offsets(%dma_start3A_21 : memref<64xi32, #tpu.memory_space<vmem>>) semaphore(%arg14 : memref<!tpu.dma_semaphore, #tpu.memory_space<semaphore_mem>>)
    %dma_start3A_25 = arith.constant 1 : i32
    %dma_start3A_26 = arith.constant 0 : i32
    %dma_start3A_27 = tpu.memref_slice %arg8[%dma_start3A_25, %dma_start3A_26] : memref<80x64xi32, #tpu.memory_space<vmem>> -> memref<1x64xi32, #tpu.memory_space<vmem>>
    %dma_start3A_28 = tpu.memref_squeeze %dma_start3A_27 : memref<1x64xi32, #tpu.memory_space<vmem>> -> memref<64xi32, #tpu.memory_space<vmem>>
    %dma_start3A_29 = arith.constant 0 : i32
    %dma_start3A_30 = arith.constant 0 : i32
    %dma_start3A_31 = tpu.memref_slice %arg3[%dma_start3A_29, %dma_start3A_30] : memref<10000x384xf32, #tpu.memory_space<hbm>> -> memref<10000x384xf32, #tpu.memory_space<hbm>>
    tpu.enqueue_indirect_dma source(%dma_start3A_31 : memref<10000x384xf32, #tpu.memory_space<hbm>>) target(%arg12 : memref<64x384xf32, #tpu.memory_space<vmem>>) offsets(%dma_start3A_28 : memref<64xi32, #tpu.memory_space<vmem>>) semaphore(%arg14 : memref<!tpu.dma_semaphore, #tpu.memory_space<semaphore_mem>>)
    %scan3A = arith.constant 0 : i32
    %scan3A_32 = arith.constant 0 : i32
    %scan3A_33 = arith.constant 40 : i32
    %scan3A_34 = arith.addi %scan3A_32, %scan3A_33 : i32
    %scan3A_35 = arith.constant 1 : i32
    scf.for %scan3A_37 = %scan3A_32 to %scan3A_34 step %scan3A_35  : i32 {
      %mul3A_38 = arith.constant 2 : i32
      %mul3A_39 = arith.muli %mul3A_38, %scan3A_37 : i32
      %add3A_40 = arith.constant 0 : i32
      %add3A_41 = arith.addi %mul3A_39, %add3A_40 : i32
      %dma_wait3A = arith.constant 0 : i32
      %dma_wait3A_42 = arith.constant 0 : i32
      %dma_wait3A_43 = tpu.memref_slice %arg2[%dma_wait3A, %dma_wait3A_42] : memref<10000x384xf32, #tpu.memory_space<hbm>> -> memref<64x384xf32, #tpu.memory_space<hbm>>
      %dma_wait3A_44 = arith.constant 0 : i32
      %dma_wait3A_45 = arith.constant 0 : i32
      %dma_wait3A_46 = tpu.memref_slice %arg2[%dma_wait3A_44, %dma_wait3A_45] : memref<10000x384xf32, #tpu.memory_space<hbm>> -> memref<64x384xf32, #tpu.memory_space<hbm>>
      tpu.wait_dma2 semaphore(%arg13 : memref<!tpu.dma_semaphore, #tpu.memory_space<semaphore_mem>>) src(%dma_wait3A_46 : memref<64x384xf32, #tpu.memory_space<hbm>>) dst(%arg9 : memref<64x384xf32, #tpu.memory_space<vmem>>)
      %dma_wait3A_47 = arith.constant 0 : i32
      %dma_wait3A_48 = arith.constant 0 : i32
      %dma_wait3A_49 = tpu.memref_slice %arg3[%dma_wait3A_47, %dma_wait3A_48] : memref<10000x384xf32, #tpu.memory_space<hbm>> -> memref<64x384xf32, #tpu.memory_space<hbm>>
      %dma_wait3A_50 = arith.constant 0 : i32
      %dma_wait3A_51 = arith.constant 0 : i32
      %dma_wait3A_52 = tpu.memref_slice %arg3[%dma_wait3A_50, %dma_wait3A_51] : memref<10000x384xf32, #tpu.memory_space<hbm>> -> memref<64x384xf32, #tpu.memory_space<hbm>>
      tpu.wait_dma2 semaphore(%arg13 : memref<!tpu.dma_semaphore, #tpu.memory_space<semaphore_mem>>) src(%dma_wait3A_52 : memref<64x384xf32, #tpu.memory_space<hbm>>) dst(%arg10 : memref<64x384xf32, #tpu.memory_space<vmem>>)
      %scan3A_53 = arith.constant 0 : i32
      %scan3A_54 = arith.constant 0 : i32
      %scan3A_55 = arith.constant 64 : i32
      %scan3A_56 = arith.addi %scan3A_54, %scan3A_55 : i32
      %scan3A_57 = arith.constant 1 : i32
      scf.for %scan3A_102 = %scan3A_54 to %scan3A_56 step %scan3A_57  : i32 {
        %get3A = arith.index_cast %scan3A_102 : i32 to index
        %get3A_103 = arith.constant 0 : index
        %get3A_104 = tpu.vector_load %arg10[%get3A, %get3A_103] {strides = array<i32>} : memref<64x384xf32, #tpu.memory_space<vmem>>, vector<1x16xf32>,
        %get3A_105 = vector.shape_cast %get3A_104 : vector<1x16xf32> to vector<16xf32>
        %swap3A = arith.index_cast %scan3A_102 : i32 to index
        %swap3A_106 = arith.constant 0 : index
        %swap3A_107 = tpu.vector_load %arg9[%swap3A, %swap3A_106] {strides = array<i32>} : memref<64x384xf32, #tpu.memory_space<vmem>>, vector<1x16xf32>,
        %swap3A_108 = vector.shape_cast %swap3A_107 : vector<1x16xf32> to vector<16xf32>
        %swap3A_109 = vector.shape_cast %get3A_105 : vector<16xf32> to vector<1x16xf32>
        tpu.vector_store %arg9[%swap3A, %swap3A_106], %swap3A_109 {add = true, strides = array<i32>} : memref<64x384xf32, #tpu.memory_space<vmem>>, vector<1x16xf32>,
        %get3A_110 = arith.index_cast %scan3A_102 : i32 to index
        %get3A_111 = arith.constant 16 : index
        %get3A_112 = tpu.vector_load %arg10[%get3A_110, %get3A_111] {strides = array<i32>} : memref<64x384xf32, #tpu.memory_space<vmem>>, vector<1x16xf32>,
        %get3A_113 = vector.shape_cast %get3A_112 : vector<1x16xf32> to vector<16xf32>
        %swap3A_114 = arith.index_cast %scan3A_102 : i32 to index
        %swap3A_115 = arith.constant 16 : index
        %swap3A_116 = tpu.vector_load %arg9[%swap3A_114, %swap3A_115] {strides = array<i32>} : memref<64x384xf32, #tpu.memory_space<vmem>>, vector<1x16xf32>,
        %swap3A_117 = vector.shape_cast %swap3A_116 : vector<1x16xf32> to vector<16xf32>
        %swap3A_118 = vector.shape_cast %get3A_113 : vector<16xf32> to vector<1x16xf32>
        tpu.vector_store %arg9[%swap3A_114, %swap3A_115], %swap3A_118 {add = true, strides = array<i32>} : memref<64x384xf32, #tpu.memory_space<vmem>>, vector<1x16xf32>,
        %get3A_119 = arith.index_cast %scan3A_102 : i32 to index
        %get3A_120 = arith.constant 32 : index
        %get3A_121 = tpu.vector_load %arg10[%get3A_119, %get3A_120] {strides = array<i32>} : memref<64x384xf32, #tpu.memory_space<vmem>>, vector<1x16xf32>,
        %get3A_122 = vector.shape_cast %get3A_121 : vector<1x16xf32> to vector<16xf32>
        %swap3A_123 = arith.index_cast %scan3A_102 : i32 to index
        %swap3A_124 = arith.constant 32 : index
        %swap3A_125 = tpu.vector_load %arg9[%swap3A_123, %swap3A_124] {strides = array<i32>} : memref<64x384xf32, #tpu.memory_space<vmem>>, vector<1x16xf32>,
        %swap3A_126 = vector.shape_cast %swap3A_125 : vector<1x16xf32> to vector<16xf32>
        %swap3A_127 = vector.shape_cast %get3A_122 : vector<16xf32> to vector<1x16xf32>
        tpu.vector_store %arg9[%swap3A_123, %swap3A_124], %swap3A_127 {add = true, strides = array<i32>} : memref<64x384xf32, #tpu.memory_space<vmem>>, vector<1x16xf32>,
        %get3A_128 = arith.index_cast %scan3A_102 : i32 to index
        %get3A_129 = arith.constant 48 : index
        %get3A_130 = tpu.vector_load %arg10[%get3A_128, %get3A_129] {strides = array<i32>} : memref<64x384xf32, #tpu.memory_space<vmem>>, vector<1x16xf32>,
        %get3A_131 = vector.shape_cast %get3A_130 : vector<1x16xf32> to vector<16xf32>
        %swap3A_132 = arith.index_cast %scan3A_102 : i32 to index
        %swap3A_133 = arith.constant 48 : index
        %swap3A_134 = tpu.vector_load %arg9[%swap3A_132, %swap3A_133] {strides = array<i32>} : memref<64x384xf32, #tpu.memory_space<vmem>>, vector<1x16xf32>,
        %swap3A_135 = vector.shape_cast %swap3A_134 : vector<1x16xf32> to vector<16xf32>
        %swap3A_136 = vector.shape_cast %get3A_131 : vector<16xf32> to vector<1x16xf32>
        tpu.vector_store %arg9[%swap3A_132, %swap3A_133], %swap3A_136 {add = true, strides = array<i32>} : memref<64x384xf32, #tpu.memory_space<vmem>>, vector<1x16xf32>,
        %get3A_137 = arith.index_cast %scan3A_102 : i32 to index
        %get3A_138 = arith.constant 64 : index
        %get3A_139 = tpu.vector_load %arg10[%get3A_137, %get3A_138] {strides = array<i32>} : memref<64x384xf32, #tpu.memory_space<vmem>>, vector<1x16xf32>,
        %get3A_140 = vector.shape_cast %get3A_139 : vector<1x16xf32> to vector<16xf32>
        %swap3A_141 = arith.index_cast %scan3A_102 : i32 to index
        %swap3A_142 = arith.constant 64 : index
        %swap3A_143 = tpu.vector_load %arg9[%swap3A_141, %swap3A_142] {strides = array<i32>} : memref<64x384xf32, #tpu.memory_space<vmem>>, vector<1x16xf32>,
        %swap3A_144 = vector.shape_cast %swap3A_143 : vector<1x16xf32> to vector<16xf32>
        %swap3A_145 = vector.shape_cast %get3A_140 : vector<16xf32> to vector<1x16xf32>
        tpu.vector_store %arg9[%swap3A_141, %swap3A_142], %swap3A_145 {add = true, strides = array<i32>} : memref<64x384xf32, #tpu.memory_space<vmem>>, vector<1x16xf32>,
        %get3A_146 = arith.index_cast %scan3A_102 : i32 to index
        %get3A_147 = arith.constant 80 : index
        %get3A_148 = tpu.vector_load %arg10[%get3A_146, %get3A_147] {strides = array<i32>} : memref<64x384xf32, #tpu.memory_space<vmem>>, vector<1x16xf32>,
        %get3A_149 = vector.shape_cast %get3A_148 : vector<1x16xf32> to vector<16xf32>
        %swap3A_150 = arith.index_cast %scan3A_102 : i32 to index
        %swap3A_151 = arith.constant 80 : index
        %swap3A_152 = tpu.vector_load %arg9[%swap3A_150, %swap3A_151] {strides = array<i32>} : memref<64x384xf32, #tpu.memory_space<vmem>>, vector<1x16xf32>,
        %swap3A_153 = vector.shape_cast %swap3A_152 : vector<1x16xf32> to vector<16xf32>
        %swap3A_154 = vector.shape_cast %get3A_149 : vector<16xf32> to vector<1x16xf32>
        tpu.vector_store %arg9[%swap3A_150, %swap3A_151], %swap3A_154 {add = true, strides = array<i32>} : memref<64x384xf32, #tpu.memory_space<vmem>>, vector<1x16xf32>,
        %get3A_155 = arith.index_cast %scan3A_102 : i32 to index
        %get3A_156 = arith.constant 96 : index
        %get3A_157 = tpu.vector_load %arg10[%get3A_155, %get3A_156] {strides = array<i32>} : memref<64x384xf32, #tpu.memory_space<vmem>>, vector<1x16xf32>,
        %get3A_158 = vector.shape_cast %get3A_157 : vector<1x16xf32> to vector<16xf32>
        %swap3A_159 = arith.index_cast %scan3A_102 : i32 to index
        %swap3A_160 = arith.constant 96 : index
        %swap3A_161 = tpu.vector_load %arg9[%swap3A_159, %swap3A_160] {strides = array<i32>} : memref<64x384xf32, #tpu.memory_space<vmem>>, vector<1x16xf32>,
        %swap3A_162 = vector.shape_cast %swap3A_161 : vector<1x16xf32> to vector<16xf32>
        %swap3A_163 = vector.shape_cast %get3A_158 : vector<16xf32> to vector<1x16xf32>
        tpu.vector_store %arg9[%swap3A_159, %swap3A_160], %swap3A_163 {add = true, strides = array<i32>} : memref<64x384xf32, #tpu.memory_space<vmem>>, vector<1x16xf32>,
        %get3A_164 = arith.index_cast %scan3A_102 : i32 to index
        %get3A_165 = arith.constant 112 : index
        %get3A_166 = tpu.vector_load %arg10[%get3A_164, %get3A_165] {strides = array<i32>} : memref<64x384xf32, #tpu.memory_space<vmem>>, vector<1x16xf32>,
        %get3A_167 = vector.shape_cast %get3A_166 : vector<1x16xf32> to vector<16xf32>
        %swap3A_168 = arith.index_cast %scan3A_102 : i32 to index
        %swap3A_169 = arith.constant 112 : index
        %swap3A_170 = tpu.vector_load %arg9[%swap3A_168, %swap3A_169] {strides = array<i32>} : memref<64x384xf32, #tpu.memory_space<vmem>>, vector<1x16xf32>,
        %swap3A_171 = vector.shape_cast %swap3A_170 : vector<1x16xf32> to vector<16xf32>
        %swap3A_172 = vector.shape_cast %get3A_167 : vector<16xf32> to vector<1x16xf32>
        tpu.vector_store %arg9[%swap3A_168, %swap3A_169], %swap3A_172 {add = true, strides = array<i32>} : memref<64x384xf32, #tpu.memory_space<vmem>>, vector<1x16xf32>,
        %get3A_173 = arith.index_cast %scan3A_102 : i32 to index
        %get3A_174 = arith.constant 128 : index
        %get3A_175 = tpu.vector_load %arg10[%get3A_173, %get3A_174] {strides = array<i32>} : memref<64x384xf32, #tpu.memory_space<vmem>>, vector<1x16xf32>,
        %get3A_176 = vector.shape_cast %get3A_175 : vector<1x16xf32> to vector<16xf32>
        %swap3A_177 = arith.index_cast %scan3A_102 : i32 to index
        %swap3A_178 = arith.constant 128 : index
        %swap3A_179 = tpu.vector_load %arg9[%swap3A_177, %swap3A_178] {strides = array<i32>} : memref<64x384xf32, #tpu.memory_space<vmem>>, vector<1x16xf32>,
        %swap3A_180 = vector.shape_cast %swap3A_179 : vector<1x16xf32> to vector<16xf32>
        %swap3A_181 = vector.shape_cast %get3A_176 : vector<16xf32> to vector<1x16xf32>
        tpu.vector_store %arg9[%swap3A_177, %swap3A_178], %swap3A_181 {add = true, strides = array<i32>} : memref<64x384xf32, #tpu.memory_space<vmem>>, vector<1x16xf32>,
        %get3A_182 = arith.index_cast %scan3A_102 : i32 to index
        %get3A_183 = arith.constant 144 : index
        %get3A_184 = tpu.vector_load %arg10[%get3A_182, %get3A_183] {strides = array<i32>} : memref<64x384xf32, #tpu.memory_space<vmem>>, vector<1x16xf32>,
        %get3A_185 = vector.shape_cast %get3A_184 : vector<1x16xf32> to vector<16xf32>
        %swap3A_186 = arith.index_cast %scan3A_102 : i32 to index
        %swap3A_187 = arith.constant 144 : index
        %swap3A_188 = tpu.vector_load %arg9[%swap3A_186, %swap3A_187] {strides = array<i32>} : memref<64x384xf32, #tpu.memory_space<vmem>>, vector<1x16xf32>,
        %swap3A_189 = vector.shape_cast %swap3A_188 : vector<1x16xf32> to vector<16xf32>
        %swap3A_190 = vector.shape_cast %get3A_185 : vector<16xf32> to vector<1x16xf32>
        tpu.vector_store %arg9[%swap3A_186, %swap3A_187], %swap3A_190 {add = true, strides = array<i32>} : memref<64x384xf32, #tpu.memory_space<vmem>>, vector<1x16xf32>,
        %get3A_191 = arith.index_cast %scan3A_102 : i32 to index
        %get3A_192 = arith.constant 160 : index
        %get3A_193 = tpu.vector_load %arg10[%get3A_191, %get3A_192] {strides = array<i32>} : memref<64x384xf32, #tpu.memory_space<vmem>>, vector<1x16xf32>,
        %get3A_194 = vector.shape_cast %get3A_193 : vector<1x16xf32> to vector<16xf32>
        %swap3A_195 = arith.index_cast %scan3A_102 : i32 to index
        %swap3A_196 = arith.constant 160 : index
        %swap3A_197 = tpu.vector_load %arg9[%swap3A_195, %swap3A_196] {strides = array<i32>} : memref<64x384xf32, #tpu.memory_space<vmem>>, vector<1x16xf32>,
        %swap3A_198 = vector.shape_cast %swap3A_197 : vector<1x16xf32> to vector<16xf32>
        %swap3A_199 = vector.shape_cast %get3A_194 : vector<16xf32> to vector<1x16xf32>
        tpu.vector_store %arg9[%swap3A_195, %swap3A_196], %swap3A_199 {add = true, strides = array<i32>} : memref<64x384xf32, #tpu.memory_space<vmem>>, vector<1x16xf32>,
        %get3A_200 = arith.index_cast %scan3A_102 : i32 to index
        %get3A_201 = arith.constant 176 : index
        %get3A_202 = tpu.vector_load %arg10[%get3A_200, %get3A_201] {strides = array<i32>} : memref<64x384xf32, #tpu.memory_space<vmem>>, vector<1x16xf32>,
        %get3A_203 = vector.shape_cast %get3A_202 : vector<1x16xf32> to vector<16xf32>
        %swap3A_204 = arith.index_cast %scan3A_102 : i32 to index
        %swap3A_205 = arith.constant 176 : index
        %swap3A_206 = tpu.vector_load %arg9[%swap3A_204, %swap3A_205] {strides = array<i32>} : memref<64x384xf32, #tpu.memory_space<vmem>>, vector<1x16xf32>,
        %swap3A_207 = vector.shape_cast %swap3A_206 : vector<1x16xf32> to vector<16xf32>
        %swap3A_208 = vector.shape_cast %get3A_203 : vector<16xf32> to vector<1x16xf32>
        tpu.vector_store %arg9[%swap3A_204, %swap3A_205], %swap3A_208 {add = true, strides = array<i32>} : memref<64x384xf32, #tpu.memory_space<vmem>>, vector<1x16xf32>,
        %get3A_209 = arith.index_cast %scan3A_102 : i32 to index
        %get3A_210 = arith.constant 192 : index
        %get3A_211 = tpu.vector_load %arg10[%get3A_209, %get3A_210] {strides = array<i32>} : memref<64x384xf32, #tpu.memory_space<vmem>>, vector<1x16xf32>,
        %get3A_212 = vector.shape_cast %get3A_211 : vector<1x16xf32> to vector<16xf32>
        %swap3A_213 = arith.index_cast %scan3A_102 : i32 to index
        %swap3A_214 = arith.constant 192 : index
        %swap3A_215 = tpu.vector_load %arg9[%swap3A_213, %swap3A_214] {strides = array<i32>} : memref<64x384xf32, #tpu.memory_space<vmem>>, vector<1x16xf32>,
        %swap3A_216 = vector.shape_cast %swap3A_215 : vector<1x16xf32> to vector<16xf32>
        %swap3A_217 = vector.shape_cast %get3A_212 : vector<16xf32> to vector<1x16xf32>
        tpu.vector_store %arg9[%swap3A_213, %swap3A_214], %swap3A_217 {add = true, strides = array<i32>} : memref<64x384xf32, #tpu.memory_space<vmem>>, vector<1x16xf32>,
        %get3A_218 = arith.index_cast %scan3A_102 : i32 to index
        %get3A_219 = arith.constant 208 : index
        %get3A_220 = tpu.vector_load %arg10[%get3A_218, %get3A_219] {strides = array<i32>} : memref<64x384xf32, #tpu.memory_space<vmem>>, vector<1x16xf32>,
        %get3A_221 = vector.shape_cast %get3A_220 : vector<1x16xf32> to vector<16xf32>
        %swap3A_222 = arith.index_cast %scan3A_102 : i32 to index
        %swap3A_223 = arith.constant 208 : index
        %swap3A_224 = tpu.vector_load %arg9[%swap3A_222, %swap3A_223] {strides = array<i32>} : memref<64x384xf32, #tpu.memory_space<vmem>>, vector<1x16xf32>,
        %swap3A_225 = vector.shape_cast %swap3A_224 : vector<1x16xf32> to vector<16xf32>
        %swap3A_226 = vector.shape_cast %get3A_221 : vector<16xf32> to vector<1x16xf32>
        tpu.vector_store %arg9[%swap3A_222, %swap3A_223], %swap3A_226 {add = true, strides = array<i32>} : memref<64x384xf32, #tpu.memory_space<vmem>>, vector<1x16xf32>,
        %get3A_227 = arith.index_cast %scan3A_102 : i32 to index
        %get3A_228 = arith.constant 224 : index
        %get3A_229 = tpu.vector_load %arg10[%get3A_227, %get3A_228] {strides = array<i32>} : memref<64x384xf32, #tpu.memory_space<vmem>>, vector<1x16xf32>,
        %get3A_230 = vector.shape_cast %get3A_229 : vector<1x16xf32> to vector<16xf32>
        %swap3A_231 = arith.index_cast %scan3A_102 : i32 to index
        %swap3A_232 = arith.constant 224 : index
        %swap3A_233 = tpu.vector_load %arg9[%swap3A_231, %swap3A_232] {strides = array<i32>} : memref<64x384xf32, #tpu.memory_space<vmem>>, vector<1x16xf32>,
        %swap3A_234 = vector.shape_cast %swap3A_233 : vector<1x16xf32> to vector<16xf32>
        %swap3A_235 = vector.shape_cast %get3A_230 : vector<16xf32> to vector<1x16xf32>
        tpu.vector_store %arg9[%swap3A_231, %swap3A_232], %swap3A_235 {add = true, strides = array<i32>} : memref<64x384xf32, #tpu.memory_space<vmem>>, vector<1x16xf32>,
        %get3A_236 = arith.index_cast %scan3A_102 : i32 to index
        %get3A_237 = arith.constant 240 : index
        %get3A_238 = tpu.vector_load %arg10[%get3A_236, %get3A_237] {strides = array<i32>} : memref<64x384xf32, #tpu.memory_space<vmem>>, vector<1x16xf32>,
        %get3A_239 = vector.shape_cast %get3A_238 : vector<1x16xf32> to vector<16xf32>
        %swap3A_240 = arith.index_cast %scan3A_102 : i32 to index
        %swap3A_241 = arith.constant 240 : index
        %swap3A_242 = tpu.vector_load %arg9[%swap3A_240, %swap3A_241] {strides = array<i32>} : memref<64x384xf32, #tpu.memory_space<vmem>>, vector<1x16xf32>,
        %swap3A_243 = vector.shape_cast %swap3A_242 : vector<1x16xf32> to vector<16xf32>
        %swap3A_244 = vector.shape_cast %get3A_239 : vector<16xf32> to vector<1x16xf32>
        tpu.vector_store %arg9[%swap3A_240, %swap3A_241], %swap3A_244 {add = true, strides = array<i32>} : memref<64x384xf32, #tpu.memory_space<vmem>>, vector<1x16xf32>,
        %get3A_245 = arith.index_cast %scan3A_102 : i32 to index
        %get3A_246 = arith.constant 256 : index
        %get3A_247 = tpu.vector_load %arg10[%get3A_245, %get3A_246] {strides = array<i32>} : memref<64x384xf32, #tpu.memory_space<vmem>>, vector<1x16xf32>,
        %get3A_248 = vector.shape_cast %get3A_247 : vector<1x16xf32> to vector<16xf32>
        %swap3A_249 = arith.index_cast %scan3A_102 : i32 to index
        %swap3A_250 = arith.constant 256 : index
        %swap3A_251 = tpu.vector_load %arg9[%swap3A_249, %swap3A_250] {strides = array<i32>} : memref<64x384xf32, #tpu.memory_space<vmem>>, vector<1x16xf32>,
        %swap3A_252 = vector.shape_cast %swap3A_251 : vector<1x16xf32> to vector<16xf32>
        %swap3A_253 = vector.shape_cast %get3A_248 : vector<16xf32> to vector<1x16xf32>
        tpu.vector_store %arg9[%swap3A_249, %swap3A_250], %swap3A_253 {add = true, strides = array<i32>} : memref<64x384xf32, #tpu.memory_space<vmem>>, vector<1x16xf32>,
      }
      %scan3A_58 = arith.constant 64 : i32
      %mul3A_59 = arith.constant 5120 : i32
      %mul3A_60 = arith.muli %add3A, %mul3A_59 : i32
      %mul3A_61 = arith.constant 64 : i32
      %mul3A_62 = arith.muli %add3A_41, %mul3A_61 : i32
      %add3A_63 = arith.addi %mul3A_60, %mul3A_62 : i32
      "tpu.region"() ({
        %run_scoped3A = tpu.sem_alloc : memref<!tpu.dma_semaphore, #tpu.memory_space<semaphore_mem>>
        %dma_start3A_102 = arith.constant 0 : i32
        %dma_start3A_103 = tpu.memref_slice %arg6[%add3A_63, %dma_start3A_102] : memref<163840x384xf32, #tpu.memory_space<hbm>> -> memref<64x384xf32, #tpu.memory_space<hbm>>
        %dma_start3A_104 = arith.constant 0 : i32
        %dma_start3A_105 = tpu.memref_slice %arg6[%add3A_63, %dma_start3A_104] : memref<163840x384xf32, #tpu.memory_space<hbm>> -> memref<64x384xf32, #tpu.memory_space<hbm>>
        tpu.enqueue_dma source(%arg9 : memref<64x384xf32, #tpu.memory_space<vmem>>) target(%dma_start3A_105 : memref<64x384xf32, #tpu.memory_space<hbm>>) target_semaphore(%run_scoped3A : memref<!tpu.dma_semaphore, #tpu.memory_space<semaphore_mem>>)
        %dma_wait3A_106 = arith.constant 0 : i32
        %dma_wait3A_107 = tpu.memref_slice %arg6[%add3A_63, %dma_wait3A_106] : memref<163840x384xf32, #tpu.memory_space<hbm>> -> memref<64x384xf32, #tpu.memory_space<hbm>>
        %dma_wait3A_108 = arith.constant 0 : i32
        %dma_wait3A_109 = tpu.memref_slice %arg6[%add3A_63, %dma_wait3A_108] : memref<163840x384xf32, #tpu.memory_space<hbm>> -> memref<64x384xf32, #tpu.memory_space<hbm>>
        tpu.wait_dma2 semaphore(%run_scoped3A : memref<!tpu.dma_semaphore, #tpu.memory_space<semaphore_mem>>) src(%arg9 : memref<64x384xf32, #tpu.memory_space<vmem>>) dst(%dma_wait3A_109 : memref<64x384xf32, #tpu.memory_space<hbm>>)
        tpu.yield
      }) : () -> ()
      %add3A_64 = arith.constant 2 : i32
      %add3A_65 = arith.addi %add3A_41, %add3A_64 : i32
      %lt3A = arith.constant 80 : i32
      %lt3A_66 = arith.cmpi slt, %add3A_65, %lt3A : i32
      %convert_element_type3A = arith.extui %lt3A_66 : i1 to i32
      %cond3A = arith.constant 0 : i32
      %cond3A_67 = arith.cmpi ne, %convert_element_type3A, %cond3A : i32
      scf.if %cond3A_67 {
        %add3A_102 = arith.constant 2 : i32
        %add3A_103 = arith.addi %add3A_41, %add3A_102 : i32
        %dma_start3A_104 = arith.constant 0 : i32
        %dma_start3A_105 = tpu.memref_slice %arg7[%add3A_103, %dma_start3A_104] : memref<80x64xi32, #tpu.memory_space<vmem>> -> memref<1x64xi32, #tpu.memory_space<vmem>>
        %dma_start3A_106 = tpu.memref_squeeze %dma_start3A_105 : memref<1x64xi32, #tpu.memory_space<vmem>> -> memref<64xi32, #tpu.memory_space<vmem>>
        %dma_start3A_107 = arith.constant 0 : i32
        %dma_start3A_108 = arith.constant 0 : i32
        %dma_start3A_109 = tpu.memref_slice %arg2[%dma_start3A_107, %dma_start3A_108] : memref<10000x384xf32, #tpu.memory_space<hbm>> -> memref<10000x384xf32, #tpu.memory_space<hbm>>
        tpu.enqueue_indirect_dma source(%dma_start3A_109 : memref<10000x384xf32, #tpu.memory_space<hbm>>) target(%arg9 : memref<64x384xf32, #tpu.memory_space<vmem>>) offsets(%dma_start3A_106 : memref<64xi32, #tpu.memory_space<vmem>>) semaphore(%arg13 : memref<!tpu.dma_semaphore, #tpu.memory_space<semaphore_mem>>)
        %add3A_110 = arith.constant 2 : i32
        %add3A_111 = arith.addi %add3A_41, %add3A_110 : i32
        %dma_start3A_112 = arith.constant 0 : i32
        %dma_start3A_113 = tpu.memref_slice %arg8[%add3A_111, %dma_start3A_112] : memref<80x64xi32, #tpu.memory_space<vmem>> -> memref<1x64xi32, #tpu.memory_space<vmem>>
        %dma_start3A_114 = tpu.memref_squeeze %dma_start3A_113 : memref<1x64xi32, #tpu.memory_space<vmem>> -> memref<64xi32, #tpu.memory_space<vmem>>
        %dma_start3A_115 = arith.constant 0 : i32
        %dma_start3A_116 = arith.constant 0 : i32
        %dma_start3A_117 = tpu.memref_slice %arg3[%dma_start3A_115, %dma_start3A_116] : memref<10000x384xf32, #tpu.memory_space<hbm>> -> memref<10000x384xf32, #tpu.memory_space<hbm>>
        tpu.enqueue_indirect_dma source(%dma_start3A_117 : memref<10000x384xf32, #tpu.memory_space<hbm>>) target(%arg10 : memref<64x384xf32, #tpu.memory_space<vmem>>) offsets(%dma_start3A_114 : memref<64xi32, #tpu.memory_space<vmem>>) semaphore(%arg13 : memref<!tpu.dma_semaphore, #tpu.memory_space<semaphore_mem>>)
      } else {
      }
      %mul3A_68 = arith.constant 2 : i32
      %mul3A_69 = arith.muli %mul3A_68, %scan3A_37 : i32
      %add3A_70 = arith.constant 1 : i32
      %add3A_71 = arith.addi %mul3A_69, %add3A_70 : i32
      %dma_wait3A_72 = arith.constant 0 : i32
      %dma_wait3A_73 = arith.constant 0 : i32
      %dma_wait3A_74 = tpu.memref_slice %arg2[%dma_wait3A_72, %dma_wait3A_73] : memref<10000x384xf32, #tpu.memory_space<hbm>> -> memref<64x384xf32, #tpu.memory_space<hbm>>
      %dma_wait3A_75 = arith.constant 0 : i32
      %dma_wait3A_76 = arith.constant 0 : i32
      %dma_wait3A_77 = tpu.memref_slice %arg2[%dma_wait3A_75, %dma_wait3A_76] : memref<10000x384xf32, #tpu.memory_space<hbm>> -> memref<64x384xf32, #tpu.memory_space<hbm>>
      tpu.wait_dma2 semaphore(%arg14 : memref<!tpu.dma_semaphore, #tpu.memory_space<semaphore_mem>>) src(%dma_wait3A_77 : memref<64x384xf32, #tpu.memory_space<hbm>>) dst(%arg11 : memref<64x384xf32, #tpu.memory_space<vmem>>)
      %dma_wait3A_78 = arith.constant 0 : i32
      %dma_wait3A_79 = arith.constant 0 : i32
      %dma_wait3A_80 = tpu.memref_slice %arg3[%dma_wait3A_78, %dma_wait3A_79] : memref<10000x384xf32, #tpu.memory_space<hbm>> -> memref<64x384xf32, #tpu.memory_space<hbm>>
      %dma_wait3A_81 = arith.constant 0 : i32
      %dma_wait3A_82 = arith.constant 0 : i32
      %dma_wait3A_83 = tpu.memref_slice %arg3[%dma_wait3A_81, %dma_wait3A_82] : memref<10000x384xf32, #tpu.memory_space<hbm>> -> memref<64x384xf32, #tpu.memory_space<hbm>>
      tpu.wait_dma2 semaphore(%arg14 : memref<!tpu.dma_semaphore, #tpu.memory_space<semaphore_mem>>) src(%dma_wait3A_83 : memref<64x384xf32, #tpu.memory_space<hbm>>) dst(%arg12 : memref<64x384xf32, #tpu.memory_space<vmem>>)
      %scan3A_84 = arith.constant 0 : i32
      %scan3A_85 = arith.constant 0 : i32
      %scan3A_86 = arith.constant 64 : i32
      %scan3A_87 = arith.addi %scan3A_85, %scan3A_86 : i32
      %scan3A_88 = arith.constant 1 : i32
      scf.for %scan3A_102 = %scan3A_85 to %scan3A_87 step %scan3A_88  : i32 {
        %get3A = arith.index_cast %scan3A_102 : i32 to index
        %get3A_103 = arith.constant 0 : index
        %get3A_104 = tpu.vector_load %arg12[%get3A, %get3A_103] {strides = array<i32>} : memref<64x384xf32, #tpu.memory_space<vmem>>, vector<1x16xf32>,
        %get3A_105 = vector.shape_cast %get3A_104 : vector<1x16xf32> to vector<16xf32>
        %swap3A = arith.index_cast %scan3A_102 : i32 to index
        %swap3A_106 = arith.constant 0 : index
        %swap3A_107 = tpu.vector_load %arg11[%swap3A, %swap3A_106] {strides = array<i32>} : memref<64x384xf32, #tpu.memory_space<vmem>>, vector<1x16xf32>,
        %swap3A_108 = vector.shape_cast %swap3A_107 : vector<1x16xf32> to vector<16xf32>
        %swap3A_109 = vector.shape_cast %get3A_105 : vector<16xf32> to vector<1x16xf32>
        tpu.vector_store %arg11[%swap3A, %swap3A_106], %swap3A_109 {add = true, strides = array<i32>} : memref<64x384xf32, #tpu.memory_space<vmem>>, vector<1x16xf32>,
        %get3A_110 = arith.index_cast %scan3A_102 : i32 to index
        %get3A_111 = arith.constant 16 : index
        %get3A_112 = tpu.vector_load %arg12[%get3A_110, %get3A_111] {strides = array<i32>} : memref<64x384xf32, #tpu.memory_space<vmem>>, vector<1x16xf32>,
        %get3A_113 = vector.shape_cast %get3A_112 : vector<1x16xf32> to vector<16xf32>
        %swap3A_114 = arith.index_cast %scan3A_102 : i32 to index
        %swap3A_115 = arith.constant 16 : index
        %swap3A_116 = tpu.vector_load %arg11[%swap3A_114, %swap3A_115] {strides = array<i32>} : memref<64x384xf32, #tpu.memory_space<vmem>>, vector<1x16xf32>,
        %swap3A_117 = vector.shape_cast %swap3A_116 : vector<1x16xf32> to vector<16xf32>
        %swap3A_118 = vector.shape_cast %get3A_113 : vector<16xf32> to vector<1x16xf32>
        tpu.vector_store %arg11[%swap3A_114, %swap3A_115], %swap3A_118 {add = true, strides = array<i32>} : memref<64x384xf32, #tpu.memory_space<vmem>>, vector<1x16xf32>,
        %get3A_119 = arith.index_cast %scan3A_102 : i32 to index
        %get3A_120 = arith.constant 32 : index
        %get3A_121 = tpu.vector_load %arg12[%get3A_119, %get3A_120] {strides = array<i32>} : memref<64x384xf32, #tpu.memory_space<vmem>>, vector<1x16xf32>,
        %get3A_122 = vector.shape_cast %get3A_121 : vector<1x16xf32> to vector<16xf32>
        %swap3A_123 = arith.index_cast %scan3A_102 : i32 to index
        %swap3A_124 = arith.constant 32 : index
        %swap3A_125 = tpu.vector_load %arg11[%swap3A_123, %swap3A_124] {strides = array<i32>} : memref<64x384xf32, #tpu.memory_space<vmem>>, vector<1x16xf32>,
        %swap3A_126 = vector.shape_cast %swap3A_125 : vector<1x16xf32> to vector<16xf32>
        %swap3A_127 = vector.shape_cast %get3A_122 : vector<16xf32> to vector<1x16xf32>
        tpu.vector_store %arg11[%swap3A_123, %swap3A_124], %swap3A_127 {add = true, strides = array<i32>} : memref<64x384xf32, #tpu.memory_space<vmem>>, vector<1x16xf32>,
        %get3A_128 = arith.index_cast %scan3A_102 : i32 to index
        %get3A_129 = arith.constant 48 : index
        %get3A_130 = tpu.vector_load %arg12[%get3A_128, %get3A_129] {strides = array<i32>} : memref<64x384xf32, #tpu.memory_space<vmem>>, vector<1x16xf32>,
        %get3A_131 = vector.shape_cast %get3A_130 : vector<1x16xf32> to vector<16xf32>
        %swap3A_132 = arith.index_cast %scan3A_102 : i32 to index
        %swap3A_133 = arith.constant 48 : index
        %swap3A_134 = tpu.vector_load %arg11[%swap3A_132, %swap3A_133] {strides = array<i32>} : memref<64x384xf32, #tpu.memory_space<vmem>>, vector<1x16xf32>,
        %swap3A_135 = vector.shape_cast %swap3A_134 : vector<1x16xf32> to vector<16xf32>
        %swap3A_136 = vector.shape_cast %get3A_131 : vector<16xf32> to vector<1x16xf32>
        tpu.vector_store %arg11[%swap3A_132, %swap3A_133], %swap3A_136 {add = true, strides = array<i32>} : memref<64x384xf32, #tpu.memory_space<vmem>>, vector<1x16xf32>,
        %get3A_137 = arith.index_cast %scan3A_102 : i32 to index
        %get3A_138 = arith.constant 64 : index
        %get3A_139 = tpu.vector_load %arg12[%get3A_137, %get3A_138] {strides = array<i32>} : memref<64x384xf32, #tpu.memory_space<vmem>>, vector<1x16xf32>,
        %get3A_140 = vector.shape_cast %get3A_139 : vector<1x16xf32> to vector<16xf32>
        %swap3A_141 = arith.index_cast %scan3A_102 : i32 to index
        %swap3A_142 = arith.constant 64 : index
        %swap3A_143 = tpu.vector_load %arg11[%swap3A_141, %swap3A_142] {strides = array<i32>} : memref<64x384xf32, #tpu.memory_space<vmem>>, vector<1x16xf32>,
        %swap3A_144 = vector.shape_cast %swap3A_143 : vector<1x16xf32> to vector<16xf32>
        %swap3A_145 = vector.shape_cast %get3A_140 : vector<16xf32> to vector<1x16xf32>
        tpu.vector_store %arg11[%swap3A_141, %swap3A_142], %swap3A_145 {add = true, strides = array<i32>} : memref<64x384xf32, #tpu.memory_space<vmem>>, vector<1x16xf32>,
        %get3A_146 = arith.index_cast %scan3A_102 : i32 to index
        %get3A_147 = arith.constant 80 : index
        %get3A_148 = tpu.vector_load %arg12[%get3A_146, %get3A_147] {strides = array<i32>} : memref<64x384xf32, #tpu.memory_space<vmem>>, vector<1x16xf32>,
        %get3A_149 = vector.shape_cast %get3A_148 : vector<1x16xf32> to vector<16xf32>
        %swap3A_150 = arith.index_cast %scan3A_102 : i32 to index
        %swap3A_151 = arith.constant 80 : index
        %swap3A_152 = tpu.vector_load %arg11[%swap3A_150, %swap3A_151] {strides = array<i32>} : memref<64x384xf32, #tpu.memory_space<vmem>>, vector<1x16xf32>,
        %swap3A_153 = vector.shape_cast %swap3A_152 : vector<1x16xf32> to vector<16xf32>
        %swap3A_154 = vector.shape_cast %get3A_149 : vector<16xf32> to vector<1x16xf32>
        tpu.vector_store %arg11[%swap3A_150, %swap3A_151], %swap3A_154 {add = true, strides = array<i32>} : memref<64x384xf32, #tpu.memory_space<vmem>>, vector<1x16xf32>,
        %get3A_155 = arith.index_cast %scan3A_102 : i32 to index
        %get3A_156 = arith.constant 96 : index
        %get3A_157 = tpu.vector_load %arg12[%get3A_155, %get3A_156] {strides = array<i32>} : memref<64x384xf32, #tpu.memory_space<vmem>>, vector<1x16xf32>,
        %get3A_158 = vector.shape_cast %get3A_157 : vector<1x16xf32> to vector<16xf32>
        %swap3A_159 = arith.index_cast %scan3A_102 : i32 to index
        %swap3A_160 = arith.constant 96 : index
        %swap3A_161 = tpu.vector_load %arg11[%swap3A_159, %swap3A_160] {strides = array<i32>} : memref<64x384xf32, #tpu.memory_space<vmem>>, vector<1x16xf32>,
        %swap3A_162 = vector.shape_cast %swap3A_161 : vector<1x16xf32> to vector<16xf32>
        %swap3A_163 = vector.shape_cast %get3A_158 : vector<16xf32> to vector<1x16xf32>
        tpu.vector_store %arg11[%swap3A_159, %swap3A_160], %swap3A_163 {add = true, strides = array<i32>} : memref<64x384xf32, #tpu.memory_space<vmem>>, vector<1x16xf32>,
        %get3A_164 = arith.index_cast %scan3A_102 : i32 to index
        %get3A_165 = arith.constant 112 : index
        %get3A_166 = tpu.vector_load %arg12[%get3A_164, %get3A_165] {strides = array<i32>} : memref<64x384xf32, #tpu.memory_space<vmem>>, vector<1x16xf32>,
        %get3A_167 = vector.shape_cast %get3A_166 : vector<1x16xf32> to vector<16xf32>
        %swap3A_168 = arith.index_cast %scan3A_102 : i32 to index
        %swap3A_169 = arith.constant 112 : index
        %swap3A_170 = tpu.vector_load %arg11[%swap3A_168, %swap3A_169] {strides = array<i32>} : memref<64x384xf32, #tpu.memory_space<vmem>>, vector<1x16xf32>,
        %swap3A_171 = vector.shape_cast %swap3A_170 : vector<1x16xf32> to vector<16xf32>
        %swap3A_172 = vector.shape_cast %get3A_167 : vector<16xf32> to vector<1x16xf32>
        tpu.vector_store %arg11[%swap3A_168, %swap3A_169], %swap3A_172 {add = true, strides = array<i32>} : memref<64x384xf32, #tpu.memory_space<vmem>>, vector<1x16xf32>,
        %get3A_173 = arith.index_cast %scan3A_102 : i32 to index
        %get3A_174 = arith.constant 128 : index
        %get3A_175 = tpu.vector_load %arg12[%get3A_173, %get3A_174] {strides = array<i32>} : memref<64x384xf32, #tpu.memory_space<vmem>>, vector<1x16xf32>,
        %get3A_176 = vector.shape_cast %get3A_175 : vector<1x16xf32> to vector<16xf32>
        %swap3A_177 = arith.index_cast %scan3A_102 : i32 to index
        %swap3A_178 = arith.constant 128 : index
        %swap3A_179 = tpu.vector_load %arg11[%swap3A_177, %swap3A_178] {strides = array<i32>} : memref<64x384xf32, #tpu.memory_space<vmem>>, vector<1x16xf32>,
        %swap3A_180 = vector.shape_cast %swap3A_179 : vector<1x16xf32> to vector<16xf32>
        %swap3A_181 = vector.shape_cast %get3A_176 : vector<16xf32> to vector<1x16xf32>
        tpu.vector_store %arg11[%swap3A_177, %swap3A_178], %swap3A_181 {add = true, strides = array<i32>} : memref<64x384xf32, #tpu.memory_space<vmem>>, vector<1x16xf32>,
        %get3A_182 = arith.index_cast %scan3A_102 : i32 to index
        %get3A_183 = arith.constant 144 : index
        %get3A_184 = tpu.vector_load %arg12[%get3A_182, %get3A_183] {strides = array<i32>} : memref<64x384xf32, #tpu.memory_space<vmem>>, vector<1x16xf32>,
        %get3A_185 = vector.shape_cast %get3A_184 : vector<1x16xf32> to vector<16xf32>
        %swap3A_186 = arith.index_cast %scan3A_102 : i32 to index
        %swap3A_187 = arith.constant 144 : index
        %swap3A_188 = tpu.vector_load %arg11[%swap3A_186, %swap3A_187] {strides = array<i32>} : memref<64x384xf32, #tpu.memory_space<vmem>>, vector<1x16xf32>,
        %swap3A_189 = vector.shape_cast %swap3A_188 : vector<1x16xf32> to vector<16xf32>
        %swap3A_190 = vector.shape_cast %get3A_185 : vector<16xf32> to vector<1x16xf32>
        tpu.vector_store %arg11[%swap3A_186, %swap3A_187], %swap3A_190 {add = true, strides = array<i32>} : memref<64x384xf32, #tpu.memory_space<vmem>>, vector<1x16xf32>,
        %get3A_191 = arith.index_cast %scan3A_102 : i32 to index
        %get3A_192 = arith.constant 160 : index
        %get3A_193 = tpu.vector_load %arg12[%get3A_191, %get3A_192] {strides = array<i32>} : memref<64x384xf32, #tpu.memory_space<vmem>>, vector<1x16xf32>,
        %get3A_194 = vector.shape_cast %get3A_193 : vector<1x16xf32> to vector<16xf32>
        %swap3A_195 = arith.index_cast %scan3A_102 : i32 to index
        %swap3A_196 = arith.constant 160 : index
        %swap3A_197 = tpu.vector_load %arg11[%swap3A_195, %swap3A_196] {strides = array<i32>} : memref<64x384xf32, #tpu.memory_space<vmem>>, vector<1x16xf32>,
        %swap3A_198 = vector.shape_cast %swap3A_197 : vector<1x16xf32> to vector<16xf32>
        %swap3A_199 = vector.shape_cast %get3A_194 : vector<16xf32> to vector<1x16xf32>
        tpu.vector_store %arg11[%swap3A_195, %swap3A_196], %swap3A_199 {add = true, strides = array<i32>} : memref<64x384xf32, #tpu.memory_space<vmem>>, vector<1x16xf32>,
        %get3A_200 = arith.index_cast %scan3A_102 : i32 to index
        %get3A_201 = arith.constant 176 : index
        %get3A_202 = tpu.vector_load %arg12[%get3A_200, %get3A_201] {strides = array<i32>} : memref<64x384xf32, #tpu.memory_space<vmem>>, vector<1x16xf32>,
        %get3A_203 = vector.shape_cast %get3A_202 : vector<1x16xf32> to vector<16xf32>
        %swap3A_204 = arith.index_cast %scan3A_102 : i32 to index
        %swap3A_205 = arith.constant 176 : index
        %swap3A_206 = tpu.vector_load %arg11[%swap3A_204, %swap3A_205] {strides = array<i32>} : memref<64x384xf32, #tpu.memory_space<vmem>>, vector<1x16xf32>,
        %swap3A_207 = vector.shape_cast %swap3A_206 : vector<1x16xf32> to vector<16xf32>
        %swap3A_208 = vector.shape_cast %get3A_203 : vector<16xf32> to vector<1x16xf32>
        tpu.vector_store %arg11[%swap3A_204, %swap3A_205], %swap3A_208 {add = true, strides = array<i32>} : memref<64x384xf32, #tpu.memory_space<vmem>>, vector<1x16xf32>,
        %get3A_209 = arith.index_cast %scan3A_102 : i32 to index
        %get3A_210 = arith.constant 192 : index
        %get3A_211 = tpu.vector_load %arg12[%get3A_209, %get3A_210] {strides = array<i32>} : memref<64x384xf32, #tpu.memory_space<vmem>>, vector<1x16xf32>,
        %get3A_212 = vector.shape_cast %get3A_211 : vector<1x16xf32> to vector<16xf32>
        %swap3A_213 = arith.index_cast %scan3A_102 : i32 to index
        %swap3A_214 = arith.constant 192 : index
        %swap3A_215 = tpu.vector_load %arg11[%swap3A_213, %swap3A_214] {strides = array<i32>} : memref<64x384xf32, #tpu.memory_space<vmem>>, vector<1x16xf32>,
        %swap3A_216 = vector.shape_cast %swap3A_215 : vector<1x16xf32> to vector<16xf32>
        %swap3A_217 = vector.shape_cast %get3A_212 : vector<16xf32> to vector<1x16xf32>
        tpu.vector_store %arg11[%swap3A_213, %swap3A_214], %swap3A_217 {add = true, strides = array<i32>} : memref<64x384xf32, #tpu.memory_space<vmem>>, vector<1x16xf32>,
        %get3A_218 = arith.index_cast %scan3A_102 : i32 to index
        %get3A_219 = arith.constant 208 : index
        %get3A_220 = tpu.vector_load %arg12[%get3A_218, %get3A_219] {strides = array<i32>} : memref<64x384xf32, #tpu.memory_space<vmem>>, vector<1x16xf32>,
        %get3A_221 = vector.shape_cast %get3A_220 : vector<1x16xf32> to vector<16xf32>
        %swap3A_222 = arith.index_cast %scan3A_102 : i32 to index
        %swap3A_223 = arith.constant 208 : index
        %swap3A_224 = tpu.vector_load %arg11[%swap3A_222, %swap3A_223] {strides = array<i32>} : memref<64x384xf32, #tpu.memory_space<vmem>>, vector<1x16xf32>,
        %swap3A_225 = vector.shape_cast %swap3A_224 : vector<1x16xf32> to vector<16xf32>
        %swap3A_226 = vector.shape_cast %get3A_221 : vector<16xf32> to vector<1x16xf32>
        tpu.vector_store %arg11[%swap3A_222, %swap3A_223], %swap3A_226 {add = true, strides = array<i32>} : memref<64x384xf32, #tpu.memory_space<vmem>>, vector<1x16xf32>,
        %get3A_227 = arith.index_cast %scan3A_102 : i32 to index
        %get3A_228 = arith.constant 224 : index
        %get3A_229 = tpu.vector_load %arg12[%get3A_227, %get3A_228] {strides = array<i32>} : memref<64x384xf32, #tpu.memory_space<vmem>>, vector<1x16xf32>,
        %get3A_230 = vector.shape_cast %get3A_229 : vector<1x16xf32> to vector<16xf32>
        %swap3A_231 = arith.index_cast %scan3A_102 : i32 to index
        %swap3A_232 = arith.constant 224 : index
        %swap3A_233 = tpu.vector_load %arg11[%swap3A_231, %swap3A_232] {strides = array<i32>} : memref<64x384xf32, #tpu.memory_space<vmem>>, vector<1x16xf32>,
        %swap3A_234 = vector.shape_cast %swap3A_233 : vector<1x16xf32> to vector<16xf32>
        %swap3A_235 = vector.shape_cast %get3A_230 : vector<16xf32> to vector<1x16xf32>
        tpu.vector_store %arg11[%swap3A_231, %swap3A_232], %swap3A_235 {add = true, strides = array<i32>} : memref<64x384xf32, #tpu.memory_space<vmem>>, vector<1x16xf32>,
        %get3A_236 = arith.index_cast %scan3A_102 : i32 to index
        %get3A_237 = arith.constant 240 : index
        %get3A_238 = tpu.vector_load %arg12[%get3A_236, %get3A_237] {strides = array<i32>} : memref<64x384xf32, #tpu.memory_space<vmem>>, vector<1x16xf32>,
        %get3A_239 = vector.shape_cast %get3A_238 : vector<1x16xf32> to vector<16xf32>
        %swap3A_240 = arith.index_cast %scan3A_102 : i32 to index
        %swap3A_241 = arith.constant 240 : index
        %swap3A_242 = tpu.vector_load %arg11[%swap3A_240, %swap3A_241] {strides = array<i32>} : memref<64x384xf32, #tpu.memory_space<vmem>>, vector<1x16xf32>,
        %swap3A_243 = vector.shape_cast %swap3A_242 : vector<1x16xf32> to vector<16xf32>
        %swap3A_244 = vector.shape_cast %get3A_239 : vector<16xf32> to vector<1x16xf32>
        tpu.vector_store %arg11[%swap3A_240, %swap3A_241], %swap3A_244 {add = true, strides = array<i32>} : memref<64x384xf32, #tpu.memory_space<vmem>>, vector<1x16xf32>,
        %get3A_245 = arith.index_cast %scan3A_102 : i32 to index
        %get3A_246 = arith.constant 256 : index
        %get3A_247 = tpu.vector_load %arg12[%get3A_245, %get3A_246] {strides = array<i32>} : memref<64x384xf32, #tpu.memory_space<vmem>>, vector<1x16xf32>,
        %get3A_248 = vector.shape_cast %get3A_247 : vector<1x16xf32> to vector<16xf32>
        %swap3A_249 = arith.index_cast %scan3A_102 : i32 to index
        %swap3A_250 = arith.constant 256 : index
        %swap3A_251 = tpu.vector_load %arg11[%swap3A_249, %swap3A_250] {strides = array<i32>} : memref<64x384xf32, #tpu.memory_space<vmem>>, vector<1x16xf32>,
        %swap3A_252 = vector.shape_cast %swap3A_251 : vector<1x16xf32> to vector<16xf32>
        %swap3A_253 = vector.shape_cast %get3A_248 : vector<16xf32> to vector<1x16xf32>
        tpu.vector_store %arg11[%swap3A_249, %swap3A_250], %swap3A_253 {add = true, strides = array<i32>} : memref<64x384xf32, #tpu.memory_space<vmem>>, vector<1x16xf32>,
      }
      %scan3A_89 = arith.constant 64 : i32
      %mul3A_90 = arith.constant 5120 : i32
      %mul3A_91 = arith.muli %add3A, %mul3A_90 : i32
      %mul3A_92 = arith.constant 64 : i32
      %mul3A_93 = arith.muli %add3A_71, %mul3A_92 : i32
      %add3A_94 = arith.addi %mul3A_91, %mul3A_93 : i32
      "tpu.region"() ({
        %run_scoped3A = tpu.sem_alloc : memref<!tpu.dma_semaphore, #tpu.memory_space<semaphore_mem>>
        %dma_start3A_102 = arith.constant 0 : i32
        %dma_start3A_103 = tpu.memref_slice %arg6[%add3A_94, %dma_start3A_102] : memref<163840x384xf32, #tpu.memory_space<hbm>> -> memref<64x384xf32, #tpu.memory_space<hbm>>
        %dma_start3A_104 = arith.constant 0 : i32
        %dma_start3A_105 = tpu.memref_slice %arg6[%add3A_94, %dma_start3A_104] : memref<163840x384xf32, #tpu.memory_space<hbm>> -> memref<64x384xf32, #tpu.memory_space<hbm>>
        tpu.enqueue_dma source(%arg11 : memref<64x384xf32, #tpu.memory_space<vmem>>) target(%dma_start3A_105 : memref<64x384xf32, #tpu.memory_space<hbm>>) target_semaphore(%run_scoped3A : memref<!tpu.dma_semaphore, #tpu.memory_space<semaphore_mem>>)
        %dma_wait3A_106 = arith.constant 0 : i32
        %dma_wait3A_107 = tpu.memref_slice %arg6[%add3A_94, %dma_wait3A_106] : memref<163840x384xf32, #tpu.memory_space<hbm>> -> memref<64x384xf32, #tpu.memory_space<hbm>>
        %dma_wait3A_108 = arith.constant 0 : i32
        %dma_wait3A_109 = tpu.memref_slice %arg6[%add3A_94, %dma_wait3A_108] : memref<163840x384xf32, #tpu.memory_space<hbm>> -> memref<64x384xf32, #tpu.memory_space<hbm>>
        tpu.wait_dma2 semaphore(%run_scoped3A : memref<!tpu.dma_semaphore, #tpu.memory_space<semaphore_mem>>) src(%arg11 : memref<64x384xf32, #tpu.memory_space<vmem>>) dst(%dma_wait3A_109 : memref<64x384xf32, #tpu.memory_space<hbm>>)
        tpu.yield
      }) : () -> ()
      %add3A_95 = arith.constant 2 : i32
      %add3A_96 = arith.addi %add3A_71, %add3A_95 : i32
      %lt3A_97 = arith.constant 80 : i32
      %lt3A_98 = arith.cmpi slt, %add3A_96, %lt3A_97 : i32
      %convert_element_type3A_99 = arith.extui %lt3A_98 : i1 to i32
      %cond3A_100 = arith.constant 0 : i32
      %cond3A_101 = arith.cmpi ne, %convert_element_type3A_99, %cond3A_100 : i32
      scf.if %cond3A_101 {
        %add3A_102 = arith.constant 2 : i32
        %add3A_103 = arith.addi %add3A_71, %add3A_102 : i32
        %dma_start3A_104 = arith.constant 0 : i32
        %dma_start3A_105 = tpu.memref_slice %arg7[%add3A_103, %dma_start3A_104] : memref<80x64xi32, #tpu.memory_space<vmem>> -> memref<1x64xi32, #tpu.memory_space<vmem>>
        %dma_start3A_106 = tpu.memref_squeeze %dma_start3A_105 : memref<1x64xi32, #tpu.memory_space<vmem>> -> memref<64xi32, #tpu.memory_space<vmem>>
        %dma_start3A_107 = arith.constant 0 : i32
        %dma_start3A_108 = arith.constant 0 : i32
        %dma_start3A_109 = tpu.memref_slice %arg2[%dma_start3A_107, %dma_start3A_108] : memref<10000x384xf32, #tpu.memory_space<hbm>> -> memref<10000x384xf32, #tpu.memory_space<hbm>>
        tpu.enqueue_indirect_dma source(%dma_start3A_109 : memref<10000x384xf32, #tpu.memory_space<hbm>>) target(%arg11 : memref<64x384xf32, #tpu.memory_space<vmem>>) offsets(%dma_start3A_106 : memref<64xi32, #tpu.memory_space<vmem>>) semaphore(%arg14 : memref<!tpu.dma_semaphore, #tpu.memory_space<semaphore_mem>>)
        %add3A_110 = arith.constant 2 : i32
        %add3A_111 = arith.addi %add3A_71, %add3A_110 : i32
        %dma_start3A_112 = arith.constant 0 : i32
        %dma_start3A_113 = tpu.memref_slice %arg8[%add3A_111, %dma_start3A_112] : memref<80x64xi32, #tpu.memory_space<vmem>> -> memref<1x64xi32, #tpu.memory_space<vmem>>
        %dma_start3A_114 = tpu.memref_squeeze %dma_start3A_113 : memref<1x64xi32, #tpu.memory_space<vmem>> -> memref<64xi32, #tpu.memory_space<vmem>>
        %dma_start3A_115 = arith.constant 0 : i32
        %dma_start3A_116 = arith.constant 0 : i32
        %dma_start3A_117 = tpu.memref_slice %arg3[%dma_start3A_115, %dma_start3A_116] : memref<10000x384xf32, #tpu.memory_space<hbm>> -> memref<10000x384xf32, #tpu.memory_space<hbm>>
        tpu.enqueue_indirect_dma source(%dma_start3A_117 : memref<10000x384xf32, #tpu.memory_space<hbm>>) target(%arg12 : memref<64x384xf32, #tpu.memory_space<vmem>>) offsets(%dma_start3A_114 : memref<64xi32, #tpu.memory_space<vmem>>) semaphore(%arg14 : memref<!tpu.dma_semaphore, #tpu.memory_space<semaphore_mem>>)
      } else {
      }
    }
    %scan3A_36 = arith.constant 40 : i32
    return
  }
}

#map = affine_map<(d0, d1) -> (0, 0)>
module attributes {stable_mosaic.version = 14 : i64} {
  func.func @_sc_scatter_body(%arg0: i32, %arg1: i32, %arg2: memref<163840x128xf32, #tpu.memory_space<hbm>>, %arg3: memref<163840x128xf32, #tpu.memory_space<hbm>>, %arg4: memref<1280x128xi32, #tpu.memory_space<hbm>>, %arg5: memref<10240x128xf32, #tpu.memory_space<hbm>>, %arg6: memref<10240x128xf32, #tpu.memory_space<hbm>>, %arg7: memref<80x128xi32, #tpu.memory_space<vmem>>, %arg8: memref<128x128xf32, #tpu.memory_space<vmem>>, %arg9: memref<128x128xf32, #tpu.memory_space<vmem>>, %arg10: memref<10240x128xf32, #tpu.memory_space<vmem_shared>>, %arg11: memref<!tpu.dma_semaphore, #tpu.memory_space<semaphore_mem>>, %arg12: memref<!tpu.dma_semaphore, #tpu.memory_space<semaphore_mem>>) attributes {dimension_semantics = [#tpu.dimension_semantics<core_parallel>, #tpu.dimension_semantics<subcore_parallel>], iteration_bounds = array<i64: 2, 16>, scalar_prefetch = 0 : i64, scratch_operands = 6 : i64, tpu.core_type = #tpu.core_type<sc_vector_subcore>, window_params = [{transform_indices = #map}, {transform_indices = #map}, {transform_indices = #map}, {transform_indices = #map}, {transform_indices = #map}]} {
    %mul3A = arith.constant 80 : i32
    %mul3A_0 = arith.muli %arg1, %mul3A : i32
    "tpu.region"() ({
      %run_scoped3A = tpu.sem_alloc : memref<!tpu.dma_semaphore, #tpu.memory_space<semaphore_mem>>
      %dma_start3A = arith.constant 0 : i32
      %dma_start3A_30 = tpu.memref_slice %arg4[%mul3A_0, %dma_start3A] : memref<1280x128xi32, #tpu.memory_space<hbm>> -> memref<80x128xi32, #tpu.memory_space<hbm>>
      %dma_start3A_31 = arith.constant 0 : i32
      %dma_start3A_32 = tpu.memref_slice %arg4[%mul3A_0, %dma_start3A_31] : memref<1280x128xi32, #tpu.memory_space<hbm>> -> memref<80x128xi32, #tpu.memory_space<hbm>>
      tpu.enqueue_dma source(%dma_start3A_32 : memref<80x128xi32, #tpu.memory_space<hbm>>) target(%arg7 : memref<80x128xi32, #tpu.memory_space<vmem>>) target_semaphore(%run_scoped3A : memref<!tpu.dma_semaphore, #tpu.memory_space<semaphore_mem>>)
      %dma_wait3A = arith.constant 0 : i32
      %dma_wait3A_33 = tpu.memref_slice %arg4[%mul3A_0, %dma_wait3A] : memref<1280x128xi32, #tpu.memory_space<hbm>> -> memref<80x128xi32, #tpu.memory_space<hbm>>
      %dma_wait3A_34 = arith.constant 0 : i32
      %dma_wait3A_35 = tpu.memref_slice %arg4[%mul3A_0, %dma_wait3A_34] : memref<1280x128xi32, #tpu.memory_space<hbm>> -> memref<80x128xi32, #tpu.memory_space<hbm>>
      tpu.wait_dma2 semaphore(%run_scoped3A : memref<!tpu.dma_semaphore, #tpu.memory_space<semaphore_mem>>) src(%dma_wait3A_35 : memref<80x128xi32, #tpu.memory_space<hbm>>) dst(%arg7 : memref<80x128xi32, #tpu.memory_space<vmem>>)
      tpu.yield
    }) : () -> ()
    %scan3A = arith.constant 0 : i32
    %scan3A_1 = arith.constant 0 : i32
    %scan3A_2 = arith.constant 128 : i32
    %scan3A_3 = arith.addi %scan3A_1, %scan3A_2 : i32
    %scan3A_4 = arith.constant 1 : i32
    scf.for %scan3A_30 = %scan3A_1 to %scan3A_3 step %scan3A_4  : i32 {
      %broadcast_in_dim3A = arith.constant 0.000000e+00 : f32
      %broadcast_in_dim3A_31 = vector.broadcast %broadcast_in_dim3A : f32 to vector<16xf32>
      %swap3A = arith.index_cast %scan3A_30 : i32 to index
      %swap3A_32 = arith.constant 0 : index
      %swap3A_33 = tpu.vector_load %arg8[%swap3A, %swap3A_32] {strides = array<i32>} : memref<128x128xf32, #tpu.memory_space<vmem>>, vector<1x16xf32>,
      %swap3A_34 = vector.shape_cast %swap3A_33 : vector<1x16xf32> to vector<16xf32>
      %swap3A_35 = vector.shape_cast %broadcast_in_dim3A_31 : vector<16xf32> to vector<1x16xf32>
      tpu.vector_store %arg8[%swap3A, %swap3A_32], %swap3A_35 {strides = array<i32>} : memref<128x128xf32, #tpu.memory_space<vmem>>, vector<1x16xf32>,
      %broadcast_in_dim3A_36 = arith.constant 0.000000e+00 : f32
      %broadcast_in_dim3A_37 = vector.broadcast %broadcast_in_dim3A_36 : f32 to vector<16xf32>
      %swap3A_38 = arith.index_cast %scan3A_30 : i32 to index
      %swap3A_39 = arith.constant 16 : index
      %swap3A_40 = tpu.vector_load %arg8[%swap3A_38, %swap3A_39] {strides = array<i32>} : memref<128x128xf32, #tpu.memory_space<vmem>>, vector<1x16xf32>,
      %swap3A_41 = vector.shape_cast %swap3A_40 : vector<1x16xf32> to vector<16xf32>
      %swap3A_42 = vector.shape_cast %broadcast_in_dim3A_37 : vector<16xf32> to vector<1x16xf32>
      tpu.vector_store %arg8[%swap3A_38, %swap3A_39], %swap3A_42 {strides = array<i32>} : memref<128x128xf32, #tpu.memory_space<vmem>>, vector<1x16xf32>,
      %broadcast_in_dim3A_43 = arith.constant 0.000000e+00 : f32
      %broadcast_in_dim3A_44 = vector.broadcast %broadcast_in_dim3A_43 : f32 to vector<16xf32>
      %swap3A_45 = arith.index_cast %scan3A_30 : i32 to index
      %swap3A_46 = arith.constant 32 : index
      %swap3A_47 = tpu.vector_load %arg8[%swap3A_45, %swap3A_46] {strides = array<i32>} : memref<128x128xf32, #tpu.memory_space<vmem>>, vector<1x16xf32>,
      %swap3A_48 = vector.shape_cast %swap3A_47 : vector<1x16xf32> to vector<16xf32>
      %swap3A_49 = vector.shape_cast %broadcast_in_dim3A_44 : vector<16xf32> to vector<1x16xf32>
      tpu.vector_store %arg8[%swap3A_45, %swap3A_46], %swap3A_49 {strides = array<i32>} : memref<128x128xf32, #tpu.memory_space<vmem>>, vector<1x16xf32>,
      %broadcast_in_dim3A_50 = arith.constant 0.000000e+00 : f32
      %broadcast_in_dim3A_51 = vector.broadcast %broadcast_in_dim3A_50 : f32 to vector<16xf32>
      %swap3A_52 = arith.index_cast %scan3A_30 : i32 to index
      %swap3A_53 = arith.constant 48 : index
      %swap3A_54 = tpu.vector_load %arg8[%swap3A_52, %swap3A_53] {strides = array<i32>} : memref<128x128xf32, #tpu.memory_space<vmem>>, vector<1x16xf32>,
      %swap3A_55 = vector.shape_cast %swap3A_54 : vector<1x16xf32> to vector<16xf32>
      %swap3A_56 = vector.shape_cast %broadcast_in_dim3A_51 : vector<16xf32> to vector<1x16xf32>
      tpu.vector_store %arg8[%swap3A_52, %swap3A_53], %swap3A_56 {strides = array<i32>} : memref<128x128xf32, #tpu.memory_space<vmem>>, vector<1x16xf32>,
      %broadcast_in_dim3A_57 = arith.constant 0.000000e+00 : f32
      %broadcast_in_dim3A_58 = vector.broadcast %broadcast_in_dim3A_57 : f32 to vector<16xf32>
      %swap3A_59 = arith.index_cast %scan3A_30 : i32 to index
      %swap3A_60 = arith.constant 64 : index
      %swap3A_61 = tpu.vector_load %arg8[%swap3A_59, %swap3A_60] {strides = array<i32>} : memref<128x128xf32, #tpu.memory_space<vmem>>, vector<1x16xf32>,
      %swap3A_62 = vector.shape_cast %swap3A_61 : vector<1x16xf32> to vector<16xf32>
      %swap3A_63 = vector.shape_cast %broadcast_in_dim3A_58 : vector<16xf32> to vector<1x16xf32>
      tpu.vector_store %arg8[%swap3A_59, %swap3A_60], %swap3A_63 {strides = array<i32>} : memref<128x128xf32, #tpu.memory_space<vmem>>, vector<1x16xf32>,
      %broadcast_in_dim3A_64 = arith.constant 0.000000e+00 : f32
      %broadcast_in_dim3A_65 = vector.broadcast %broadcast_in_dim3A_64 : f32 to vector<16xf32>
      %swap3A_66 = arith.index_cast %scan3A_30 : i32 to index
      %swap3A_67 = arith.constant 80 : index
      %swap3A_68 = tpu.vector_load %arg8[%swap3A_66, %swap3A_67] {strides = array<i32>} : memref<128x128xf32, #tpu.memory_space<vmem>>, vector<1x16xf32>,
      %swap3A_69 = vector.shape_cast %swap3A_68 : vector<1x16xf32> to vector<16xf32>
      %swap3A_70 = vector.shape_cast %broadcast_in_dim3A_65 : vector<16xf32> to vector<1x16xf32>
      tpu.vector_store %arg8[%swap3A_66, %swap3A_67], %swap3A_70 {strides = array<i32>} : memref<128x128xf32, #tpu.memory_space<vmem>>, vector<1x16xf32>,
      %broadcast_in_dim3A_71 = arith.constant 0.000000e+00 : f32
      %broadcast_in_dim3A_72 = vector.broadcast %broadcast_in_dim3A_71 : f32 to vector<16xf32>
      %swap3A_73 = arith.index_cast %scan3A_30 : i32 to index
      %swap3A_74 = arith.constant 96 : index
      %swap3A_75 = tpu.vector_load %arg8[%swap3A_73, %swap3A_74] {strides = array<i32>} : memref<128x128xf32, #tpu.memory_space<vmem>>, vector<1x16xf32>,
      %swap3A_76 = vector.shape_cast %swap3A_75 : vector<1x16xf32> to vector<16xf32>
      %swap3A_77 = vector.shape_cast %broadcast_in_dim3A_72 : vector<16xf32> to vector<1x16xf32>
      tpu.vector_store %arg8[%swap3A_73, %swap3A_74], %swap3A_77 {strides = array<i32>} : memref<128x128xf32, #tpu.memory_space<vmem>>, vector<1x16xf32>,
      %broadcast_in_dim3A_78 = arith.constant 0.000000e+00 : f32
      %broadcast_in_dim3A_79 = vector.broadcast %broadcast_in_dim3A_78 : f32 to vector<16xf32>
      %swap3A_80 = arith.index_cast %scan3A_30 : i32 to index
      %swap3A_81 = arith.constant 112 : index
      %swap3A_82 = tpu.vector_load %arg8[%swap3A_80, %swap3A_81] {strides = array<i32>} : memref<128x128xf32, #tpu.memory_space<vmem>>, vector<1x16xf32>,
      %swap3A_83 = vector.shape_cast %swap3A_82 : vector<1x16xf32> to vector<16xf32>
      %swap3A_84 = vector.shape_cast %broadcast_in_dim3A_79 : vector<16xf32> to vector<1x16xf32>
      tpu.vector_store %arg8[%swap3A_80, %swap3A_81], %swap3A_84 {strides = array<i32>} : memref<128x128xf32, #tpu.memory_space<vmem>>, vector<1x16xf32>,
    }
    %scan3A_5 = arith.constant 128 : i32
    %scan3A_6 = arith.constant 0 : i32
    %scan3A_7 = arith.constant 0 : i32
    %scan3A_8 = arith.constant 5 : i32
    %scan3A_9 = arith.addi %scan3A_7, %scan3A_8 : i32
    %scan3A_10 = arith.constant 1 : i32
    scf.for %scan3A_30 = %scan3A_7 to %scan3A_9 step %scan3A_10  : i32 {
      %mul3A_31 = arith.constant 640 : i32
      %mul3A_32 = arith.muli %arg1, %mul3A_31 : i32
      %mul3A_33 = arith.constant 128 : i32
      %mul3A_34 = arith.muli %scan3A_30, %mul3A_33 : i32
      %add3A = arith.addi %mul3A_32, %mul3A_34 : i32
      "tpu.region"() ({
        %run_scoped3A = tpu.sem_alloc : memref<!tpu.dma_semaphore, #tpu.memory_space<semaphore_mem>>
        %dma_start3A = arith.constant 0 : i32
        %dma_start3A_35 = tpu.memref_slice %arg10[%add3A, %dma_start3A] : memref<10240x128xf32, #tpu.memory_space<vmem_shared>> -> memref<128x128xf32, #tpu.memory_space<vmem_shared>>
        %dma_start3A_36 = arith.constant 0 : i32
        %dma_start3A_37 = tpu.memref_slice %arg10[%add3A, %dma_start3A_36] : memref<10240x128xf32, #tpu.memory_space<vmem_shared>> -> memref<128x128xf32, #tpu.memory_space<vmem_shared>>
        tpu.enqueue_dma source(%arg8 : memref<128x128xf32, #tpu.memory_space<vmem>>) target(%dma_start3A_37 : memref<128x128xf32, #tpu.memory_space<vmem_shared>>) target_semaphore(%run_scoped3A : memref<!tpu.dma_semaphore, #tpu.memory_space<semaphore_mem>>)
        %dma_wait3A = arith.constant 0 : i32
        %dma_wait3A_38 = tpu.memref_slice %arg10[%add3A, %dma_wait3A] : memref<10240x128xf32, #tpu.memory_space<vmem_shared>> -> memref<128x128xf32, #tpu.memory_space<vmem_shared>>
        %dma_wait3A_39 = arith.constant 0 : i32
        %dma_wait3A_40 = tpu.memref_slice %arg10[%add3A, %dma_wait3A_39] : memref<10240x128xf32, #tpu.memory_space<vmem_shared>> -> memref<128x128xf32, #tpu.memory_space<vmem_shared>>
        tpu.wait_dma2 semaphore(%run_scoped3A : memref<!tpu.dma_semaphore, #tpu.memory_space<semaphore_mem>>) src(%arg8 : memref<128x128xf32, #tpu.memory_space<vmem>>) dst(%dma_wait3A_40 : memref<128x128xf32, #tpu.memory_space<vmem_shared>>)
        tpu.yield
      }) : () -> ()
    }
    %scan3A_11 = arith.constant 5 : i32
    %barrier3A = arith.constant 0 : index
    tpu.barrier barrier_id(%barrier3A)
    %eq3A = arith.constant 0 : i32
    %eq3A_12 = arith.cmpi eq, %arg0, %eq3A : i32
    %convert_element_type3A = arith.extui %eq3A_12 : i1 to i32
    %cond3A = arith.constant 0 : i32
    %cond3A_13 = arith.cmpi ne, %convert_element_type3A, %cond3A : i32
    scf.if %cond3A_13 {
      %mul3A_30 = arith.constant 10240 : i32
      %mul3A_31 = arith.muli %arg1, %mul3A_30 : i32
      %add3A = arith.constant 0 : i32
      %add3A_32 = arith.addi %mul3A_31, %add3A : i32
      %dma_start3A = arith.constant 0 : i32
      %dma_start3A_33 = tpu.memref_slice %arg2[%add3A_32, %dma_start3A] : memref<163840x128xf32, #tpu.memory_space<hbm>> -> memref<128x128xf32, #tpu.memory_space<hbm>>
      %dma_start3A_34 = arith.constant 0 : i32
      %dma_start3A_35 = tpu.memref_slice %arg2[%add3A_32, %dma_start3A_34] : memref<163840x128xf32, #tpu.memory_space<hbm>> -> memref<128x128xf32, #tpu.memory_space<hbm>>
      tpu.enqueue_dma source(%dma_start3A_35 : memref<128x128xf32, #tpu.memory_space<hbm>>) target(%arg8 : memref<128x128xf32, #tpu.memory_space<vmem>>) target_semaphore(%arg11 : memref<!tpu.dma_semaphore, #tpu.memory_space<semaphore_mem>>)
      %mul3A_36 = arith.constant 10240 : i32
      %mul3A_37 = arith.muli %arg1, %mul3A_36 : i32
      %add3A_38 = arith.constant 128 : i32
      %add3A_39 = arith.addi %mul3A_37, %add3A_38 : i32
      %dma_start3A_40 = arith.constant 0 : i32
      %dma_start3A_41 = tpu.memref_slice %arg2[%add3A_39, %dma_start3A_40] : memref<163840x128xf32, #tpu.memory_space<hbm>> -> memref<128x128xf32, #tpu.memory_space<hbm>>
      %dma_start3A_42 = arith.constant 0 : i32
      %dma_start3A_43 = tpu.memref_slice %arg2[%add3A_39, %dma_start3A_42] : memref<163840x128xf32, #tpu.memory_space<hbm>> -> memref<128x128xf32, #tpu.memory_space<hbm>>
      tpu.enqueue_dma source(%dma_start3A_43 : memref<128x128xf32, #tpu.memory_space<hbm>>) target(%arg9 : memref<128x128xf32, #tpu.memory_space<vmem>>) target_semaphore(%arg12 : memref<!tpu.dma_semaphore, #tpu.memory_space<semaphore_mem>>)
      %scan3A_44 = arith.constant 0 : i32
      %scan3A_45 = arith.constant 0 : i32
      %scan3A_46 = arith.constant 40 : i32
      %scan3A_47 = arith.addi %scan3A_45, %scan3A_46 : i32
      %scan3A_48 = arith.constant 1 : i32
      scf.for %scan3A_50 = %scan3A_45 to %scan3A_47 step %scan3A_48  : i32 {
        %mul3A_51 = arith.constant 2 : i32
        %mul3A_52 = arith.muli %mul3A_51, %scan3A_50 : i32
        %add3A_53 = arith.constant 0 : i32
        %add3A_54 = arith.addi %mul3A_52, %add3A_53 : i32
        %dma_wait3A = arith.constant 0 : i32
        %dma_wait3A_55 = arith.constant 0 : i32
        %dma_wait3A_56 = tpu.memref_slice %arg2[%dma_wait3A, %dma_wait3A_55] : memref<163840x128xf32, #tpu.memory_space<hbm>> -> memref<128x128xf32, #tpu.memory_space<hbm>>
        %dma_wait3A_57 = arith.constant 0 : i32
        %dma_wait3A_58 = arith.constant 0 : i32
        %dma_wait3A_59 = tpu.memref_slice %arg2[%dma_wait3A_57, %dma_wait3A_58] : memref<163840x128xf32, #tpu.memory_space<hbm>> -> memref<128x128xf32, #tpu.memory_space<hbm>>
        tpu.wait_dma2 semaphore(%arg11 : memref<!tpu.dma_semaphore, #tpu.memory_space<semaphore_mem>>) src(%dma_wait3A_59 : memref<128x128xf32, #tpu.memory_space<hbm>>) dst(%arg8 : memref<128x128xf32, #tpu.memory_space<vmem>>)
        "tpu.region"() ({
          %run_scoped3A = tpu.sem_alloc : memref<!tpu.dma_semaphore, #tpu.memory_space<semaphore_mem>>
          %dma_start3A_83 = arith.constant 0 : i32
          %dma_start3A_84 = tpu.memref_slice %arg7[%add3A_54, %dma_start3A_83] : memref<80x128xi32, #tpu.memory_space<vmem>> -> memref<1x128xi32, #tpu.memory_space<vmem>>
          %dma_start3A_85 = tpu.memref_squeeze %dma_start3A_84 : memref<1x128xi32, #tpu.memory_space<vmem>> -> memref<128xi32, #tpu.memory_space<vmem>>
          %dma_start3A_86 = arith.constant 0 : i32
          %dma_start3A_87 = arith.constant 0 : i32
          %dma_start3A_88 = tpu.memref_slice %arg10[%dma_start3A_86, %dma_start3A_87] : memref<10240x128xf32, #tpu.memory_space<vmem_shared>> -> memref<10240x128xf32, #tpu.memory_space<vmem_shared>>
          tpu.enqueue_indirect_dma source(%arg8 : memref<128x128xf32, #tpu.memory_space<vmem>>) target(%dma_start3A_88 : memref<10240x128xf32, #tpu.memory_space<vmem_shared>>) offsets(%dma_start3A_85 : memref<128xi32, #tpu.memory_space<vmem>>) semaphore(%run_scoped3A : memref<!tpu.dma_semaphore, #tpu.memory_space<semaphore_mem>>) {add = true}
          %dma_wait3A_89 = arith.constant 0 : i32
          %dma_wait3A_90 = tpu.memref_slice %arg7[%add3A_54, %dma_wait3A_89] : memref<80x128xi32, #tpu.memory_space<vmem>> -> memref<1x128xi32, #tpu.memory_space<vmem>>
          %dma_wait3A_91 = tpu.memref_squeeze %dma_wait3A_90 : memref<1x128xi32, #tpu.memory_space<vmem>> -> memref<128xi32, #tpu.memory_space<vmem>>
          %dma_wait3A_92 = arith.constant 0 : i32
          %dma_wait3A_93 = arith.constant 0 : i32
          %dma_wait3A_94 = tpu.memref_slice %arg10[%dma_wait3A_92, %dma_wait3A_93] : memref<10240x128xf32, #tpu.memory_space<vmem_shared>> -> memref<10240x128xf32, #tpu.memory_space<vmem_shared>>
          tpu.wait_indirect_dma semaphore(%run_scoped3A : memref<!tpu.dma_semaphore, #tpu.memory_space<semaphore_mem>>) src(%arg8 : memref<128x128xf32, #tpu.memory_space<vmem>>) dst(%dma_wait3A_94 : memref<10240x128xf32, #tpu.memory_space<vmem_shared>>)
          tpu.yield
        }) : () -> ()
        %add3A_60 = arith.constant 2 : i32
        %add3A_61 = arith.addi %add3A_54, %add3A_60 : i32
        %lt3A = arith.constant 80 : i32
        %lt3A_62 = arith.cmpi slt, %add3A_61, %lt3A : i32
        %convert_element_type3A_63 = arith.extui %lt3A_62 : i1 to i32
        %cond3A_64 = arith.constant 0 : i32
        %cond3A_65 = arith.cmpi ne, %convert_element_type3A_63, %cond3A_64 : i32
        scf.if %cond3A_65 {
          %mul3A_83 = arith.constant 10240 : i32
          %mul3A_84 = arith.muli %arg1, %mul3A_83 : i32
          %add3A_85 = arith.constant 2 : i32
          %add3A_86 = arith.addi %add3A_54, %add3A_85 : i32
          %mul3A_87 = arith.constant 128 : i32
          %mul3A_88 = arith.muli %add3A_86, %mul3A_87 : i32
          %add3A_89 = arith.addi %mul3A_84, %mul3A_88 : i32
          %dma_start3A_90 = arith.constant 0 : i32
          %dma_start3A_91 = tpu.memref_slice %arg2[%add3A_89, %dma_start3A_90] : memref<163840x128xf32, #tpu.memory_space<hbm>> -> memref<128x128xf32, #tpu.memory_space<hbm>>
          %dma_start3A_92 = arith.constant 0 : i32
          %dma_start3A_93 = tpu.memref_slice %arg2[%add3A_89, %dma_start3A_92] : memref<163840x128xf32, #tpu.memory_space<hbm>> -> memref<128x128xf32, #tpu.memory_space<hbm>>
          tpu.enqueue_dma source(%dma_start3A_93 : memref<128x128xf32, #tpu.memory_space<hbm>>) target(%arg8 : memref<128x128xf32, #tpu.memory_space<vmem>>) target_semaphore(%arg11 : memref<!tpu.dma_semaphore, #tpu.memory_space<semaphore_mem>>)
        } else {
        }
        %mul3A_66 = arith.constant 2 : i32
        %mul3A_67 = arith.muli %mul3A_66, %scan3A_50 : i32
        %add3A_68 = arith.constant 1 : i32
        %add3A_69 = arith.addi %mul3A_67, %add3A_68 : i32
        %dma_wait3A_70 = arith.constant 0 : i32
        %dma_wait3A_71 = arith.constant 0 : i32
        %dma_wait3A_72 = tpu.memref_slice %arg2[%dma_wait3A_70, %dma_wait3A_71] : memref<163840x128xf32, #tpu.memory_space<hbm>> -> memref<128x128xf32, #tpu.memory_space<hbm>>
        %dma_wait3A_73 = arith.constant 0 : i32
        %dma_wait3A_74 = arith.constant 0 : i32
        %dma_wait3A_75 = tpu.memref_slice %arg2[%dma_wait3A_73, %dma_wait3A_74] : memref<163840x128xf32, #tpu.memory_space<hbm>> -> memref<128x128xf32, #tpu.memory_space<hbm>>
        tpu.wait_dma2 semaphore(%arg12 : memref<!tpu.dma_semaphore, #tpu.memory_space<semaphore_mem>>) src(%dma_wait3A_75 : memref<128x128xf32, #tpu.memory_space<hbm>>) dst(%arg9 : memref<128x128xf32, #tpu.memory_space<vmem>>)
        "tpu.region"() ({
          %run_scoped3A = tpu.sem_alloc : memref<!tpu.dma_semaphore, #tpu.memory_space<semaphore_mem>>
          %dma_start3A_83 = arith.constant 0 : i32
          %dma_start3A_84 = tpu.memref_slice %arg7[%add3A_69, %dma_start3A_83] : memref<80x128xi32, #tpu.memory_space<vmem>> -> memref<1x128xi32, #tpu.memory_space<vmem>>
          %dma_start3A_85 = tpu.memref_squeeze %dma_start3A_84 : memref<1x128xi32, #tpu.memory_space<vmem>> -> memref<128xi32, #tpu.memory_space<vmem>>
          %dma_start3A_86 = arith.constant 0 : i32
          %dma_start3A_87 = arith.constant 0 : i32
          %dma_start3A_88 = tpu.memref_slice %arg10[%dma_start3A_86, %dma_start3A_87] : memref<10240x128xf32, #tpu.memory_space<vmem_shared>> -> memref<10240x128xf32, #tpu.memory_space<vmem_shared>>
          tpu.enqueue_indirect_dma source(%arg9 : memref<128x128xf32, #tpu.memory_space<vmem>>) target(%dma_start3A_88 : memref<10240x128xf32, #tpu.memory_space<vmem_shared>>) offsets(%dma_start3A_85 : memref<128xi32, #tpu.memory_space<vmem>>) semaphore(%run_scoped3A : memref<!tpu.dma_semaphore, #tpu.memory_space<semaphore_mem>>) {add = true}
          %dma_wait3A_89 = arith.constant 0 : i32
          %dma_wait3A_90 = tpu.memref_slice %arg7[%add3A_69, %dma_wait3A_89] : memref<80x128xi32, #tpu.memory_space<vmem>> -> memref<1x128xi32, #tpu.memory_space<vmem>>
          %dma_wait3A_91 = tpu.memref_squeeze %dma_wait3A_90 : memref<1x128xi32, #tpu.memory_space<vmem>> -> memref<128xi32, #tpu.memory_space<vmem>>
          %dma_wait3A_92 = arith.constant 0 : i32
          %dma_wait3A_93 = arith.constant 0 : i32
          %dma_wait3A_94 = tpu.memref_slice %arg10[%dma_wait3A_92, %dma_wait3A_93] : memref<10240x128xf32, #tpu.memory_space<vmem_shared>> -> memref<10240x128xf32, #tpu.memory_space<vmem_shared>>
          tpu.wait_indirect_dma semaphore(%run_scoped3A : memref<!tpu.dma_semaphore, #tpu.memory_space<semaphore_mem>>) src(%arg9 : memref<128x128xf32, #tpu.memory_space<vmem>>) dst(%dma_wait3A_94 : memref<10240x128xf32, #tpu.memory_space<vmem_shared>>)
          tpu.yield
        }) : () -> ()
        %add3A_76 = arith.constant 2 : i32
        %add3A_77 = arith.addi %add3A_69, %add3A_76 : i32
        %lt3A_78 = arith.constant 80 : i32
        %lt3A_79 = arith.cmpi slt, %add3A_77, %lt3A_78 : i32
        %convert_element_type3A_80 = arith.extui %lt3A_79 : i1 to i32
        %cond3A_81 = arith.constant 0 : i32
        %cond3A_82 = arith.cmpi ne, %convert_element_type3A_80, %cond3A_81 : i32
        scf.if %cond3A_82 {
          %mul3A_83 = arith.constant 10240 : i32
          %mul3A_84 = arith.muli %arg1, %mul3A_83 : i32
          %add3A_85 = arith.constant 2 : i32
          %add3A_86 = arith.addi %add3A_69, %add3A_85 : i32
          %mul3A_87 = arith.constant 128 : i32
          %mul3A_88 = arith.muli %add3A_86, %mul3A_87 : i32
          %add3A_89 = arith.addi %mul3A_84, %mul3A_88 : i32
          %dma_start3A_90 = arith.constant 0 : i32
          %dma_start3A_91 = tpu.memref_slice %arg2[%add3A_89, %dma_start3A_90] : memref<163840x128xf32, #tpu.memory_space<hbm>> -> memref<128x128xf32, #tpu.memory_space<hbm>>
          %dma_start3A_92 = arith.constant 0 : i32
          %dma_start3A_93 = tpu.memref_slice %arg2[%add3A_89, %dma_start3A_92] : memref<163840x128xf32, #tpu.memory_space<hbm>> -> memref<128x128xf32, #tpu.memory_space<hbm>>
          tpu.enqueue_dma source(%dma_start3A_93 : memref<128x128xf32, #tpu.memory_space<hbm>>) target(%arg9 : memref<128x128xf32, #tpu.memory_space<vmem>>) target_semaphore(%arg12 : memref<!tpu.dma_semaphore, #tpu.memory_space<semaphore_mem>>)
        } else {
        }
      }
      %scan3A_49 = arith.constant 40 : i32
    } else {
    }
    %eq3A_14 = arith.constant 1 : i32
    %eq3A_15 = arith.cmpi eq, %arg0, %eq3A_14 : i32
    %convert_element_type3A_16 = arith.extui %eq3A_15 : i1 to i32
    %cond3A_17 = arith.constant 0 : i32
    %cond3A_18 = arith.cmpi ne, %convert_element_type3A_16, %cond3A_17 : i32
    scf.if %cond3A_18 {
      %mul3A_30 = arith.constant 10240 : i32
      %mul3A_31 = arith.muli %arg1, %mul3A_30 : i32
      %add3A = arith.constant 0 : i32
      %add3A_32 = arith.addi %mul3A_31, %add3A : i32
      %dma_start3A = arith.constant 0 : i32
      %dma_start3A_33 = tpu.memref_slice %arg3[%add3A_32, %dma_start3A] : memref<163840x128xf32, #tpu.memory_space<hbm>> -> memref<128x128xf32, #tpu.memory_space<hbm>>
      %dma_start3A_34 = arith.constant 0 : i32
      %dma_start3A_35 = tpu.memref_slice %arg3[%add3A_32, %dma_start3A_34] : memref<163840x128xf32, #tpu.memory_space<hbm>> -> memref<128x128xf32, #tpu.memory_space<hbm>>
      tpu.enqueue_dma source(%dma_start3A_35 : memref<128x128xf32, #tpu.memory_space<hbm>>) target(%arg8 : memref<128x128xf32, #tpu.memory_space<vmem>>) target_semaphore(%arg11 : memref<!tpu.dma_semaphore, #tpu.memory_space<semaphore_mem>>)
      %mul3A_36 = arith.constant 10240 : i32
      %mul3A_37 = arith.muli %arg1, %mul3A_36 : i32
      %add3A_38 = arith.constant 128 : i32
      %add3A_39 = arith.addi %mul3A_37, %add3A_38 : i32
      %dma_start3A_40 = arith.constant 0 : i32
      %dma_start3A_41 = tpu.memref_slice %arg3[%add3A_39, %dma_start3A_40] : memref<163840x128xf32, #tpu.memory_space<hbm>> -> memref<128x128xf32, #tpu.memory_space<hbm>>
      %dma_start3A_42 = arith.constant 0 : i32
      %dma_start3A_43 = tpu.memref_slice %arg3[%add3A_39, %dma_start3A_42] : memref<163840x128xf32, #tpu.memory_space<hbm>> -> memref<128x128xf32, #tpu.memory_space<hbm>>
      tpu.enqueue_dma source(%dma_start3A_43 : memref<128x128xf32, #tpu.memory_space<hbm>>) target(%arg9 : memref<128x128xf32, #tpu.memory_space<vmem>>) target_semaphore(%arg12 : memref<!tpu.dma_semaphore, #tpu.memory_space<semaphore_mem>>)
      %scan3A_44 = arith.constant 0 : i32
      %scan3A_45 = arith.constant 0 : i32
      %scan3A_46 = arith.constant 40 : i32
      %scan3A_47 = arith.addi %scan3A_45, %scan3A_46 : i32
      %scan3A_48 = arith.constant 1 : i32
      scf.for %scan3A_50 = %scan3A_45 to %scan3A_47 step %scan3A_48  : i32 {
        %mul3A_51 = arith.constant 2 : i32
        %mul3A_52 = arith.muli %mul3A_51, %scan3A_50 : i32
        %add3A_53 = arith.constant 0 : i32
        %add3A_54 = arith.addi %mul3A_52, %add3A_53 : i32
        %dma_wait3A = arith.constant 0 : i32
        %dma_wait3A_55 = arith.constant 0 : i32
        %dma_wait3A_56 = tpu.memref_slice %arg3[%dma_wait3A, %dma_wait3A_55] : memref<163840x128xf32, #tpu.memory_space<hbm>> -> memref<128x128xf32, #tpu.memory_space<hbm>>
        %dma_wait3A_57 = arith.constant 0 : i32
        %dma_wait3A_58 = arith.constant 0 : i32
        %dma_wait3A_59 = tpu.memref_slice %arg3[%dma_wait3A_57, %dma_wait3A_58] : memref<163840x128xf32, #tpu.memory_space<hbm>> -> memref<128x128xf32, #tpu.memory_space<hbm>>
        tpu.wait_dma2 semaphore(%arg11 : memref<!tpu.dma_semaphore, #tpu.memory_space<semaphore_mem>>) src(%dma_wait3A_59 : memref<128x128xf32, #tpu.memory_space<hbm>>) dst(%arg8 : memref<128x128xf32, #tpu.memory_space<vmem>>)
        "tpu.region"() ({
          %run_scoped3A = tpu.sem_alloc : memref<!tpu.dma_semaphore, #tpu.memory_space<semaphore_mem>>
          %dma_start3A_83 = arith.constant 0 : i32
          %dma_start3A_84 = tpu.memref_slice %arg7[%add3A_54, %dma_start3A_83] : memref<80x128xi32, #tpu.memory_space<vmem>> -> memref<1x128xi32, #tpu.memory_space<vmem>>
          %dma_start3A_85 = tpu.memref_squeeze %dma_start3A_84 : memref<1x128xi32, #tpu.memory_space<vmem>> -> memref<128xi32, #tpu.memory_space<vmem>>
          %dma_start3A_86 = arith.constant 0 : i32
          %dma_start3A_87 = arith.constant 0 : i32
          %dma_start3A_88 = tpu.memref_slice %arg10[%dma_start3A_86, %dma_start3A_87] : memref<10240x128xf32, #tpu.memory_space<vmem_shared>> -> memref<10240x128xf32, #tpu.memory_space<vmem_shared>>
          tpu.enqueue_indirect_dma source(%arg8 : memref<128x128xf32, #tpu.memory_space<vmem>>) target(%dma_start3A_88 : memref<10240x128xf32, #tpu.memory_space<vmem_shared>>) offsets(%dma_start3A_85 : memref<128xi32, #tpu.memory_space<vmem>>) semaphore(%run_scoped3A : memref<!tpu.dma_semaphore, #tpu.memory_space<semaphore_mem>>) {add = true}
          %dma_wait3A_89 = arith.constant 0 : i32
          %dma_wait3A_90 = tpu.memref_slice %arg7[%add3A_54, %dma_wait3A_89] : memref<80x128xi32, #tpu.memory_space<vmem>> -> memref<1x128xi32, #tpu.memory_space<vmem>>
          %dma_wait3A_91 = tpu.memref_squeeze %dma_wait3A_90 : memref<1x128xi32, #tpu.memory_space<vmem>> -> memref<128xi32, #tpu.memory_space<vmem>>
          %dma_wait3A_92 = arith.constant 0 : i32
          %dma_wait3A_93 = arith.constant 0 : i32
          %dma_wait3A_94 = tpu.memref_slice %arg10[%dma_wait3A_92, %dma_wait3A_93] : memref<10240x128xf32, #tpu.memory_space<vmem_shared>> -> memref<10240x128xf32, #tpu.memory_space<vmem_shared>>
          tpu.wait_indirect_dma semaphore(%run_scoped3A : memref<!tpu.dma_semaphore, #tpu.memory_space<semaphore_mem>>) src(%arg8 : memref<128x128xf32, #tpu.memory_space<vmem>>) dst(%dma_wait3A_94 : memref<10240x128xf32, #tpu.memory_space<vmem_shared>>)
          tpu.yield
        }) : () -> ()
        %add3A_60 = arith.constant 2 : i32
        %add3A_61 = arith.addi %add3A_54, %add3A_60 : i32
        %lt3A = arith.constant 80 : i32
        %lt3A_62 = arith.cmpi slt, %add3A_61, %lt3A : i32
        %convert_element_type3A_63 = arith.extui %lt3A_62 : i1 to i32
        %cond3A_64 = arith.constant 0 : i32
        %cond3A_65 = arith.cmpi ne, %convert_element_type3A_63, %cond3A_64 : i32
        scf.if %cond3A_65 {
          %mul3A_83 = arith.constant 10240 : i32
          %mul3A_84 = arith.muli %arg1, %mul3A_83 : i32
          %add3A_85 = arith.constant 2 : i32
          %add3A_86 = arith.addi %add3A_54, %add3A_85 : i32
          %mul3A_87 = arith.constant 128 : i32
          %mul3A_88 = arith.muli %add3A_86, %mul3A_87 : i32
          %add3A_89 = arith.addi %mul3A_84, %mul3A_88 : i32
          %dma_start3A_90 = arith.constant 0 : i32
          %dma_start3A_91 = tpu.memref_slice %arg3[%add3A_89, %dma_start3A_90] : memref<163840x128xf32, #tpu.memory_space<hbm>> -> memref<128x128xf32, #tpu.memory_space<hbm>>
          %dma_start3A_92 = arith.constant 0 : i32
          %dma_start3A_93 = tpu.memref_slice %arg3[%add3A_89, %dma_start3A_92] : memref<163840x128xf32, #tpu.memory_space<hbm>> -> memref<128x128xf32, #tpu.memory_space<hbm>>
          tpu.enqueue_dma source(%dma_start3A_93 : memref<128x128xf32, #tpu.memory_space<hbm>>) target(%arg8 : memref<128x128xf32, #tpu.memory_space<vmem>>) target_semaphore(%arg11 : memref<!tpu.dma_semaphore, #tpu.memory_space<semaphore_mem>>)
        } else {
        }
        %mul3A_66 = arith.constant 2 : i32
        %mul3A_67 = arith.muli %mul3A_66, %scan3A_50 : i32
        %add3A_68 = arith.constant 1 : i32
        %add3A_69 = arith.addi %mul3A_67, %add3A_68 : i32
        %dma_wait3A_70 = arith.constant 0 : i32
        %dma_wait3A_71 = arith.constant 0 : i32
        %dma_wait3A_72 = tpu.memref_slice %arg3[%dma_wait3A_70, %dma_wait3A_71] : memref<163840x128xf32, #tpu.memory_space<hbm>> -> memref<128x128xf32, #tpu.memory_space<hbm>>
        %dma_wait3A_73 = arith.constant 0 : i32
        %dma_wait3A_74 = arith.constant 0 : i32
        %dma_wait3A_75 = tpu.memref_slice %arg3[%dma_wait3A_73, %dma_wait3A_74] : memref<163840x128xf32, #tpu.memory_space<hbm>> -> memref<128x128xf32, #tpu.memory_space<hbm>>
        tpu.wait_dma2 semaphore(%arg12 : memref<!tpu.dma_semaphore, #tpu.memory_space<semaphore_mem>>) src(%dma_wait3A_75 : memref<128x128xf32, #tpu.memory_space<hbm>>) dst(%arg9 : memref<128x128xf32, #tpu.memory_space<vmem>>)
        "tpu.region"() ({
          %run_scoped3A = tpu.sem_alloc : memref<!tpu.dma_semaphore, #tpu.memory_space<semaphore_mem>>
          %dma_start3A_83 = arith.constant 0 : i32
          %dma_start3A_84 = tpu.memref_slice %arg7[%add3A_69, %dma_start3A_83] : memref<80x128xi32, #tpu.memory_space<vmem>> -> memref<1x128xi32, #tpu.memory_space<vmem>>
          %dma_start3A_85 = tpu.memref_squeeze %dma_start3A_84 : memref<1x128xi32, #tpu.memory_space<vmem>> -> memref<128xi32, #tpu.memory_space<vmem>>
          %dma_start3A_86 = arith.constant 0 : i32
          %dma_start3A_87 = arith.constant 0 : i32
          %dma_start3A_88 = tpu.memref_slice %arg10[%dma_start3A_86, %dma_start3A_87] : memref<10240x128xf32, #tpu.memory_space<vmem_shared>> -> memref<10240x128xf32, #tpu.memory_space<vmem_shared>>
          tpu.enqueue_indirect_dma source(%arg9 : memref<128x128xf32, #tpu.memory_space<vmem>>) target(%dma_start3A_88 : memref<10240x128xf32, #tpu.memory_space<vmem_shared>>) offsets(%dma_start3A_85 : memref<128xi32, #tpu.memory_space<vmem>>) semaphore(%run_scoped3A : memref<!tpu.dma_semaphore, #tpu.memory_space<semaphore_mem>>) {add = true}
          %dma_wait3A_89 = arith.constant 0 : i32
          %dma_wait3A_90 = tpu.memref_slice %arg7[%add3A_69, %dma_wait3A_89] : memref<80x128xi32, #tpu.memory_space<vmem>> -> memref<1x128xi32, #tpu.memory_space<vmem>>
          %dma_wait3A_91 = tpu.memref_squeeze %dma_wait3A_90 : memref<1x128xi32, #tpu.memory_space<vmem>> -> memref<128xi32, #tpu.memory_space<vmem>>
          %dma_wait3A_92 = arith.constant 0 : i32
          %dma_wait3A_93 = arith.constant 0 : i32
          %dma_wait3A_94 = tpu.memref_slice %arg10[%dma_wait3A_92, %dma_wait3A_93] : memref<10240x128xf32, #tpu.memory_space<vmem_shared>> -> memref<10240x128xf32, #tpu.memory_space<vmem_shared>>
          tpu.wait_indirect_dma semaphore(%run_scoped3A : memref<!tpu.dma_semaphore, #tpu.memory_space<semaphore_mem>>) src(%arg9 : memref<128x128xf32, #tpu.memory_space<vmem>>) dst(%dma_wait3A_94 : memref<10240x128xf32, #tpu.memory_space<vmem_shared>>)
          tpu.yield
        }) : () -> ()
        %add3A_76 = arith.constant 2 : i32
        %add3A_77 = arith.addi %add3A_69, %add3A_76 : i32
        %lt3A_78 = arith.constant 80 : i32
        %lt3A_79 = arith.cmpi slt, %add3A_77, %lt3A_78 : i32
        %convert_element_type3A_80 = arith.extui %lt3A_79 : i1 to i32
        %cond3A_81 = arith.constant 0 : i32
        %cond3A_82 = arith.cmpi ne, %convert_element_type3A_80, %cond3A_81 : i32
        scf.if %cond3A_82 {
          %mul3A_83 = arith.constant 10240 : i32
          %mul3A_84 = arith.muli %arg1, %mul3A_83 : i32
          %add3A_85 = arith.constant 2 : i32
          %add3A_86 = arith.addi %add3A_69, %add3A_85 : i32
          %mul3A_87 = arith.constant 128 : i32
          %mul3A_88 = arith.muli %add3A_86, %mul3A_87 : i32
          %add3A_89 = arith.addi %mul3A_84, %mul3A_88 : i32
          %dma_start3A_90 = arith.constant 0 : i32
          %dma_start3A_91 = tpu.memref_slice %arg3[%add3A_89, %dma_start3A_90] : memref<163840x128xf32, #tpu.memory_space<hbm>> -> memref<128x128xf32, #tpu.memory_space<hbm>>
          %dma_start3A_92 = arith.constant 0 : i32
          %dma_start3A_93 = tpu.memref_slice %arg3[%add3A_89, %dma_start3A_92] : memref<163840x128xf32, #tpu.memory_space<hbm>> -> memref<128x128xf32, #tpu.memory_space<hbm>>
          tpu.enqueue_dma source(%dma_start3A_93 : memref<128x128xf32, #tpu.memory_space<hbm>>) target(%arg9 : memref<128x128xf32, #tpu.memory_space<vmem>>) target_semaphore(%arg12 : memref<!tpu.dma_semaphore, #tpu.memory_space<semaphore_mem>>)
        } else {
        }
      }
      %scan3A_49 = arith.constant 40 : i32
    } else {
    }
    %barrier3A_19 = arith.constant 0 : index
    tpu.barrier barrier_id(%barrier3A_19)
    %eq3A_20 = arith.constant 0 : i32
    %eq3A_21 = arith.cmpi eq, %arg0, %eq3A_20 : i32
    %convert_element_type3A_22 = arith.extui %eq3A_21 : i1 to i32
    %cond3A_23 = arith.constant 0 : i32
    %cond3A_24 = arith.cmpi ne, %convert_element_type3A_22, %cond3A_23 : i32
    scf.if %cond3A_24 {
      %scan3A_30 = arith.constant 0 : i32
      %scan3A_31 = arith.constant 0 : i32
      %scan3A_32 = arith.constant 5 : i32
      %scan3A_33 = arith.addi %scan3A_31, %scan3A_32 : i32
      %scan3A_34 = arith.constant 1 : i32
      scf.for %scan3A_36 = %scan3A_31 to %scan3A_33 step %scan3A_34  : i32 {
        %mul3A_37 = arith.constant 640 : i32
        %mul3A_38 = arith.muli %arg1, %mul3A_37 : i32
        %mul3A_39 = arith.constant 128 : i32
        %mul3A_40 = arith.muli %scan3A_36, %mul3A_39 : i32
        %add3A = arith.addi %mul3A_38, %mul3A_40 : i32
        "tpu.region"() ({
          %run_scoped3A = tpu.sem_alloc : memref<!tpu.dma_semaphore, #tpu.memory_space<semaphore_mem>>
          %dma_start3A = arith.constant 0 : i32
          %dma_start3A_41 = tpu.memref_slice %arg5[%add3A, %dma_start3A] : memref<10240x128xf32, #tpu.memory_space<hbm>> -> memref<128x128xf32, #tpu.memory_space<hbm>>
          %dma_start3A_42 = arith.constant 0 : i32
          %dma_start3A_43 = tpu.memref_slice %arg10[%add3A, %dma_start3A_42] : memref<10240x128xf32, #tpu.memory_space<vmem_shared>> -> memref<128x128xf32, #tpu.memory_space<vmem_shared>>
          tpu.enqueue_dma source(%dma_start3A_43 : memref<128x128xf32, #tpu.memory_space<vmem_shared>>) target(%dma_start3A_41 : memref<128x128xf32, #tpu.memory_space<hbm>>) target_semaphore(%run_scoped3A : memref<!tpu.dma_semaphore, #tpu.memory_space<semaphore_mem>>)
          %dma_wait3A = arith.constant 0 : i32
          %dma_wait3A_44 = tpu.memref_slice %arg5[%add3A, %dma_wait3A] : memref<10240x128xf32, #tpu.memory_space<hbm>> -> memref<128x128xf32, #tpu.memory_space<hbm>>
          %dma_wait3A_45 = arith.constant 0 : i32
          %dma_wait3A_46 = tpu.memref_slice %arg10[%add3A, %dma_wait3A_45] : memref<10240x128xf32, #tpu.memory_space<vmem_shared>> -> memref<128x128xf32, #tpu.memory_space<vmem_shared>>
          tpu.wait_dma2 semaphore(%run_scoped3A : memref<!tpu.dma_semaphore, #tpu.memory_space<semaphore_mem>>) src(%dma_wait3A_46 : memref<128x128xf32, #tpu.memory_space<vmem_shared>>) dst(%dma_wait3A_44 : memref<128x128xf32, #tpu.memory_space<hbm>>)
          tpu.yield
        }) : () -> ()
      }
      %scan3A_35 = arith.constant 5 : i32
    } else {
    }
    %eq3A_25 = arith.constant 1 : i32
    %eq3A_26 = arith.cmpi eq, %arg0, %eq3A_25 : i32
    %convert_element_type3A_27 = arith.extui %eq3A_26 : i1 to i32
    %cond3A_28 = arith.constant 0 : i32
    %cond3A_29 = arith.cmpi ne, %convert_element_type3A_27, %cond3A_28 : i32
    scf.if %cond3A_29 {
      %scan3A_30 = arith.constant 0 : i32
      %scan3A_31 = arith.constant 0 : i32
      %scan3A_32 = arith.constant 5 : i32
      %scan3A_33 = arith.addi %scan3A_31, %scan3A_32 : i32
      %scan3A_34 = arith.constant 1 : i32
      scf.for %scan3A_36 = %scan3A_31 to %scan3A_33 step %scan3A_34  : i32 {
        %mul3A_37 = arith.constant 640 : i32
        %mul3A_38 = arith.muli %arg1, %mul3A_37 : i32
        %mul3A_39 = arith.constant 128 : i32
        %mul3A_40 = arith.muli %scan3A_36, %mul3A_39 : i32
        %add3A = arith.addi %mul3A_38, %mul3A_40 : i32
        "tpu.region"() ({
          %run_scoped3A = tpu.sem_alloc : memref<!tpu.dma_semaphore, #tpu.memory_space<semaphore_mem>>
          %dma_start3A = arith.constant 0 : i32
          %dma_start3A_41 = tpu.memref_slice %arg6[%add3A, %dma_start3A] : memref<10240x128xf32, #tpu.memory_space<hbm>> -> memref<128x128xf32, #tpu.memory_space<hbm>>
          %dma_start3A_42 = arith.constant 0 : i32
          %dma_start3A_43 = tpu.memref_slice %arg10[%add3A, %dma_start3A_42] : memref<10240x128xf32, #tpu.memory_space<vmem_shared>> -> memref<128x128xf32, #tpu.memory_space<vmem_shared>>
          tpu.enqueue_dma source(%dma_start3A_43 : memref<128x128xf32, #tpu.memory_space<vmem_shared>>) target(%dma_start3A_41 : memref<128x128xf32, #tpu.memory_space<hbm>>) target_semaphore(%run_scoped3A : memref<!tpu.dma_semaphore, #tpu.memory_space<semaphore_mem>>)
          %dma_wait3A = arith.constant 0 : i32
          %dma_wait3A_44 = tpu.memref_slice %arg6[%add3A, %dma_wait3A] : memref<10240x128xf32, #tpu.memory_space<hbm>> -> memref<128x128xf32, #tpu.memory_space<hbm>>
          %dma_wait3A_45 = arith.constant 0 : i32
          %dma_wait3A_46 = tpu.memref_slice %arg10[%add3A, %dma_wait3A_45] : memref<10240x128xf32, #tpu.memory_space<vmem_shared>> -> memref<128x128xf32, #tpu.memory_space<vmem_shared>>
          tpu.wait_dma2 semaphore(%run_scoped3A : memref<!tpu.dma_semaphore, #tpu.memory_space<semaphore_mem>>) src(%dma_wait3A_46 : memref<128x128xf32, #tpu.memory_space<vmem_shared>>) dst(%dma_wait3A_44 : memref<128x128xf32, #tpu.memory_space<hbm>>)
          tpu.yield
        }) : () -> ()
      }
      %scan3A_35 = arith.constant 5 : i32
    } else {
    }
    return
  }
}

module attributes {stable_mosaic.version = 14 : i64} {
  func.func @_k1_body(%arg0: i32, %arg1: memref<2000x256xf32, #tpu.memory_space<vmem>>, %arg2: memref<2000x3xf32, #tpu.memory_space<vmem>>, %arg3: memref<256x256xf32, #tpu.memory_space<vmem>>, %arg4: memref<256x256xf32, #tpu.memory_space<vmem>>, %arg5: memref<2000x384xf32, #tpu.memory_space<vmem>>, %arg6: memref<2000x384xf32, #tpu.memory_space<vmem>>) attributes {dimension_semantics = [#tpu.dimension_semantics<arbitrary>], iteration_bounds = array<i64: 5>, scalar_prefetch = 0 : i64, scratch_operands = 0 : i64, tpu.core_type = #tpu.core_type<tc>, window_params = [{transform_indices = @transform_0, window_bounds = array<i64: 2000, 256>}, {transform_indices = @transform_1, window_bounds = array<i64: 2000, 3>}, {pipeline_mode = #tpu.pipeline_mode<synchronous>, transform_indices = @transform_2, window_bounds = array<i64: 256, 256>}, {pipeline_mode = #tpu.pipeline_mode<synchronous>, transform_indices = @transform_3, window_bounds = array<i64: 256, 256>}, {transform_indices = @transform_4, window_bounds = array<i64: 2000, 384>}, {transform_indices = @transform_5, window_bounds = array<i64: 2000, 384>}]} {
    %get3A = arith.constant 0 : index
    %get3A_0 = arith.constant 0 : index
    %get3A_1 = vector.load %arg1[%get3A, %get3A_0] : memref<2000x256xf32, #tpu.memory_space<vmem>>, vector<2000x256xf32>
    %get3A_2 = arith.constant 0 : index
    %get3A_3 = arith.constant 0 : index
    %get3A_4 = vector.load %arg2[%get3A_2, %get3A_3] : memref<2000x3xf32, #tpu.memory_space<vmem>>, vector<2000x3xf32>
    %broadcast_in_dim3A = arith.constant 0.000000e+00 : f32
    %broadcast_in_dim3A_5 = vector.broadcast %broadcast_in_dim3A : f32 to vector<2000x125xf32>
    %get3A_6 = arith.constant 0 : index
    %get3A_7 = arith.constant 0 : index
    %get3A_8 = vector.load %arg3[%get3A_6, %get3A_7] : memref<256x256xf32, #tpu.memory_space<vmem>>, vector<256x256xf32>
    %dot_general3A = arith.constant dense<0.000000e+00> : vector<2000x256xf32>
    %dot_general3A_9 = tpu.matmul %get3A_1, %get3A_8, %dot_general3A {dimension_numbers = #tpu.dot_dimension_numbers<[1], [0], [0], [1], [0, 0, 1, 1], [], []>, transpose_lhs_hint = false} : vector<2000x256xf32>, vector<256x256xf32>, vector<2000x256xf32> -> vector<2000x256xf32>
    %neg3A = arith.constant 0.000000e+00 : f32
    %neg3A_10 = vector.broadcast %neg3A : f32 to vector<2000x3xf32>
    %neg3A_11 = arith.subf %neg3A_10, %get3A_4 : vector<2000x3xf32>
    %concatenate3A = tpu.concatenate %dot_general3A_9, %neg3A_11, %broadcast_in_dim3A_5 in 1 : vector<2000x256xf32>, vector<2000x3xf32>, vector<2000x125xf32> -> vector<2000x384xf32>
    %swap3A = arith.constant 0 : index
    %swap3A_12 = arith.constant 0 : index
    %swap3A_13 = vector.load %arg5[%swap3A, %swap3A_12] : memref<2000x384xf32, #tpu.memory_space<vmem>>, vector<2000x384xf32>
    tpu.vector_store %arg5[%swap3A, %swap3A_12], %concatenate3A {strides = array<i32>} : memref<2000x384xf32, #tpu.memory_space<vmem>>, vector<2000x384xf32>,
    %get3A_14 = arith.constant 0 : index
    %get3A_15 = arith.constant 0 : index
    %get3A_16 = vector.load %arg4[%get3A_14, %get3A_15] : memref<256x256xf32, #tpu.memory_space<vmem>>, vector<256x256xf32>
    %dot_general3A_17 = arith.constant dense<0.000000e+00> : vector<2000x256xf32>
    %dot_general3A_18 = tpu.matmul %get3A_1, %get3A_16, %dot_general3A_17 {dimension_numbers = #tpu.dot_dimension_numbers<[1], [0], [0], [1], [0, 0, 1, 1], [], []>, transpose_lhs_hint = false} : vector<2000x256xf32>, vector<256x256xf32>, vector<2000x256xf32> -> vector<2000x256xf32>
    %concatenate3A_19 = tpu.concatenate %dot_general3A_18, %get3A_4, %broadcast_in_dim3A_5 in 1 : vector<2000x256xf32>, vector<2000x3xf32>, vector<2000x125xf32> -> vector<2000x384xf32>
    %swap3A_20 = arith.constant 0 : index
    %swap3A_21 = arith.constant 0 : index
    %swap3A_22 = vector.load %arg6[%swap3A_20, %swap3A_21] : memref<2000x384xf32, #tpu.memory_space<vmem>>, vector<2000x384xf32>
    tpu.vector_store %arg6[%swap3A_20, %swap3A_21], %concatenate3A_19 {strides = array<i32>} : memref<2000x384xf32, #tpu.memory_space<vmem>>, vector<2000x384xf32>,
    return
  }
  func.func @transform_0(%arg0: i32) -> (i32, i32) {
    %c0_i32 = arith.constant 0 : i32
    %c0_i32_0 = arith.constant 0 : i32
    return %arg0, %c0_i32 : i32, i32
  }
  func.func @transform_1(%arg0: i32) -> (i32, i32) {
    %c0_i32 = arith.constant 0 : i32
    %c0_i32_0 = arith.constant 0 : i32
    return %arg0, %c0_i32 : i32, i32
  }
  func.func @transform_2(%arg0: i32) -> (i32, i32) {
    %c0_i32 = arith.constant 0 : i32
    %c0_i32_0 = arith.constant 0 : i32
    %c0_i32_1 = arith.constant 0 : i32
    return %c0_i32, %c0_i32_0 : i32, i32
  }
  func.func @transform_3(%arg0: i32) -> (i32, i32) {
    %c0_i32 = arith.constant 0 : i32
    %c0_i32_0 = arith.constant 0 : i32
    %c0_i32_1 = arith.constant 0 : i32
    return %c0_i32, %c0_i32_0 : i32, i32
  }
  func.func @transform_4(%arg0: i32) -> (i32, i32) {
    %c0_i32 = arith.constant 0 : i32
    %c0_i32_0 = arith.constant 0 : i32
    return %arg0, %c0_i32 : i32, i32
  }
  func.func @transform_5(%arg0: i32) -> (i32, i32) {
    %c0_i32 = arith.constant 0 : i32
    %c0_i32_0 = arith.constant 0 : i32
    return %arg0, %c0_i32 : i32, i32
  }
}

module attributes {stable_mosaic.version = 14 : i64} {
  func.func @_k2_body(%arg0: i32, %arg1: memref<2048x384xf32, #tpu.memory_space<vmem>>, %arg2: memref<2048x16xf32, #tpu.memory_space<vmem>>, %arg3: memref<1x256xf32, #tpu.memory_space<vmem>>, %arg4: memref<16x256xf32, #tpu.memory_space<vmem>>, %arg5: memref<1x256xf32, #tpu.memory_space<vmem>>, %arg6: memref<256x256xf32, #tpu.memory_space<vmem>>, %arg7: memref<1x256xf32, #tpu.memory_space<vmem>>, %arg8: memref<16x256xf32, #tpu.memory_space<vmem>>, %arg9: memref<256x256xf32, #tpu.memory_space<vmem>>, %arg10: memref<1x256xf32, #tpu.memory_space<vmem>>, %arg11: memref<256x16xf32, #tpu.memory_space<vmem>>, %arg12: memref<1x16xf32, #tpu.memory_space<vmem>>, %arg13: memref<1x16xf32, #tpu.memory_space<vmem>>, %arg14: memref<1x16xf32, #tpu.memory_space<vmem>>, %arg15: memref<2048x16xf32, #tpu.memory_space<vmem>>, %arg16: memref<2048x128xf32, #tpu.memory_space<vmem>>, %arg17: memref<2048x128xf32, #tpu.memory_space<vmem>>) attributes {dimension_semantics = [#tpu.dimension_semantics<arbitrary>], iteration_bounds = array<i64: 80>, scalar_prefetch = 0 : i64, scratch_operands = 0 : i64, tpu.core_type = #tpu.core_type<tc>, window_params = [{transform_indices = @transform_0, window_bounds = array<i64: 2048, 384>}, {transform_indices = @transform_1, window_bounds = array<i64: 2048, 16>}, {pipeline_mode = #tpu.pipeline_mode<synchronous>, transform_indices = @transform_2, window_bounds = array<i64: 1, 256>}, {pipeline_mode = #tpu.pipeline_mode<synchronous>, transform_indices = @transform_3, window_bounds = array<i64: 16, 256>}, {pipeline_mode = #tpu.pipeline_mode<synchronous>, transform_indices = @transform_4, window_bounds = array<i64: 1, 256>}, {pipeline_mode = #tpu.pipeline_mode<synchronous>, transform_indices = @transform_5, window_bounds = array<i64: 256, 256>}, {pipeline_mode = #tpu.pipeline_mode<synchronous>, transform_indices = @transform_6, window_bounds = array<i64: 1, 256>}, {pipeline_mode = #tpu.pipeline_mode<synchronous>, transform_indices = @transform_7, window_bounds = array<i64: 16, 256>}, {pipeline_mode = #tpu.pipeline_mode<synchronous>, transform_indices = @transform_8, window_bounds = array<i64: 256, 256>}, {pipeline_mode = #tpu.pipeline_mode<synchronous>, transform_indices = @transform_9, window_bounds = array<i64: 1, 256>}, {pipeline_mode = #tpu.pipeline_mode<synchronous>, transform_indices = @transform_10, window_bounds = array<i64: 256, 16>}, {pipeline_mode = #tpu.pipeline_mode<synchronous>, transform_indices = @transform_11, window_bounds = array<i64: 1, 16>}, {pipeline_mode = #tpu.pipeline_mode<synchronous>, transform_indices = @transform_12, window_bounds = array<i64: 1, 16>}, {pipeline_mode = #tpu.pipeline_mode<synchronous>, transform_indices = @transform_13, window_bounds = array<i64: 1, 16>}, {transform_indices = @transform_14, window_bounds = array<i64: 2048, 16>}, {transform_indices = @transform_15, window_bounds = array<i64: 2048, 128>}, {transform_indices = @transform_16, window_bounds = array<i64: 2048, 128>}]} {
    %get3A = arith.constant 0 : index
    %get3A_0 = arith.constant 0 : index
    %get3A_1 = vector.load %arg1[%get3A, %get3A_0] : memref<2048x384xf32, #tpu.memory_space<vmem>>, vector<2048x384xf32>
    %slice3A = vector.extract_strided_slice %get3A_1 {offsets = [0, 0], sizes = [2048, 256], strides = [1, 1]} : vector<2048x384xf32> to vector<2048x256xf32>
    %slice3A_2 = vector.extract_strided_slice %get3A_1 {offsets = [0, 256], sizes = [2048, 3], strides = [1, 1]} : vector<2048x384xf32> to vector<2048x3xf32>
    %get3A_3 = arith.constant 0 : index
    %get3A_4 = arith.constant 0 : index
    %get3A_5 = vector.load %arg2[%get3A_3, %get3A_4] : memref<2048x16xf32, #tpu.memory_space<vmem>>, vector<2048x16xf32>
    %mul3A = arith.mulf %slice3A_2, %slice3A_2 : vector<2048x3xf32>
    %reduce_sum3A = arith.constant dense<0.000000e+00> : vector<2048xf32>
    %reduce_sum3A_6 = vector.multi_reduction <add>, %mul3A, %reduce_sum3A [1] : vector<2048x3xf32> to vector<2048xf32>
    %broadcast_in_dim3A = vector.shape_cast %reduce_sum3A_6 : vector<2048xf32> to vector<2048x1xf32>
    %sqrt3A = math.sqrt %broadcast_in_dim3A : vector<2048x1xf32>
    %get3A_7 = arith.constant 0 : index
    %get3A_8 = arith.constant 0 : index
    %get3A_9 = vector.load %arg3[%get3A_7, %get3A_8] : memref<1x256xf32, #tpu.memory_space<vmem>>, vector<1x256xf32>
    %mul3A_10 = vector.broadcast %sqrt3A : vector<2048x1xf32> to vector<2048x256xf32>
    %mul3A_11 = vector.broadcast %get3A_9 : vector<1x256xf32> to vector<2048x256xf32>
    %mul3A_12 = arith.mulf %mul3A_10, %mul3A_11 : vector<2048x256xf32>
    %add3A = arith.addf %slice3A, %mul3A_12 : vector<2048x256xf32>
    %get3A_13 = arith.constant 0 : index
    %get3A_14 = arith.constant 0 : index
    %get3A_15 = vector.load %arg4[%get3A_13, %get3A_14] : memref<16x256xf32, #tpu.memory_space<vmem>>, vector<16x256xf32>
    %dot_general3A = arith.constant dense<0.000000e+00> : vector<2048x256xf32>
    %dot_general3A_16 = tpu.matmul %get3A_5, %get3A_15, %dot_general3A {dimension_numbers = #tpu.dot_dimension_numbers<[1], [0], [0], [1], [0, 0, 1, 1], [], []>, transpose_lhs_hint = false} : vector<2048x16xf32>, vector<16x256xf32>, vector<2048x256xf32> -> vector<2048x256xf32>
    %add3A_17 = arith.addf %add3A, %dot_general3A_16 : vector<2048x256xf32>
    %get3A_18 = arith.constant 0 : index
    %get3A_19 = arith.constant 0 : index
    %get3A_20 = vector.load %arg5[%get3A_18, %get3A_19] : memref<1x256xf32, #tpu.memory_space<vmem>>, vector<1x256xf32>
    %add3A_21 = vector.broadcast %get3A_20 : vector<1x256xf32> to vector<2048x256xf32>
    %add3A_22 = arith.addf %add3A_17, %add3A_21 : vector<2048x256xf32>
    %logistic3A = arith.negf %add3A_22 : vector<2048x256xf32>
    %logistic3A_23 = math.exp %logistic3A : vector<2048x256xf32>
    %logistic3A_24 = arith.constant 1.000000e+00 : f32
    %logistic3A_25 = vector.broadcast %logistic3A_24 : f32 to vector<2048x256xf32>
    %logistic3A_26 = arith.addf %logistic3A_25, %logistic3A_23 : vector<2048x256xf32>
    %logistic3A_27 = arith.divf %logistic3A_25, %logistic3A_26 : vector<2048x256xf32>
    %mul3A_28 = arith.mulf %add3A_22, %logistic3A_27 : vector<2048x256xf32>
    %get3A_29 = arith.constant 0 : index
    %get3A_30 = arith.constant 0 : index
    %get3A_31 = vector.load %arg6[%get3A_29, %get3A_30] : memref<256x256xf32, #tpu.memory_space<vmem>>, vector<256x256xf32>
    %dot_general3A_32 = arith.constant dense<0.000000e+00> : vector<2048x256xf32>
    %dot_general3A_33 = tpu.matmul %mul3A_28, %get3A_31, %dot_general3A_32 {dimension_numbers = #tpu.dot_dimension_numbers<[1], [0], [0], [1], [0, 0, 1, 1], [], []>, transpose_lhs_hint = false} : vector<2048x256xf32>, vector<256x256xf32>, vector<2048x256xf32> -> vector<2048x256xf32>
    %get3A_34 = arith.constant 0 : index
    %get3A_35 = arith.constant 0 : index
    %get3A_36 = vector.load %arg7[%get3A_34, %get3A_35] : memref<1x256xf32, #tpu.memory_space<vmem>>, vector<1x256xf32>
    %add3A_37 = vector.broadcast %get3A_36 : vector<1x256xf32> to vector<2048x256xf32>
    %add3A_38 = arith.addf %dot_general3A_33, %add3A_37 : vector<2048x256xf32>
    %logistic3A_39 = arith.negf %add3A_38 : vector<2048x256xf32>
    %logistic3A_40 = math.exp %logistic3A_39 : vector<2048x256xf32>
    %logistic3A_41 = arith.constant 1.000000e+00 : f32
    %logistic3A_42 = vector.broadcast %logistic3A_41 : f32 to vector<2048x256xf32>
    %logistic3A_43 = arith.addf %logistic3A_42, %logistic3A_40 : vector<2048x256xf32>
    %logistic3A_44 = arith.divf %logistic3A_42, %logistic3A_43 : vector<2048x256xf32>
    %mul3A_45 = arith.mulf %add3A_38, %logistic3A_44 : vector<2048x256xf32>
    %get3A_46 = arith.constant 0 : index
    %get3A_47 = arith.constant 0 : index
    %get3A_48 = vector.load %arg8[%get3A_46, %get3A_47] : memref<16x256xf32, #tpu.memory_space<vmem>>, vector<16x256xf32>
    %dot_general3A_49 = arith.constant dense<0.000000e+00> : vector<2048x256xf32>
    %dot_general3A_50 = tpu.matmul %get3A_5, %get3A_48, %dot_general3A_49 {dimension_numbers = #tpu.dot_dimension_numbers<[1], [0], [0], [1], [0, 0, 1, 1], [], []>, transpose_lhs_hint = false} : vector<2048x16xf32>, vector<16x256xf32>, vector<2048x256xf32> -> vector<2048x256xf32>
    %get3A_51 = arith.constant 0 : index
    %get3A_52 = arith.constant 0 : index
    %get3A_53 = vector.load %arg9[%get3A_51, %get3A_52] : memref<256x256xf32, #tpu.memory_space<vmem>>, vector<256x256xf32>
    %dot_general3A_54 = arith.constant dense<0.000000e+00> : vector<2048x256xf32>
    %dot_general3A_55 = tpu.matmul %mul3A_45, %get3A_53, %dot_general3A_54 {dimension_numbers = #tpu.dot_dimension_numbers<[1], [0], [0], [1], [0, 0, 1, 1], [], []>, transpose_lhs_hint = false} : vector<2048x256xf32>, vector<256x256xf32>, vector<2048x256xf32> -> vector<2048x256xf32>
    %add3A_56 = arith.addf %dot_general3A_50, %dot_general3A_55 : vector<2048x256xf32>
    %get3A_57 = arith.constant 0 : index
    %get3A_58 = arith.constant 0 : index
    %get3A_59 = vector.load %arg10[%get3A_57, %get3A_58] : memref<1x256xf32, #tpu.memory_space<vmem>>, vector<1x256xf32>
    %add3A_60 = vector.broadcast %get3A_59 : vector<1x256xf32> to vector<2048x256xf32>
    %add3A_61 = arith.addf %add3A_56, %add3A_60 : vector<2048x256xf32>
    %logistic3A_62 = arith.negf %add3A_61 : vector<2048x256xf32>
    %logistic3A_63 = math.exp %logistic3A_62 : vector<2048x256xf32>
    %logistic3A_64 = arith.constant 1.000000e+00 : f32
    %logistic3A_65 = vector.broadcast %logistic3A_64 : f32 to vector<2048x256xf32>
    %logistic3A_66 = arith.addf %logistic3A_65, %logistic3A_63 : vector<2048x256xf32>
    %logistic3A_67 = arith.divf %logistic3A_65, %logistic3A_66 : vector<2048x256xf32>
    %mul3A_68 = arith.mulf %add3A_61, %logistic3A_67 : vector<2048x256xf32>
    %get3A_69 = arith.constant 0 : index
    %get3A_70 = arith.constant 0 : index
    %get3A_71 = vector.load %arg11[%get3A_69, %get3A_70] : memref<256x16xf32, #tpu.memory_space<vmem>>, vector<256x16xf32>
    %dot_general3A_72 = arith.constant dense<0.000000e+00> : vector<2048x16xf32>
    %dot_general3A_73 = tpu.matmul %mul3A_68, %get3A_71, %dot_general3A_72 {dimension_numbers = #tpu.dot_dimension_numbers<[1], [0], [0], [1], [0, 0, 1, 1], [], []>, transpose_lhs_hint = false} : vector<2048x256xf32>, vector<256x16xf32>, vector<2048x16xf32> -> vector<2048x16xf32>
    %get3A_74 = arith.constant 0 : index
    %get3A_75 = arith.constant 0 : index
    %get3A_76 = vector.load %arg12[%get3A_74, %get3A_75] : memref<1x16xf32, #tpu.memory_space<vmem>>, vector<1x16xf32>
    %add3A_77 = vector.broadcast %get3A_76 : vector<1x16xf32> to vector<2048x16xf32>
    %add3A_78 = arith.addf %dot_general3A_73, %add3A_77 : vector<2048x16xf32>
    %add3A_79 = arith.addf %get3A_5, %add3A_78 : vector<2048x16xf32>
    %get3A_80 = arith.constant 0 : index
    %get3A_81 = arith.constant 0 : index
    %get3A_82 = vector.load %arg13[%get3A_80, %get3A_81] : memref<1x16xf32, #tpu.memory_space<vmem>>, vector<1x16xf32>
    %get3A_83 = arith.constant 0 : index
    %get3A_84 = arith.constant 0 : index
    %get3A_85 = vector.load %arg14[%get3A_83, %get3A_84] : memref<1x16xf32, #tpu.memory_space<vmem>>, vector<1x16xf32>
    %reduce_sum3A_86 = arith.constant dense<0.000000e+00> : vector<2048xf32>
    %reduce_sum3A_87 = vector.multi_reduction <add>, %add3A_79, %reduce_sum3A_86 [1] : vector<2048x16xf32> to vector<2048xf32>
    %broadcast_in_dim3A_88 = vector.shape_cast %reduce_sum3A_87 : vector<2048xf32> to vector<2048x1xf32>
    %div3A = arith.constant 1.600000e+01 : f32
    %div3A_89 = vector.broadcast %div3A : f32 to vector<2048x1xf32>
    %div3A_90 = arith.divf %broadcast_in_dim3A_88, %div3A_89 : vector<2048x1xf32>
    %jit3A = arith.constant 0 : i32
    %reduce_sum3A_91 = arith.constant dense<0.000000e+00> : vector<2048xf32>
    %reduce_sum3A_92 = vector.multi_reduction <add>, %add3A_79, %reduce_sum3A_91 [1] : vector<2048x16xf32> to vector<2048xf32>
    %broadcast_in_dim3A_93 = vector.shape_cast %reduce_sum3A_92 : vector<2048xf32> to vector<2048x1xf32>
    %div3A_94 = arith.constant 1.600000e+01 : f32
    %div3A_95 = vector.broadcast %div3A_94 : f32 to vector<2048x1xf32>
    %div3A_96 = arith.divf %broadcast_in_dim3A_93, %div3A_95 : vector<2048x1xf32>
    %sub3A = vector.broadcast %div3A_96 : vector<2048x1xf32> to vector<2048x16xf32>
    %sub3A_97 = arith.subf %add3A_79, %sub3A : vector<2048x16xf32>
    %square3A = arith.mulf %sub3A_97, %sub3A_97 : vector<2048x16xf32>
    %convert_element_type3A = arith.sitofp %jit3A : i32 to f32
    %sub3A_98 = arith.constant 1.600000e+01 : f32
    %sub3A_99 = arith.subf %sub3A_98, %convert_element_type3A : f32
    %reduce_sum3A_100 = arith.constant dense<0.000000e+00> : vector<2048xf32>
    %reduce_sum3A_101 = vector.multi_reduction <add>, %square3A, %reduce_sum3A_100 [1] : vector<2048x16xf32> to vector<2048xf32>
    %broadcast_in_dim3A_102 = vector.shape_cast %reduce_sum3A_101 : vector<2048xf32> to vector<2048x1xf32>
    %div3A_103 = vector.broadcast %sub3A_99 : f32 to vector<2048x1xf32>
    %div3A_104 = arith.divf %broadcast_in_dim3A_102, %div3A_103 : vector<2048x1xf32>
    %gt3A = arith.constant 0.000000e+00 : f32
    %gt3A_105 = arith.cmpf ogt, %sub3A_99, %gt3A : f32
    %jit3A_106 = arith.constant 0x7FC00000 : f32
    %broadcast_in_dim3A_107 = vector.broadcast %jit3A_106 : f32 to vector<2048x1xf32>
    %select_n3A = arith.select %gt3A_105, %div3A_104, %broadcast_in_dim3A_107 : vector<2048x1xf32>
    %sub3A_108 = vector.broadcast %div3A_90 : vector<2048x1xf32> to vector<2048x16xf32>
    %sub3A_109 = arith.subf %add3A_79, %sub3A_108 : vector<2048x16xf32>
    %add3A_110 = arith.constant 9.99999974E-6 : f32
    %add3A_111 = vector.broadcast %add3A_110 : f32 to vector<2048x1xf32>
    %add3A_112 = arith.addf %select_n3A, %add3A_111 : vector<2048x1xf32>
    %sqrt3A_113 = math.sqrt %add3A_112 : vector<2048x1xf32>
    %div3A_114 = vector.broadcast %sqrt3A_113 : vector<2048x1xf32> to vector<2048x16xf32>
    %div3A_115 = arith.divf %sub3A_109, %div3A_114 : vector<2048x16xf32>
    %mul3A_116 = vector.broadcast %get3A_82 : vector<1x16xf32> to vector<2048x16xf32>
    %mul3A_117 = arith.mulf %div3A_115, %mul3A_116 : vector<2048x16xf32>
    %add3A_118 = vector.broadcast %get3A_85 : vector<1x16xf32> to vector<2048x16xf32>
    %add3A_119 = arith.addf %mul3A_117, %add3A_118 : vector<2048x16xf32>
    %swap3A = arith.constant 0 : index
    %swap3A_120 = arith.constant 0 : index
    %swap3A_121 = vector.load %arg15[%swap3A, %swap3A_120] : memref<2048x16xf32, #tpu.memory_space<vmem>>, vector<2048x16xf32>
    tpu.vector_store %arg15[%swap3A, %swap3A_120], %add3A_119 {strides = array<i32>} : memref<2048x16xf32, #tpu.memory_space<vmem>>, vector<2048x16xf32>,
    %mul3A_122 = arith.constant 2048 : i32
    %mul3A_123 = arith.muli %arg0, %mul3A_122 : i32
    %iota3A = tpu.iota {dimensions = array<i32: 0>} : vector<2048x1xi32>
    %add3A_124 = vector.broadcast %mul3A_123 : i32 to vector<2048x1xi32>
    %add3A_125 = arith.addi %add3A_124, %iota3A : vector<2048x1xi32>
    %lt3A = arith.constant 160000 : i32
    %lt3A_126 = vector.broadcast %lt3A : i32 to vector<2048x1xi32>
    %lt3A_127 = arith.cmpi slt, %add3A_125, %lt3A_126 : vector<2048x1xi32>
    %convert_element_type3A_128 = arith.extui %lt3A_127 : vector<2048x1xi1> to vector<2048x1xi32>
    %convert_element_type3A_129 = arith.sitofp %convert_element_type3A_128 : vector<2048x1xi32> to vector<2048x1xf32>
    %slice3A_130 = vector.extract_strided_slice %mul3A_45 {offsets = [0, 0], sizes = [2048, 128], strides = [1, 1]} : vector<2048x256xf32> to vector<2048x128xf32>
    %mul3A_131 = vector.broadcast %convert_element_type3A_129 : vector<2048x1xf32> to vector<2048x128xf32>
    %mul3A_132 = arith.mulf %slice3A_130, %mul3A_131 : vector<2048x128xf32>
    %swap3A_133 = arith.constant 0 : index
    %swap3A_134 = arith.constant 0 : index
    %swap3A_135 = vector.load %arg16[%swap3A_133, %swap3A_134] : memref<2048x128xf32, #tpu.memory_space<vmem>>, vector<2048x128xf32>
    tpu.vector_store %arg16[%swap3A_133, %swap3A_134], %mul3A_132 {strides = array<i32>} : memref<2048x128xf32, #tpu.memory_space<vmem>>, vector<2048x128xf32>,
    %slice3A_136 = vector.extract_strided_slice %mul3A_45 {offsets = [0, 128], sizes = [2048, 128], strides = [1, 1]} : vector<2048x256xf32> to vector<2048x128xf32>
    %mul3A_137 = vector.broadcast %convert_element_type3A_129 : vector<2048x1xf32> to vector<2048x128xf32>
    %mul3A_138 = arith.mulf %slice3A_136, %mul3A_137 : vector<2048x128xf32>
    %swap3A_139 = arith.constant 0 : index
    %swap3A_140 = arith.constant 0 : index
    %swap3A_141 = vector.load %arg17[%swap3A_139, %swap3A_140] : memref<2048x128xf32, #tpu.memory_space<vmem>>, vector<2048x128xf32>
    tpu.vector_store %arg17[%swap3A_139, %swap3A_140], %mul3A_138 {strides = array<i32>} : memref<2048x128xf32, #tpu.memory_space<vmem>>, vector<2048x128xf32>,
    return
  }
  func.func @transform_0(%arg0: i32) -> (i32, i32) {
    %c0_i32 = arith.constant 0 : i32
    %c0_i32_0 = arith.constant 0 : i32
    return %arg0, %c0_i32 : i32, i32
  }
  func.func @transform_1(%arg0: i32) -> (i32, i32) {
    %c0_i32 = arith.constant 0 : i32
    %c0_i32_0 = arith.constant 0 : i32
    return %arg0, %c0_i32 : i32, i32
  }
  func.func @transform_2(%arg0: i32) -> (i32, i32) {
    %c0_i32 = arith.constant 0 : i32
    %c0_i32_0 = arith.constant 0 : i32
    %c0_i32_1 = arith.constant 0 : i32
    return %c0_i32, %c0_i32_0 : i32, i32
  }
  func.func @transform_3(%arg0: i32) -> (i32, i32) {
    %c0_i32 = arith.constant 0 : i32
    %c0_i32_0 = arith.constant 0 : i32
    %c0_i32_1 = arith.constant 0 : i32
    return %c0_i32, %c0_i32_0 : i32, i32
  }
  func.func @transform_4(%arg0: i32) -> (i32, i32) {
    %c0_i32 = arith.constant 0 : i32
    %c0_i32_0 = arith.constant 0 : i32
    %c0_i32_1 = arith.constant 0 : i32
    return %c0_i32, %c0_i32_0 : i32, i32
  }
  func.func @transform_5(%arg0: i32) -> (i32, i32) {
    %c0_i32 = arith.constant 0 : i32
    %c0_i32_0 = arith.constant 0 : i32
    %c0_i32_1 = arith.constant 0 : i32
    return %c0_i32, %c0_i32_0 : i32, i32
  }
  func.func @transform_6(%arg0: i32) -> (i32, i32) {
    %c0_i32 = arith.constant 0 : i32
    %c0_i32_0 = arith.constant 0 : i32
    %c0_i32_1 = arith.constant 0 : i32
    return %c0_i32, %c0_i32_0 : i32, i32
  }
  func.func @transform_7(%arg0: i32) -> (i32, i32) {
    %c0_i32 = arith.constant 0 : i32
    %c0_i32_0 = arith.constant 0 : i32
    %c0_i32_1 = arith.constant 0 : i32
    return %c0_i32, %c0_i32_0 : i32, i32
  }
  func.func @transform_8(%arg0: i32) -> (i32, i32) {
    %c0_i32 = arith.constant 0 : i32
    %c0_i32_0 = arith.constant 0 : i32
    %c0_i32_1 = arith.constant 0 : i32
    return %c0_i32, %c0_i32_0 : i32, i32
  }
  func.func @transform_9(%arg0: i32) -> (i32, i32) {
    %c0_i32 = arith.constant 0 : i32
    %c0_i32_0 = arith.constant 0 : i32
    %c0_i32_1 = arith.constant 0 : i32
    return %c0_i32, %c0_i32_0 : i32, i32
  }
  func.func @transform_10(%arg0: i32) -> (i32, i32) {
    %c0_i32 = arith.constant 0 : i32
    %c0_i32_0 = arith.constant 0 : i32
    %c0_i32_1 = arith.constant 0 : i32
    return %c0_i32, %c0_i32_0 : i32, i32
  }
  func.func @transform_11(%arg0: i32) -> (i32, i32) {
    %c0_i32 = arith.constant 0 : i32
    %c0_i32_0 = arith.constant 0 : i32
    %c0_i32_1 = arith.constant 0 : i32
    return %c0_i32, %c0_i32_0 : i32, i32
  }
  func.func @transform_12(%arg0: i32) -> (i32, i32) {
    %c0_i32 = arith.constant 0 : i32
    %c0_i32_0 = arith.constant 0 : i32
    %c0_i32_1 = arith.constant 0 : i32
    return %c0_i32, %c0_i32_0 : i32, i32
  }
  func.func @transform_13(%arg0: i32) -> (i32, i32) {
    %c0_i32 = arith.constant 0 : i32
    %c0_i32_0 = arith.constant 0 : i32
    %c0_i32_1 = arith.constant 0 : i32
    return %c0_i32, %c0_i32_0 : i32, i32
  }
  func.func @transform_14(%arg0: i32) -> (i32, i32) {
    %c0_i32 = arith.constant 0 : i32
    %c0_i32_0 = arith.constant 0 : i32
    return %arg0, %c0_i32 : i32, i32
  }
  func.func @transform_15(%arg0: i32) -> (i32, i32) {
    %c0_i32 = arith.constant 0 : i32
    %c0_i32_0 = arith.constant 0 : i32
    return %arg0, %c0_i32 : i32, i32
  }
  func.func @transform_16(%arg0: i32) -> (i32, i32) {
    %c0_i32 = arith.constant 0 : i32
    %c0_i32_0 = arith.constant 0 : i32
    return %arg0, %c0_i32 : i32, i32
  }
}

module attributes {stable_mosaic.version = 14 : i64} {
  func.func @_k3_body(%arg0: i32, %arg1: memref<2000x256xf32, #tpu.memory_space<vmem>>, %arg2: memref<2000x3xf32, #tpu.memory_space<vmem>>, %arg3: memref<2000x128xf32, #tpu.memory_space<vmem>>, %arg4: memref<2000x128xf32, #tpu.memory_space<vmem>>, %arg5: memref<256x256xf32, #tpu.memory_space<vmem>>, %arg6: memref<128x256xf32, #tpu.memory_space<vmem>>, %arg7: memref<128x256xf32, #tpu.memory_space<vmem>>, %arg8: memref<1x256xf32, #tpu.memory_space<vmem>>, %arg9: memref<256x256xf32, #tpu.memory_space<vmem>>, %arg10: memref<1x256xf32, #tpu.memory_space<vmem>>, %arg11: memref<1x256xf32, #tpu.memory_space<vmem>>, %arg12: memref<1x256xf32, #tpu.memory_space<vmem>>, %arg13: memref<2000x256xf32, #tpu.memory_space<vmem>>, %arg14: memref<2000x3xf32, #tpu.memory_space<vmem>>) attributes {dimension_semantics = [#tpu.dimension_semantics<arbitrary>], iteration_bounds = array<i64: 5>, scalar_prefetch = 0 : i64, scratch_operands = 0 : i64, tpu.core_type = #tpu.core_type<tc>, window_params = [{transform_indices = @transform_0, window_bounds = array<i64: 2000, 256>}, {transform_indices = @transform_1, window_bounds = array<i64: 2000, 3>}, {transform_indices = @transform_2, window_bounds = array<i64: 2000, 128>}, {transform_indices = @transform_3, window_bounds = array<i64: 2000, 128>}, {pipeline_mode = #tpu.pipeline_mode<synchronous>, transform_indices = @transform_4, window_bounds = array<i64: 256, 256>}, {pipeline_mode = #tpu.pipeline_mode<synchronous>, transform_indices = @transform_5, window_bounds = array<i64: 128, 256>}, {pipeline_mode = #tpu.pipeline_mode<synchronous>, transform_indices = @transform_6, window_bounds = array<i64: 128, 256>}, {pipeline_mode = #tpu.pipeline_mode<synchronous>, transform_indices = @transform_7, window_bounds = array<i64: 1, 256>}, {pipeline_mode = #tpu.pipeline_mode<synchronous>, transform_indices = @transform_8, window_bounds = array<i64: 256, 256>}, {pipeline_mode = #tpu.pipeline_mode<synchronous>, transform_indices = @transform_9, window_bounds = array<i64: 1, 256>}, {pipeline_mode = #tpu.pipeline_mode<synchronous>, transform_indices = @transform_10, window_bounds = array<i64: 1, 256>}, {pipeline_mode = #tpu.pipeline_mode<synchronous>, transform_indices = @transform_11, window_bounds = array<i64: 1, 256>}, {transform_indices = @transform_12, window_bounds = array<i64: 2000, 256>}, {transform_indices = @transform_13, window_bounds = array<i64: 2000, 3>}]} {
    %get3A = arith.constant 0 : index
    %get3A_0 = arith.constant 0 : index
    %get3A_1 = vector.load %arg1[%get3A, %get3A_0] : memref<2000x256xf32, #tpu.memory_space<vmem>>, vector<2000x256xf32>
    %get3A_2 = arith.constant 0 : index
    %get3A_3 = arith.constant 0 : index
    %get3A_4 = vector.load %arg5[%get3A_2, %get3A_3] : memref<256x256xf32, #tpu.memory_space<vmem>>, vector<256x256xf32>
    %dot_general3A = arith.constant dense<0.000000e+00> : vector<2000x256xf32>
    %dot_general3A_5 = tpu.matmul %get3A_1, %get3A_4, %dot_general3A {dimension_numbers = #tpu.dot_dimension_numbers<[1], [0], [0], [1], [0, 0, 1, 1], [], []>, transpose_lhs_hint = false} : vector<2000x256xf32>, vector<256x256xf32>, vector<2000x256xf32> -> vector<2000x256xf32>
    %get3A_6 = arith.constant 0 : index
    %get3A_7 = arith.constant 0 : index
    %get3A_8 = vector.load %arg3[%get3A_6, %get3A_7] : memref<2000x128xf32, #tpu.memory_space<vmem>>, vector<2000x128xf32>
    %get3A_9 = arith.constant 0 : index
    %get3A_10 = arith.constant 0 : index
    %get3A_11 = vector.load %arg6[%get3A_9, %get3A_10] : memref<128x256xf32, #tpu.memory_space<vmem>>, vector<128x256xf32>
    %dot_general3A_12 = arith.constant dense<0.000000e+00> : vector<2000x256xf32>
    %dot_general3A_13 = tpu.matmul %get3A_8, %get3A_11, %dot_general3A_12 {dimension_numbers = #tpu.dot_dimension_numbers<[1], [0], [0], [1], [0, 0, 1, 1], [], []>, transpose_lhs_hint = false} : vector<2000x128xf32>, vector<128x256xf32>, vector<2000x256xf32> -> vector<2000x256xf32>
    %add3A = arith.addf %dot_general3A_5, %dot_general3A_13 : vector<2000x256xf32>
    %get3A_14 = arith.constant 0 : index
    %get3A_15 = arith.constant 0 : index
    %get3A_16 = vector.load %arg4[%get3A_14, %get3A_15] : memref<2000x128xf32, #tpu.memory_space<vmem>>, vector<2000x128xf32>
    %get3A_17 = arith.constant 0 : index
    %get3A_18 = arith.constant 0 : index
    %get3A_19 = vector.load %arg7[%get3A_17, %get3A_18] : memref<128x256xf32, #tpu.memory_space<vmem>>, vector<128x256xf32>
    %dot_general3A_20 = arith.constant dense<0.000000e+00> : vector<2000x256xf32>
    %dot_general3A_21 = tpu.matmul %get3A_16, %get3A_19, %dot_general3A_20 {dimension_numbers = #tpu.dot_dimension_numbers<[1], [0], [0], [1], [0, 0, 1, 1], [], []>, transpose_lhs_hint = false} : vector<2000x128xf32>, vector<128x256xf32>, vector<2000x256xf32> -> vector<2000x256xf32>
    %add3A_22 = arith.addf %add3A, %dot_general3A_21 : vector<2000x256xf32>
    %get3A_23 = arith.constant 0 : index
    %get3A_24 = arith.constant 0 : index
    %get3A_25 = vector.load %arg8[%get3A_23, %get3A_24] : memref<1x256xf32, #tpu.memory_space<vmem>>, vector<1x256xf32>
    %add3A_26 = vector.broadcast %get3A_25 : vector<1x256xf32> to vector<2000x256xf32>
    %add3A_27 = arith.addf %add3A_22, %add3A_26 : vector<2000x256xf32>
    %logistic3A = arith.negf %add3A_27 : vector<2000x256xf32>
    %logistic3A_28 = math.exp %logistic3A : vector<2000x256xf32>
    %logistic3A_29 = arith.constant 1.000000e+00 : f32
    %logistic3A_30 = vector.broadcast %logistic3A_29 : f32 to vector<2000x256xf32>
    %logistic3A_31 = arith.addf %logistic3A_30, %logistic3A_28 : vector<2000x256xf32>
    %logistic3A_32 = arith.divf %logistic3A_30, %logistic3A_31 : vector<2000x256xf32>
    %mul3A = arith.mulf %add3A_27, %logistic3A_32 : vector<2000x256xf32>
    %get3A_33 = arith.constant 0 : index
    %get3A_34 = arith.constant 0 : index
    %get3A_35 = vector.load %arg9[%get3A_33, %get3A_34] : memref<256x256xf32, #tpu.memory_space<vmem>>, vector<256x256xf32>
    %dot_general3A_36 = arith.constant dense<0.000000e+00> : vector<2000x256xf32>
    %dot_general3A_37 = tpu.matmul %mul3A, %get3A_35, %dot_general3A_36 {dimension_numbers = #tpu.dot_dimension_numbers<[1], [0], [0], [1], [0, 0, 1, 1], [], []>, transpose_lhs_hint = false} : vector<2000x256xf32>, vector<256x256xf32>, vector<2000x256xf32> -> vector<2000x256xf32>
    %get3A_38 = arith.constant 0 : index
    %get3A_39 = arith.constant 0 : index
    %get3A_40 = vector.load %arg10[%get3A_38, %get3A_39] : memref<1x256xf32, #tpu.memory_space<vmem>>, vector<1x256xf32>
    %add3A_41 = vector.broadcast %get3A_40 : vector<1x256xf32> to vector<2000x256xf32>
    %add3A_42 = arith.addf %dot_general3A_37, %add3A_41 : vector<2000x256xf32>
    %add3A_43 = arith.addf %get3A_1, %add3A_42 : vector<2000x256xf32>
    %get3A_44 = arith.constant 0 : index
    %get3A_45 = arith.constant 0 : index
    %get3A_46 = vector.load %arg11[%get3A_44, %get3A_45] : memref<1x256xf32, #tpu.memory_space<vmem>>, vector<1x256xf32>
    %get3A_47 = arith.constant 0 : index
    %get3A_48 = arith.constant 0 : index
    %get3A_49 = vector.load %arg12[%get3A_47, %get3A_48] : memref<1x256xf32, #tpu.memory_space<vmem>>, vector<1x256xf32>
    %reduce_sum3A = arith.constant dense<0.000000e+00> : vector<2000xf32>
    %reduce_sum3A_50 = vector.multi_reduction <add>, %add3A_43, %reduce_sum3A [1] : vector<2000x256xf32> to vector<2000xf32>
    %broadcast_in_dim3A = vector.shape_cast %reduce_sum3A_50 : vector<2000xf32> to vector<2000x1xf32>
    %div3A = arith.constant 2.560000e+02 : f32
    %div3A_51 = vector.broadcast %div3A : f32 to vector<2000x1xf32>
    %div3A_52 = arith.divf %broadcast_in_dim3A, %div3A_51 : vector<2000x1xf32>
    %jit3A = arith.constant 0 : i32
    %reduce_sum3A_53 = arith.constant dense<0.000000e+00> : vector<2000xf32>
    %reduce_sum3A_54 = vector.multi_reduction <add>, %add3A_43, %reduce_sum3A_53 [1] : vector<2000x256xf32> to vector<2000xf32>
    %broadcast_in_dim3A_55 = vector.shape_cast %reduce_sum3A_54 : vector<2000xf32> to vector<2000x1xf32>
    %div3A_56 = arith.constant 2.560000e+02 : f32
    %div3A_57 = vector.broadcast %div3A_56 : f32 to vector<2000x1xf32>
    %div3A_58 = arith.divf %broadcast_in_dim3A_55, %div3A_57 : vector<2000x1xf32>
    %sub3A = vector.broadcast %div3A_58 : vector<2000x1xf32> to vector<2000x256xf32>
    %sub3A_59 = arith.subf %add3A_43, %sub3A : vector<2000x256xf32>
    %square3A = arith.mulf %sub3A_59, %sub3A_59 : vector<2000x256xf32>
    %convert_element_type3A = arith.sitofp %jit3A : i32 to f32
    %sub3A_60 = arith.constant 2.560000e+02 : f32
    %sub3A_61 = arith.subf %sub3A_60, %convert_element_type3A : f32
    %reduce_sum3A_62 = arith.constant dense<0.000000e+00> : vector<2000xf32>
    %reduce_sum3A_63 = vector.multi_reduction <add>, %square3A, %reduce_sum3A_62 [1] : vector<2000x256xf32> to vector<2000xf32>
    %broadcast_in_dim3A_64 = vector.shape_cast %reduce_sum3A_63 : vector<2000xf32> to vector<2000x1xf32>
    %div3A_65 = vector.broadcast %sub3A_61 : f32 to vector<2000x1xf32>
    %div3A_66 = arith.divf %broadcast_in_dim3A_64, %div3A_65 : vector<2000x1xf32>
    %gt3A = arith.constant 0.000000e+00 : f32
    %gt3A_67 = arith.cmpf ogt, %sub3A_61, %gt3A : f32
    %jit3A_68 = arith.constant 0x7FC00000 : f32
    %broadcast_in_dim3A_69 = vector.broadcast %jit3A_68 : f32 to vector<2000x1xf32>
    %select_n3A = arith.select %gt3A_67, %div3A_66, %broadcast_in_dim3A_69 : vector<2000x1xf32>
    %sub3A_70 = vector.broadcast %div3A_52 : vector<2000x1xf32> to vector<2000x256xf32>
    %sub3A_71 = arith.subf %add3A_43, %sub3A_70 : vector<2000x256xf32>
    %add3A_72 = arith.constant 9.99999974E-6 : f32
    %add3A_73 = vector.broadcast %add3A_72 : f32 to vector<2000x1xf32>
    %add3A_74 = arith.addf %select_n3A, %add3A_73 : vector<2000x1xf32>
    %sqrt3A = math.sqrt %add3A_74 : vector<2000x1xf32>
    %div3A_75 = vector.broadcast %sqrt3A : vector<2000x1xf32> to vector<2000x256xf32>
    %div3A_76 = arith.divf %sub3A_71, %div3A_75 : vector<2000x256xf32>
    %mul3A_77 = vector.broadcast %get3A_46 : vector<1x256xf32> to vector<2000x256xf32>
    %mul3A_78 = arith.mulf %div3A_76, %mul3A_77 : vector<2000x256xf32>
    %add3A_79 = vector.broadcast %get3A_49 : vector<1x256xf32> to vector<2000x256xf32>
    %add3A_80 = arith.addf %mul3A_78, %add3A_79 : vector<2000x256xf32>
    %swap3A = arith.constant 0 : index
    %swap3A_81 = arith.constant 0 : index
    %swap3A_82 = vector.load %arg13[%swap3A, %swap3A_81] : memref<2000x256xf32, #tpu.memory_space<vmem>>, vector<2000x256xf32>
    tpu.vector_store %arg13[%swap3A, %swap3A_81], %add3A_80 {strides = array<i32>} : memref<2000x256xf32, #tpu.memory_space<vmem>>, vector<2000x256xf32>,
    %get3A_83 = arith.constant 0 : index
    %get3A_84 = arith.constant 0 : index
    %get3A_85 = vector.load %arg2[%get3A_83, %get3A_84] : memref<2000x3xf32, #tpu.memory_space<vmem>>, vector<2000x3xf32>
    %swap3A_86 = arith.constant 0 : index
    %swap3A_87 = arith.constant 0 : index
    %swap3A_88 = vector.load %arg14[%swap3A_86, %swap3A_87] : memref<2000x3xf32, #tpu.memory_space<vmem>>, vector<2000x3xf32>
    tpu.vector_store %arg14[%swap3A_86, %swap3A_87], %get3A_85 {strides = array<i32>} : memref<2000x3xf32, #tpu.memory_space<vmem>>, vector<2000x3xf32>,
    return
  }
  func.func @transform_0(%arg0: i32) -> (i32, i32) {
    %c0_i32 = arith.constant 0 : i32
    %c0_i32_0 = arith.constant 0 : i32
    return %arg0, %c0_i32 : i32, i32
  }
  func.func @transform_1(%arg0: i32) -> (i32, i32) {
    %c0_i32 = arith.constant 0 : i32
    %c0_i32_0 = arith.constant 0 : i32
    return %arg0, %c0_i32 : i32, i32
  }
  func.func @transform_2(%arg0: i32) -> (i32, i32) {
    %c0_i32 = arith.constant 0 : i32
    %c0_i32_0 = arith.constant 0 : i32
    return %arg0, %c0_i32 : i32, i32
  }
  func.func @transform_3(%arg0: i32) -> (i32, i32) {
    %c0_i32 = arith.constant 0 : i32
    %c0_i32_0 = arith.constant 0 : i32
    return %arg0, %c0_i32 : i32, i32
  }
  func.func @transform_4(%arg0: i32) -> (i32, i32) {
    %c0_i32 = arith.constant 0 : i32
    %c0_i32_0 = arith.constant 0 : i32
    %c0_i32_1 = arith.constant 0 : i32
    return %c0_i32, %c0_i32_0 : i32, i32
  }
  func.func @transform_5(%arg0: i32) -> (i32, i32) {
    %c0_i32 = arith.constant 0 : i32
    %c0_i32_0 = arith.constant 0 : i32
    %c0_i32_1 = arith.constant 0 : i32
    return %c0_i32, %c0_i32_0 : i32, i32
  }
  func.func @transform_6(%arg0: i32) -> (i32, i32) {
    %c0_i32 = arith.constant 0 : i32
    %c0_i32_0 = arith.constant 0 : i32
    %c0_i32_1 = arith.constant 0 : i32
    return %c0_i32, %c0_i32_0 : i32, i32
  }
  func.func @transform_7(%arg0: i32) -> (i32, i32) {
    %c0_i32 = arith.constant 0 : i32
    %c0_i32_0 = arith.constant 0 : i32
    %c0_i32_1 = arith.constant 0 : i32
    return %c0_i32, %c0_i32_0 : i32, i32
  }
  func.func @transform_8(%arg0: i32) -> (i32, i32) {
    %c0_i32 = arith.constant 0 : i32
    %c0_i32_0 = arith.constant 0 : i32
    %c0_i32_1 = arith.constant 0 : i32
    return %c0_i32, %c0_i32_0 : i32, i32
  }
  func.func @transform_9(%arg0: i32) -> (i32, i32) {
    %c0_i32 = arith.constant 0 : i32
    %c0_i32_0 = arith.constant 0 : i32
    %c0_i32_1 = arith.constant 0 : i32
    return %c0_i32, %c0_i32_0 : i32, i32
  }
  func.func @transform_10(%arg0: i32) -> (i32, i32) {
    %c0_i32 = arith.constant 0 : i32
    %c0_i32_0 = arith.constant 0 : i32
    %c0_i32_1 = arith.constant 0 : i32
    return %c0_i32, %c0_i32_0 : i32, i32
  }
  func.func @transform_11(%arg0: i32) -> (i32, i32) {
    %c0_i32 = arith.constant 0 : i32
    %c0_i32_0 = arith.constant 0 : i32
    %c0_i32_1 = arith.constant 0 : i32
    return %c0_i32, %c0_i32_0 : i32, i32
  }
  func.func @transform_12(%arg0: i32) -> (i32, i32) {
    %c0_i32 = arith.constant 0 : i32
    %c0_i32_0 = arith.constant 0 : i32
    return %arg0, %c0_i32 : i32, i32
  }
  func.func @transform_13(%arg0: i32) -> (i32, i32) {
    %c0_i32 = arith.constant 0 : i32
    %c0_i32_0 = arith.constant 0 : i32
    return %arg0, %c0_i32 : i32, i32
  }
}

</mosaic_0001>

<sc_bundles>
// kernel: kernel.10.cloned.1.call-start
scs
__scs_entry_jumppad:
0x0: {  	(pc) =	sbr.rel $0x88, $3  }
0x1: {  	(tag) =	ssettag $0x0;
	lr =	simm.s32 $0x1  }
0x2: {  	[smem:$0x3F8D] =	sst lr;
	_ =	strace $0xD0000000  }
0x3: {  	_ = 	snop  }
0x4: {  	_ = 	snop  }
0x5: {  	_ = 	snop  }
0x6: {  	_ = 	snop  }
0x7: {  	_ = 	snop  }
__scs_overlays_trampoline_lowered:
0x8: {  	[smem:$0x3F9C] =	sst s0  }
0x9: {  	[smem:$0x3F9D] =	sst s1  }
0xa: {  	[smem:$0x3F9E] =	sst s2  }
0xb: {  	[smem:$0x3F9F] =	sst s3  }
0xc: {  	[smem:$0x3FA0] =	sst s4  }
0xd: {  	[smem:$0x3FA1] =	sst s5  }
0xe: {  	[smem:$0x3FA2] =	sst s6  }
0xf: {  	[smem:$0x3FA3] =	sst s7  }
0x10: {  	[smem:$0x3FA4] =	sst s8  }
0x11: {  	[smem:$0x3FA5] =	sst s9;
	s0 =	simm.s32 @!p0 $0x0  }
0x12: {  	s1 =	sld [smem:$0x3F8B];
	s0 =	simm.s32 @p0 $0x1  }
0x13: {  	[smem:$0x3FA6] =	sst s0;
	s0 =	simm.s32 @!p1 $0x0  }
0x14: {  	s2 =	sld [smem:$0x3F8A];
	s0 =	simm.s32 @p1 $0x1  }
0x15: {  	[smem:$0x3FA7] =	sst s0;
	s0 =	simm.s32 @!p2 $0x0  }
0x16: {  	s3 =	sld [smem:$0x3FDB];
	s0 =	simm.s32 @p2 $0x1  }
0x17: {  	s4 =	simm.s32 $0x1BF5;
	[smem:$0x3FA9] =	sst s0  }
0x18: {  	s0 =	sld [smem:$0x3F8C];
	_ =	swait.ge [sflag:s4], $0x0  }
0x19: {  	s7 =	sld [smem:$0x3F8D]  }
0x1a: {  	s8 =	sadd.s32 $0xFFFFE003, lr  }
0x1b: {  	s9 =	sadd.s32 $0xFFFFFEF7, lr;
	s5 =	simm.s32 $0xFFFFFFFF;
	p2 =	slt.u32 s8, $0xFFFFF086  }
0x1c: {  	p1 =	slt.u32 s9, $0xF7A;
	s5 =	simm.s32 @!p2 $0x0  }
0x1d: {  	s5 =	simm.s32 @p1 $0x1;
	p0 =	seq.s32 s7, s2  }
0x1e: {  	s7 =	smul.u32 @!p0 $0xF7A, s2;
	p2 =	seq.s32 @!p0 s5, $0x0  }
0x1f: {  	s9 =	smul.u32 $0xF7A, s1;
	s8 =	simm.s32 @!p0 $0x1BF5;
	p2 =	por !p2, p0  }
0x20: {  	[sflag:s8] =	ssyncset.s32 @!p0 $0xFFFFF086;
	s6 =	sadd.s32 @!p0 s3, s7;
	s7 =	simm.s32 @!p0 $0x108  }
0x21: {  	s3 =	sadd.s32 s3, s9;
	s6 =	sadd.s32 @!p0 $0x88, s6;
	s7 =	simm.s32 @p2 $0x1082  }
0x22: {  	[simem:s7], [sflag:s8] =	dma.local @!p0 [hbm:s6], $0xF7A  }
0x23: {  	s9 =	sor.u32 $0xD0000000, s2;
	s6 =	simm.s32 $0x108;
	_ =	swait.ge @!p0 [sflag:s8], $0x0  }
0x24: {  	s3 =	sadd.s32 $0x88, s3;
	s6 =	simm.s32 @!p1 $0x1082;
	[sflag:s4] =	ssyncset.s32 $0xFFFFF086  }
0x25: {  	[simem:s6], [sflag:s4] =	dma.local [hbm:s3], $0xF7A  }
0x26: {  	[smem:$0x3F8D] =	sst s1;
	(tag) =	ssettag s2;
	_ =	strace s9  }
0x27: {  	s1 =	sld [smem:$0x3F9D]  }
0x28: {  	s2 =	sld [smem:$0x3F9E]  }
0x29: {  	s4 =	sld [smem:$0x3FA0]  }
0x2a: {  	p0 =	seq.s32 s5, $0x0;
	s5 =	sld [smem:$0x3FA1]  }
0x2b: {  	s6 =	sld [smem:$0x3FA2]  }
0x2c: {  	s7 =	sld [smem:$0x3FA3]  }
0x2d: {  	s3 =	simm.s32 $0x108;
	s8 =	sld [smem:$0x3FA4]  }
0x2e: {  	s3 =	simm.s32 @!p0 $0x1082;
	s9 =	sld [smem:$0x3FA5]  }
0x2f: {  	lr =	sadd.s32 s0, s3;
	s0 =	sld [smem:$0x3F9C]  }
0x30: {  	s3 =	sld [smem:$0x3F9F]  }
0x31: {  	[smem:$0x3FA8] =	sst s10  }
0x32: {  	s10 =	sld [smem:$0x3FA6];
	_ =	sdelay $0x3  }
0x33: {  	p0 =	seq.s32 s10, $0x1;
	s10 =	sld [smem:$0x3FA8];
	_ =	sdelay $0x3  }
0x34: {  	[smem:$0x3FA8] =	sst s10  }
0x35: {  	s10 =	sld [smem:$0x3FA7];
	_ =	sdelay $0x3  }
0x36: {  	p1 =	seq.s32 s10, $0x1;
	s10 =	sld [smem:$0x3FA8];
	_ =	sdelay $0x3  }
0x37: {  	[smem:$0x3FA8] =	sst s10  }
0x38: {  	s10 =	sld [smem:$0x3FA9]  }
0x39: {  	_ = 	snop;
	(pc) =	sbr.ind lr, $3  }
0x3a: {  	_ = 	snop  }
0x3b: {  	_ = 	snop  }
0x3c: {  	p2 =	seq.s32 s10, $0x1;
	s10 =	sld [smem:$0x3FA8]  }
0x3d: {  	_ =	shalt  }
0x3e: {  	_ =	shalt  }
0x3f: {  	_ =	shalt  }
0x40: {  	_ =	shalt  }
0x41: {  	_ =	shalt  }
0x42: {  	_ =	shalt  }
0x43: {  	_ =	shalt  }
0x44: {  	_ =	shalt  }
0x45: {  	_ =	shalt  }
0x46: {  	_ =	shalt  }
0x47: {  	_ =	shalt  }
0x48: {  	_ =	shalt  }
0x49: {  	_ =	shalt  }
0x4a: {  	_ =	shalt  }
0x4b: {  	_ =	shalt  }
0x4c: {  	_ =	shalt  }
0x4d: {  	_ =	shalt  }
0x4e: {  	_ =	shalt  }
0x4f: {  	_ =	shalt  }
0x50: {  	_ =	shalt  }
0x51: {  	_ =	shalt  }
0x52: {  	_ =	shalt  }
0x53: {  	_ =	shalt  }
0x54: {  	_ =	shalt  }
0x55: {  	_ =	shalt  }
0x56: {  	_ =	shalt  }
0x57: {  	_ =	shalt  }
0x58: {  	_ =	shalt  }
0x59: {  	_ =	shalt  }
0x5a: {  	_ =	shalt  }
0x5b: {  	_ =	shalt  }
0x5c: {  	_ =	shalt  }
0x5d: {  	_ =	shalt  }
0x5e: {  	_ =	shalt  }
0x5f: {  	_ =	shalt  }
0x60: {  	_ =	shalt  }
0x61: {  	_ =	shalt  }
0x62: {  	_ =	shalt  }
0x63: {  	_ =	shalt  }
0x64: {  	_ =	shalt  }
0x65: {  	_ =	shalt  }
0x66: {  	_ =	shalt  }
0x67: {  	_ =	shalt  }
0x68: {  	_ =	shalt  }
0x69: {  	_ =	shalt  }
0x6a: {  	_ =	shalt  }
0x6b: {  	_ =	shalt  }
0x6c: {  	_ =	shalt  }
0x6d: {  	_ =	shalt  }
0x6e: {  	_ =	shalt  }
0x6f: {  	_ =	shalt  }
0x70: {  	_ =	shalt  }
0x71: {  	_ =	shalt  }
0x72: {  	_ =	shalt  }
0x73: {  	_ =	shalt  }
0x74: {  	_ =	shalt  }
0x75: {  	_ =	shalt  }
0x76: {  	_ =	shalt  }
0x77: {  	_ =	shalt  }
0x78: {  	_ =	shalt  }
0x79: {  	_ =	shalt  }
0x7a: {  	_ =	shalt  }
0x7b: {  	_ =	shalt  }
0x7c: {  	_ =	shalt  }
0x7d: {  	_ =	shalt  }
0x7e: {  	_ =	shalt  }
0x7f: {  	_ =	shalt  }
0x80: {  	_ =	shalt  }
0x81: {  	_ =	shalt  }
0x82: {  	_ =	shalt  }
0x83: {  	_ =	shalt  }
0x84: {  	_ =	shalt  }
0x85: {  	_ =	shalt  }
0x86: {  	_ =	shalt  }
0x87: {  	_ =	shalt  }
.Lfunc_end0:
.L_simem_size_0:
called_computation.1_lowered:
.L_overlay_start_0:
0x88: {  	s2 =	sld [smem:$0x3FD9]  }
0x89: {  	s3 =	sld [smem:$0x3FFE];
	_ =	sdelay $0x1  }
0x8a: {  	s1 =	srdreg.scid  }
0x8b: {  	s0 =	sand.u32 $0x1, s1  }
0x8c: {  	s14 =	sshll.u32 s0, $0xA;
	s2 =	sadd.s32 s3, s2  }
0x8d: {  	s2 =	sadd.s32 s2, s14  }
0x8e: {  	[smem:$0x3FB4] =	sst s2  }
0x8f: {  	_ = 	snop  }
0x90: {  	s2 =	sld [smem:$0x3FD0];
	_ =	sdelay $0x2  }
0x91: {  	s15 =	simm.s32 $0xA;
	s4 =	simm.s32 $0x10  }
0x92: {  	[smem:s4], [sflag:s15] =	dma.local [hbm:s2], $0x1  }
0x93: {  	_ =	swait.eq [sflag:s15], $0x1  }
0x94: {  	[sflag:s15] =	ssyncset.done $0x0  }
0x95: {  	[sflag:s15] =	ssyncadd.s32 $0xFFFFFFFF  }
0x96: {  	s16 =	sld [smem:$0x10];
	(tm) =	ssettm $0x1  }
0x97: {  	s17 =	sld [smem:$0x3FFB];
	_ =	sdelay $0x3  }
0x98: {  	_ =	strace s17  }
0x99: {  	s3 =	sld [smem:$0x3FFC];
	_ =	sdelay $0x3  }
0x9a: {  	_ =	strace s3  }
0x9b: {  	s3 =	sld [smem:$0x3FFD];
	_ =	sdelay $0x3  }
0x9c: {  	_ =	strace s3  }
0x9d: {  	_ =	strace $0x8FFFFFFF  }
0x9e: {  	s18 =	sld [smem:$0x3FDB];
	_ =	sdelay $0x1  }
0x9f: {  	s19 =	simm.s32 $_scs_section_size  }
0xa0: {  	s5 =	simm.s32 $_size__tile_overlayer_lowered;
	s6 =	simm.s32 $_tile_overlayer_lowered  }
0xa1: {  	s22 =	simm.s32 $0x1BFF;
	s21 =	sshll.u32 s6, $0x1;
	s3 =	sadd.s32 s19, s18  }
0xa2: {  	s7 =	simm.s32 $0x0;
	s20 =	sshll.u32 s5, $0x1;
	s5 =	sadd.s32 s21, s3  }
0xa3: {  	[timem:s7], [sflag:s22] =	dma.local [hbm:s5], s20  }
0xa4: {  	_ =	swait.ge [sflag:s22], s20  }
0xa5: {  	s4 =	ssub.s32 $0x0, s20;
	[sflag:s22] =	ssyncset.done $0x0  }
0xa6: {  	[sflag:s22] =	ssyncadd.s32 s4;
	_ =	sdelay $0x1  }
0xa7: {  	s23 =	simm.s32 $0x1B8B  }
0xa8: {  	_ =	swait.ge [sflag:s23], $0x1  }
0xa9: {  	[sflag:s23] =	ssyncset.done $0x0  }
0xaa: {  	s25 =	simm.s32 $0x1B8E;
	s24 =	sld [smem:$0x3FFE];
	[sflag:s23] =	ssyncadd.s32 $0xFFFFFFFF  }
0xab: {  	s26 =	simm.s32 $execute0_lowered;
	[smem:$0x3FD2] =	sst s25  }
0xac: {  	s5 =	sshll.u32 s26, $0x1;
	_ =	strace $0x80000049;
	[dreg:$0x1] =	wrdreg $0xFFFFFFFF  }
0xad: {  	s28 =	simm.s32 $_size_execute0_lowered;
	s3 =	sadd.s32 s3, s5;
	[dreg:$0x0] =	wrdreg $0x0  }
0xae: {  	s5 =	sshll.u32 s28, $0x1;
	[dreg:$0x2] =	wrdreg s3  }
0xaf: {  	[dreg:$0x3] =	wrdreg s5  }
0xb0: {  	[dreg:$0x4] =	wrdreg $0xC0  }
0xb1: {  	_ =	task [dreg:s7], $0x5FFFF  }
0xb2: {  	[dreg:$0x1] =	wrdreg $0xFFFFFFFF  }
0xb3: {  	[dreg:$0x0] =	wrdreg $0x60  }
0xb4: {  	[dreg:$0x2] =	wrdreg s24  }
0xb5: {  	[dreg:$0x3] =	wrdreg s16  }
0xb6: {  	[dreg:$0x4] =	wrdreg $0xA8000  }
0xb7: {  	[dreg:$0x5] =	wrdreg $0x9  }
0xb8: {  	_ =	task.clear_ibuf [dreg:s7], $0x6FFFF;
	_ =	strace $0x90000049  }
0xb9: {  	s29 =	simm.s32 $0x9;
	_ =	strace $0x8000004B  }
0xba: {  	_ =	swait.ge [sflag:s29], $0x1  }
0xbb: {  	[sflag:s29] =	ssyncadd.s32 $0xFFFFFFFF  }
0xbc: {  	_ =	strace $0x9000004B  }
0xbd: {  	_ =	sfence  }
0xbe: {  	s30 =	sld [smem:$0x0];
	_ =	sdelay $0x2  }
0xbf: {  	s31 =	sshll.u32 s1, $0xD;
	s1 =	sshrl.u32 s1, $0x2  }
0xc0: {  	s3 =	sand.u32 $0x4000, s31;
	s1 =	sadd.s32 s1, s30  }
0xc1: {  	s0 =	sor.u32 s3, s0;
	s1 =	sshll.u32 s1, $0x11  }
0xc2: {  	s0 =	sor.u32 s1, s0  }
0xc3: {  	s0 =	sadd.s32 $0x8F2B, s0  }
0xc4: {  	[sflag:s0] =	ssyncadd.remote.s32 $0x1  }
0xc5: {  	_ =	sfence.sel $0xFFFF  }
0xc6: {  	[dreg:$0x0] =	wrdreg $0xFFFFFFFF;
	(pc) =	sbr.abs _section_cstart, $3  }
0xc7: {  	[dreg:$0x1] =	wrdreg $0xFFFFFFFF  }
0xc8: {  	_ =	task.clear_ibuf [dreg:s7], $0x2FFFF;
	_ =	strace $0x9FFFFFFF  }
0xc9: {  	(tm) =	ssettm $0x7FFFFFFF  }
tec
execute0_lowered:
.L_overlay_start_1:
0x0: {  	(tag) =	ssettag $0x1  }
0x1: {  	s0 =	rddreg [dreg:$0x0];
	s1 =	stileid.u32  }
0x2: {  	s3 =	rddreg [dreg:$0x2];
	s4 =	simm.s32 $0x0;
	s2 =	smul.u32 $0x28000, s1  }
0x3: {  	s5 =	srdreg.scid;
	s29 =	simm.s32 $0x3;
	s6 =	smul.u32 $0x500, s1  }
0x4: {  	s30 =	simm.s32 $0x2800;
	s31 =	simm.s32 $0x6800;
	s9 =	smul.u32 $0x50000, s1  }
0x5: {  	s10 =	simm.s32 $0x0;
	[smem:$0x7FF] =	sst s4;
	s26 =	smul.u32 $0x280, s1  }
0x6: {  	s5 =	sand.u32 $0x1, s5;
	s28 =	smul.u32 $0x2800, s1;
	_ =	strace $0x8000004A  }
0x7: {  	s7 =	ssub.s32 $0x2, s5;
	p0 =	sne.s32 s5, $0x0;
	s5 =	simm.s32 $0x2  }
0x8: {  	s2 =	sadd.s32 s2, s0;
	s6 =	sadd.s32 s6, s0;
	s8 =	sshrl.u32 s7, $0x1  }
0x9: {  	s0 =	sadd.s32 $0x2FC00, s0;
	s21 =	sshrl.u32 s9, $0x2;
	s17 =	sadd.s32 $0x200, s26  }
0xa: {  	s18 =	sadd.s32 $0x180, s26;
	s19 =	sadd.s32 $0x100, s26;
	[dreg:$0x4] =	wrdreg s0  }
0xb: {  	s20 =	ssub.s32 s7, s8;
	s6 =	sadd.s32 $0x2AC00, s6;
	s22 =	sadd.s32 $0x128B400, s2  }
0xc: {  	s23 =	sadd.s32 $0x128BC00, s2;
	s9 =	sadd.s32 s21, s3;
	[dreg:$0x5] =	wrdreg s6  }
0xd: {  	s24 =	sadd.s32 $0x100B400, s2;
	s25 =	sadd.s32 $0x100BC00, s2;
	[dreg:$0x6] =	wrdreg s22  }
0xe: {  	s21 =	sshll.u32 s18, $0x4;
	s8 =	sadd.s32 $0x100CC00, s2;
	[dreg:$0x7] =	wrdreg s23  }
.Ltmp0:
0xf: {  	s0 =	simm.s32 $0x1;
	[dreg:$0x8] =	wrdreg s24;
	(pc) =	sbr.rel .LBB2_1-.Ltmp0, $4  }
0x10: {  	[dreg:$0x9] =	wrdreg s25;
	s12 =	smax.u32 s20, $0x1;
	s13 =	sadd.s32 $0x4000, s9  }
0x11: {  	s14 =	sadd.s32 $0x8000, s9;
	s15 =	sadd.s32 $0xC000, s9;
	s16 =	sadd.s32 $0x10000, s9  }
0x12: {  	s20 =	sshll.u32 s17, $0x4;
	s22 =	sshll.u32 s19, $0x4;
	s23 =	sadd.s32 $0x80, s26  }
0x13: {  	v0 =	vimm.f32 $0.0e+00;
	s24 =	sadd.s32 $0x128CC00, s2;
	s2 =	simm.s32 $0x80;
	s26 =	sshll.u32 s23, $0x4  }
.LBB2_9:
0x14: {  	[tilespmem:s31], [sflag:$0x2] =	stream.linear.gather [hbm4b:s25+s4], $0x4000, $0x38;
	[tilespmem:$0x1E800] =	vst v63  }
0x15: {  	s11 =	rddreg [dreg:$0x4]  }
.LBB2_10:
0x16: {  	_ =	swait.ge [sflag:s0], $0x4000  }
0x17: {  	[sflag:s0] =	ssyncset.done $0x0  }
0x18: {  	s1 =	simm.s32 $0x2700;
	[sflag:s0] =	ssyncadd.s32 $0xFFFFC000  }
0x19: {  	[spmem:s3] =	stream.indirect.scatter.add.f32 [tilespmem:s30], [sflag:$0x3], $0x80, s1, s2, $0xb8;
	[tilespmem:$0x1E800] =	vst v63  }
0x1a: {  	_ =	swait.ge [sflag:s29], $0x4000  }
0x1b: {  	[sflag:s29] =	ssyncset.done $0x0  }
0x1c: {  	[sflag:s29] =	ssyncadd.s32 $0xFFFFC000  }
0x1d: {  	_ =	swait.ge [sflag:s5], $0x4000  }
0x1e: {  	[sflag:s5] =	ssyncset.done $0x0  }
0x1f: {  	s7 =	simm.s32 $0x2780;
	[sflag:s5] =	ssyncadd.s32 $0xFFFFC000  }
0x20: {  	[spmem:s3] =	stream.indirect.scatter.add.f32 [tilespmem:s31], [sflag:$0x3], $0x80, s7, s2, $0xb8;
	[tilespmem:$0x1E800] =	vst v63  }
0x21: {  	_ =	swait.ge [sflag:s29], $0x4000  }
0x22: {  	s6 =	stileid.u32;
	[sflag:s29] =	ssyncset.done $0x0  }
0x23: {  	s25 =	sadd.s32 s11, s28;
	s6 =	sshll.u32 s6, $0x6;
	[sflag:s29] =	ssyncadd.s32 $0xFFFFC000  }
0x24: {  	s6 =	sor.u32 $0x1C03, s6;
	s7 =	sshrl.u32 s9, $0x3;
	[bflag:$0x0] =	sbarrier.arrive $0xFFFF  }
0x25: {  	[hbm:s25], [sflag:s6] =	dma.local [spmem:s7], $0x800  }
0x26: {  	s7 =	sshll.u32 s23, $0x7;
	_ =	swait.ge [sflag:s29], $0x800  }
0x27: {  	s1 =	sadd.s32 s7, s3;
	[sflag:s29] =	ssyncset.done $0x0  }
0x28: {  	s25 =	sadd.s32 s11, s26;
	s1 =	sshrl.u32 s1, $0x3;
	[sflag:s29] =	ssyncadd.s32 $0xFFFFF800  }
0x29: {  	[hbm:s25], [sflag:s6] =	dma.local [spmem:s1], $0x800  }
0x2a: {  	s7 =	sshll.u32 s19, $0x7;
	_ =	swait.ge [sflag:s29], $0x800  }
0x2b: {  	s1 =	sadd.s32 s7, s3;
	[sflag:s29] =	ssyncset.done $0x0  }
0x2c: {  	s25 =	sadd.s32 s11, s22;
	s1 =	sshrl.u32 s1, $0x3;
	[sflag:s29] =	ssyncadd.s32 $0xFFFFF800  }
0x2d: {  	[hbm:s25], [sflag:s6] =	dma.local [spmem:s1], $0x800  }
0x2e: {  	s7 =	sshll.u32 s18, $0x7;
	_ =	swait.ge [sflag:s29], $0x800  }
0x2f: {  	s10 =	sadd.s32 $0x1, s10;
	s1 =	sadd.s32 s7, s3;
	[sflag:s29] =	ssyncset.done $0x0  }
0x30: {  	s25 =	sadd.s32 s11, s21;
	s1 =	sshrl.u32 s1, $0x3;
	[sflag:s29] =	ssyncadd.s32 $0xFFFFF800  }
0x31: {  	[hbm:s25], [sflag:s6] =	dma.local [spmem:s1], $0x800  }
0x32: {  	p1 =	sne.s32 s10, s12;
	s7 =	sshll.u32 s17, $0x7;
	_ =	swait.ge [sflag:s29], $0x800  }
0x33: {  	s1 =	sadd.s32 s7, s3;
	s25 =	sadd.s32 s11, s20;
	[sflag:s29] =	ssyncset.done $0x0  }
.Ltmp1:
0x34: {  	s1 =	sshrl.u32 s1, $0x3;
	[sflag:s29] =	ssyncadd.s32 $0xFFFFF800;
	(pc) =	sbr.rel @!p1 .LBB2_11-.Ltmp1, $4  }
0x35: {  	[hbm:s25], [sflag:s6] =	dma.local [spmem:s1], $0x800  }
0x36: {  	_ =	swait.ge [sflag:s29], $0x800  }
0x37: {  	[sflag:s29] =	ssyncset.done $0x0  }
0x38: {  	[sflag:s29] =	ssyncadd.s32 $0xFFFFF800  }
.LBB2_1:
0x39: {  	s1 =	rddreg [dreg:$0x5]  }
0x3a: {  	[tilespmem:s4], [sflag:$0x3] =	stream.linear.gather [hbm4b:s1+s4], $0x2800, $0x38;
	[tilespmem:$0x1E800] =	vst v63  }
0x3b: {  	_ =	swait.ge [sflag:s29], $0x2800  }
0x3c: {  	[sflag:s29] =	ssyncset.done $0x0  }
0x3d: {  	s7 =	simm.s32 $0x0;
	s11 =	simm.s32 $0x200;
	[sflag:s29] =	ssyncadd.s32 $0xFFFFD800  }
.LBB2_2:
0x3e: {  	p1 =	sne.s32 s11, $0xFE00;
	[tilespmem:s7+$0x2870] =	vst v0  }
0x3f: {  	[tilespmem:s7+$0x2800] =	vst v0  }
0x40: {  	[tilespmem:s7+$0x2810] =	vst v0  }
.Ltmp2:
0x41: {  	[tilespmem:s7+$0x2820] =	vst v0;
	(pc) =	sbr.rel @p1 .LBB2_2-.Ltmp2, $4  }
0x42: {  	[tilespmem:s7+$0x2830] =	vst v0  }
0x43: {  	[tilespmem:s7+$0x2840] =	vst v0  }
0x44: {  	[tilespmem:s7+$0x2850] =	vst v0  }
0x45: {  	[tilespmem:s7+$0x2860] =	vst v0;
	s7 =	sshra.s32 s11, $0x2;
	s11 =	sadd.s32 $0x200, s11  }
0x46: {  	[tilespmem:s7+$0x2870] =	vst v0  }
0x47: {  	[tilespmem:s7+$0x2800] =	vst v0  }
0x48: {  	[tilespmem:s7+$0x2810] =	vst v0  }
0x49: {  	[tilespmem:s7+$0x2820] =	vst v0  }
0x4a: {  	[tilespmem:s7+$0x2830] =	vst v0  }
0x4b: {  	[tilespmem:s7+$0x2840] =	vst v0  }
0x4c: {  	[tilespmem:s7+$0x2850] =	vst v0  }
0x4d: {  	[tilespmem:s7+$0x2860] =	vst v0  }
0x4e: {  	[spmem:s9] =	stream.linear.scatter [tilespmem:s30], [sflag:$0x3], $0x4000, $0x38;
	[tilespmem:$0x1E800] =	vst v63  }
0x4f: {  	_ =	swait.ge [sflag:s29], $0x4000  }
0x50: {  	[sflag:s29] =	ssyncset.done $0x0  }
0x51: {  	[sflag:s29] =	ssyncadd.s32 $0xFFFFC000  }
0x52: {  	[spmem:s13] =	stream.linear.scatter [tilespmem:s30], [sflag:$0x3], $0x4000, $0x38;
	[tilespmem:$0x1E800] =	vst v63  }
0x53: {  	_ =	swait.ge [sflag:s29], $0x4000  }
0x54: {  	[sflag:s29] =	ssyncset.done $0x0  }
0x55: {  	[sflag:s29] =	ssyncadd.s32 $0xFFFFC000  }
0x56: {  	[spmem:s14] =	stream.linear.scatter [tilespmem:s30], [sflag:$0x3], $0x4000, $0x38;
	[tilespmem:$0x1E800] =	vst v63  }
0x57: {  	_ =	swait.ge [sflag:s29], $0x4000  }
0x58: {  	[sflag:s29] =	ssyncset.done $0x0  }
0x59: {  	[sflag:s29] =	ssyncadd.s32 $0xFFFFC000  }
0x5a: {  	[spmem:s15] =	stream.linear.scatter [tilespmem:s30], [sflag:$0x3], $0x4000, $0x38;
	[tilespmem:$0x1E800] =	vst v63  }
0x5b: {  	_ =	swait.ge [sflag:s29], $0x4000  }
0x5c: {  	[sflag:s29] =	ssyncset.done $0x0  }
0x5d: {  	[sflag:s29] =	ssyncadd.s32 $0xFFFFC000  }
0x5e: {  	[spmem:s16] =	stream.linear.scatter [tilespmem:s30], [sflag:$0x3], $0x4000, $0x38;
	[tilespmem:$0x1E800] =	vst v63  }
.Ltmp3:
0x5f: {  	_ =	swait.ge [sflag:s29], $0x4000;
	(pc) =	sbr.rel @p0 .LBB2_7-.Ltmp3, $3  }
0x60: {  	[sflag:s29] =	ssyncset.done $0x0  }
0x61: {  	[sflag:s29] =	ssyncadd.s32 $0xFFFFC000  }
0x62: {  	[bflag:$0x0] =	sbarrier.arrive $0xFFFF;
	_ =	sdelay $0x1  }
0x63: {  	s7 =	simm.s32 $0x0;
	s1 =	rddreg [dreg:$0x8]  }
0x64: {  	[tilespmem:s30], [sflag:$0x1] =	stream.linear.gather [hbm4b:s1+s7], $0x4000, $0x38;
	[tilespmem:$0x1E800] =	vst v63  }
0x65: {  	s25 =	rddreg [dreg:$0x9]  }
0x66: {  	[tilespmem:s31], [sflag:$0x2] =	stream.linear.gather [hbm4b:s25+s7], $0x4000, $0x38;
	[tilespmem:$0x1E800] =	vst v63  }
0x67: {  	_ =	swait.ge [sflag:s0], $0x4000  }
0x68: {  	[sflag:s0] =	ssyncset.done $0x0  }
0x69: {  	s6 =	simm.s32 $0x0;
	[sflag:s0] =	ssyncadd.s32 $0xFFFFC000  }
0x6a: {  	[spmem:s3] =	stream.indirect.scatter.add.f32 [tilespmem:s30], [sflag:$0x3], $0x80, s6, s2, $0xb8;
	[tilespmem:$0x1E800] =	vst v63  }
0x6b: {  	_ =	swait.ge [sflag:s29], $0x4000  }
0x6c: {  	[sflag:s29] =	ssyncset.done $0x0  }
0x6d: {  	s11 =	sadd.s32 $0xFFFFF800, s8;
	[sflag:s29] =	ssyncadd.s32 $0xFFFFC000  }
0x6e: {  	[tilespmem:s30], [sflag:$0x1] =	stream.linear.gather [hbm4b:s11+s4], $0x4000, $0x38;
	[tilespmem:$0x1E800] =	vst v63  }
0x6f: {  	_ =	swait.ge [sflag:s5], $0x4000  }
0x70: {  	[sflag:s5] =	ssyncset.done $0x0  }
0x71: {  	s25 =	simm.s32 $0x80;
	[sflag:s5] =	ssyncadd.s32 $0xFFFFC000  }
0x72: {  	[spmem:s3] =	stream.indirect.scatter.add.f32 [tilespmem:s31], [sflag:$0x3], $0x80, s25, s2, $0xb8;
	[tilespmem:$0x1E800] =	vst v63  }
0x73: {  	_ =	swait.ge [sflag:s29], $0x4000  }
0x74: {  	s7 =	sadd.s32 $0x1000, s8;
	[sflag:s29] =	ssyncset.done $0x0  }
0x75: {  	s11 =	simm.s32 $0x400;
	s25 =	smov.u32 s8;
	[sflag:s29] =	ssyncadd.s32 $0xFFFFC000  }
.LBB2_5:
0x76: {  	[tilespmem:s31], [sflag:$0x2] =	stream.linear.gather [hbm4b:s25+s4], $0x4000, $0x38;
	[tilespmem:$0x1E800] =	vst v63  }
0x77: {  	s1 =	smov.u32 s11;
	s25 =	smov.u32 s7  }
0x78: {  	p1 =	seq.s32 s11, $0x9800;
	s11 =	sadd.s32 $0x400, s11;
	_ =	swait.ge [sflag:s0], $0x4000  }
0x79: {  	[sflag:s0] =	ssyncset.done $0x0  }
0x7a: {  	s1 =	sshra.s32 s1, $0x2;
	[sflag:s0] =	ssyncadd.s32 $0xFFFFC000  }
0x7b: {  	[spmem:s3] =	stream.indirect.scatter.add.f32 [tilespmem:s30], [sflag:$0x3], $0x80, s1, s2, $0xb8;
	[tilespmem:$0x1E800] =	vst v63  }
0x7c: {  	_ =	swait.ge [sflag:s29], $0x4000  }
0x7d: {  	[sflag:s29] =	ssyncset.done $0x0  }
0x7e: {  	s6 =	sadd.s32 $0xFFFFF800, s7;
	[sflag:s29] =	ssyncadd.s32 $0xFFFFC000  }
0x7f: {  	[tilespmem:s30], [sflag:$0x1] =	stream.linear.gather [hbm4b:s6+s4], $0x4000, $0x38;
	[tilespmem:$0x1E800] =	vst v63  }
0x80: {  	_ =	swait.ge [sflag:s5], $0x4000  }
0x81: {  	[sflag:s5] =	ssyncset.done $0x0  }
.Ltmp4:
0x82: {  	s1 =	sadd.s32 $0x80, s1;
	[sflag:s5] =	ssyncadd.s32 $0xFFFFC000;
	(pc) =	sbr.rel @!p1 .LBB2_5-.Ltmp4, $4  }
0x83: {  	[spmem:s3] =	stream.indirect.scatter.add.f32 [tilespmem:s31], [sflag:$0x3], $0x80, s1, s2, $0xb8;
	[tilespmem:$0x1E800] =	vst v63  }
0x84: {  	_ =	swait.ge [sflag:s29], $0x4000  }
0x85: {  	[sflag:s29] =	ssyncset.done $0x0  }
0x86: {  	s7 =	sadd.s32 $0x1000, s7;
	[sflag:s29] =	ssyncadd.s32 $0xFFFFC000  }
.Ltmp5:
0x87: {  	(pc) =	sbr.rel .LBB2_10-.Ltmp5, $3  }
0x88: {  	_ =	sdelay $0x1  }
0x89: {  	[tilespmem:s31], [sflag:$0x2] =	stream.linear.gather [hbm4b:s25+s4], $0x4000, $0x38;
	[tilespmem:$0x1E800] =	vst v63  }
0x8a: {  	s11 =	rddreg [dreg:$0x1]  }
.LBB2_7:
0x8b: {  	s1 =	simm.s32 $0x0;
	s6 =	rddreg [dreg:$0x6]  }
0x8c: {  	[tilespmem:s30], [sflag:$0x1] =	stream.linear.gather [hbm4b:s6+s1], $0x4000, $0x38;
	[tilespmem:$0x1E800] =	vst v63  }
0x8d: {  	s25 =	rddreg [dreg:$0x7]  }
0x8e: {  	[tilespmem:s31], [sflag:$0x2] =	stream.linear.gather [hbm4b:s25+s1], $0x4000, $0x38;
	[tilespmem:$0x1E800] =	vst v63  }
0x8f: {  	_ =	swait.ge [sflag:s0], $0x4000  }
0x90: {  	[sflag:s0] =	ssyncset.done $0x0  }
0x91: {  	s7 =	simm.s32 $0x0;
	[sflag:s0] =	ssyncadd.s32 $0xFFFFC000  }
0x92: {  	[spmem:s3] =	stream.indirect.scatter.add.f32 [tilespmem:s30], [sflag:$0x3], $0x80, s7, s2, $0xb8;
	[tilespmem:$0x1E800] =	vst v63  }
0x93: {  	_ =	swait.ge [sflag:s29], $0x4000  }
0x94: {  	[sflag:s29] =	ssyncset.done $0x0  }
0x95: {  	s11 =	sadd.s32 $0xFFFFF800, s24;
	[sflag:s29] =	ssyncadd.s32 $0xFFFFC000  }
0x96: {  	[tilespmem:s30], [sflag:$0x1] =	stream.linear.gather [hbm4b:s11+s4], $0x4000, $0x38;
	[tilespmem:$0x1E800] =	vst v63  }
0x97: {  	_ =	swait.ge [sflag:s5], $0x4000  }
0x98: {  	[sflag:s5] =	ssyncset.done $0x0  }
0x99: {  	s25 =	simm.s32 $0x80;
	[sflag:s5] =	ssyncadd.s32 $0xFFFFC000  }
0x9a: {  	[spmem:s3] =	stream.indirect.scatter.add.f32 [tilespmem:s31], [sflag:$0x3], $0x80, s25, s2, $0xb8;
	[tilespmem:$0x1E800] =	vst v63  }
0x9b: {  	_ =	swait.ge [sflag:s29], $0x4000  }
0x9c: {  	s7 =	sadd.s32 $0x1000, s24;
	[sflag:s29] =	ssyncset.done $0x0  }
0x9d: {  	s11 =	simm.s32 $0x400;
	s25 =	smov.u32 s24;
	[sflag:s29] =	ssyncadd.s32 $0xFFFFC000  }
.LBB2_8:
0x9e: {  	[tilespmem:s31], [sflag:$0x2] =	stream.linear.gather [hbm4b:s25+s4], $0x4000, $0x38;
	[tilespmem:$0x1E800] =	vst v63  }
0x9f: {  	s1 =	smov.u32 s11;
	s25 =	smov.u32 s7  }
0xa0: {  	p1 =	sne.s32 s11, $0x9800;
	s11 =	sadd.s32 $0x400, s11;
	_ =	swait.ge [sflag:s0], $0x4000  }
0xa1: {  	[sflag:s0] =	ssyncset.done $0x0  }
0xa2: {  	s1 =	sshra.s32 s1, $0x2;
	[sflag:s0] =	ssyncadd.s32 $0xFFFFC000  }
0xa3: {  	[spmem:s3] =	stream.indirect.scatter.add.f32 [tilespmem:s30], [sflag:$0x3], $0x80, s1, s2, $0xb8;
	[tilespmem:$0x1E800] =	vst v63  }
0xa4: {  	_ =	swait.ge [sflag:s29], $0x4000  }
0xa5: {  	[sflag:s29] =	ssyncset.done $0x0  }
0xa6: {  	s6 =	sadd.s32 $0xFFFFF800, s7;
	[sflag:s29] =	ssyncadd.s32 $0xFFFFC000  }
0xa7: {  	[tilespmem:s30], [sflag:$0x1] =	stream.linear.gather [hbm4b:s6+s4], $0x4000, $0x38;
	[tilespmem:$0x1E800] =	vst v63  }
0xa8: {  	_ =	swait.ge [sflag:s5], $0x4000  }
0xa9: {  	[sflag:s5] =	ssyncset.done $0x0  }
.Ltmp6:
0xaa: {  	s1 =	sadd.s32 $0x80, s1;
	[sflag:s5] =	ssyncadd.s32 $0xFFFFC000;
	(pc) =	sbr.rel @p1 .LBB2_8-.Ltmp6, $4  }
0xab: {  	[spmem:s3] =	stream.indirect.scatter.add.f32 [tilespmem:s31], [sflag:$0x3], $0x80, s1, s2, $0xb8;
	[tilespmem:$0x1E800] =	vst v63  }
0xac: {  	_ =	swait.ge [sflag:s29], $0x4000  }
0xad: {  	[sflag:s29] =	ssyncset.done $0x0  }
0xae: {  	s7 =	sadd.s32 $0x1000, s7;
	[sflag:s29] =	ssyncadd.s32 $0xFFFFC000  }
.Ltmp7:
0xaf: {  	_ = 	snop;
	(pc) =	sbr.rel .LBB2_9-.Ltmp7, $1  }
0xb0: {  	_ =	sdelay $0x3  }
.LBB2_11:
0xb1: {  	_ =	sfence.sel $0x180000  }
0xb2: {  	[bflag:$0x0] =	sbarrier.arrive $0xFFFF  }
0xb3: {  	_ =	strace $0x9000004A  }
0xb4: {  	s0 =	stileid.u32;
	[bflag:$0x2] =	sbarrier.arrive $0xFFFF  }
0xb5: {  	p0 =	sne.s32 s0, $0x0;
	s0 =	rddreg [dreg:$0x3]  }
0xb6: {  	s0 =	sadd.s32 @!p0 $0x100000, s0  }
0xb7: {  	[sflag:s0] =	ssyncadd.tile.s32 @!p0 $0x1;
	_ =	shalt  }
.Lfunc_end2:
_tile_overlayer_lowered:
.L_overlay_start_2:
0xb8: {  	(tag) =	ssettag $0x2  }
0xb9: {  	s0 =	rddreg [dreg:$0x0];
	s2 =	stileid.u32  }
0xba: {  	s1 =	rddreg [dreg:$0x1];
	p0 =	sne.s32 s2, $0x0  }
0xbb: {  	s3 =	rddreg [dreg:$0x2];
	[bflag:$0x3] =	sbarrier.arrive $0xFFFF;
	s2 =	simm.s32 @!p0 $0x1C03  }
0xbc: {  	[timem:s3], [sflag:s2] =	dma.local @!p0 [hbm:s0], s1  }
0xbd: {  	s0 =	simm.s32 @!p0 $0x3  }
0xbe: {  	_ =	swait.ge @!p0 [sflag:s0], s1  }
0xbf: {  	s1 =	ssub.s32 @!p0 $0x0, s1;
	[sflag:s0] =	ssyncset.done @!p0 $0x0  }
0xc0: {  	[sflag:s0] =	ssyncadd.s32 @!p0 s1  }
0xc1: {  	[bflag:$0x3] =	sbarrier.arrive $0xFFFF  }
0xc2: {  	_ =	shalt  }

// kernel: kernel.7.cloned.1.call-start
scs
__scs_entry_jumppad:
0x0: {  	(pc) =	sbr.rel $0x88, $3  }
0x1: {  	(tag) =	ssettag $0x0;
	lr =	simm.s32 $0x1  }
0x2: {  	[smem:$0x3F8D] =	sst lr;
	_ =	strace $0xD0000000  }
0x3: {  	_ = 	snop  }
0x4: {  	_ = 	snop  }
0x5: {  	_ = 	snop  }
0x6: {  	_ = 	snop  }
0x7: {  	_ = 	snop  }
__scs_overlays_trampoline_lowered:
0x8: {  	[smem:$0x3F9C] =	sst s0  }
0x9: {  	[smem:$0x3F9D] =	sst s1  }
0xa: {  	[smem:$0x3F9E] =	sst s2  }
0xb: {  	[smem:$0x3F9F] =	sst s3  }
0xc: {  	[smem:$0x3FA0] =	sst s4  }
0xd: {  	[smem:$0x3FA1] =	sst s5  }
0xe: {  	[smem:$0x3FA2] =	sst s6  }
0xf: {  	[smem:$0x3FA3] =	sst s7  }
0x10: {  	[smem:$0x3FA4] =	sst s8  }
0x11: {  	[smem:$0x3FA5] =	sst s9;
	s0 =	simm.s32 @!p0 $0x0  }
0x12: {  	s1 =	sld [smem:$0x3F8B];
	s0 =	simm.s32 @p0 $0x1  }
0x13: {  	[smem:$0x3FA6] =	sst s0;
	s0 =	simm.s32 @!p1 $0x0  }
0x14: {  	s2 =	sld [smem:$0x3F8A];
	s0 =	simm.s32 @p1 $0x1  }
0x15: {  	[smem:$0x3FA7] =	sst s0;
	s0 =	simm.s32 @!p2 $0x0  }
0x16: {  	s3 =	sld [smem:$0x3FDB];
	s0 =	simm.s32 @p2 $0x1  }
0x17: {  	s4 =	simm.s32 $0x1BF5;
	[smem:$0x3FA9] =	sst s0  }
0x18: {  	s0 =	sld [smem:$0x3F8C];
	_ =	swait.ge [sflag:s4], $0x0  }
0x19: {  	s7 =	sld [smem:$0x3F8D]  }
0x1a: {  	s8 =	sadd.s32 $0xFFFFE003, lr  }
0x1b: {  	s9 =	sadd.s32 $0xFFFFFEF7, lr;
	s5 =	simm.s32 $0xFFFFFFFF;
	p2 =	slt.u32 s8, $0xFFFFF086  }
0x1c: {  	p1 =	slt.u32 s9, $0xF7A;
	s5 =	simm.s32 @!p2 $0x0  }
0x1d: {  	s5 =	simm.s32 @p1 $0x1;
	p0 =	seq.s32 s7, s2  }
0x1e: {  	s7 =	smul.u32 @!p0 $0xF7A, s2;
	p2 =	seq.s32 @!p0 s5, $0x0  }
0x1f: {  	s9 =	smul.u32 $0xF7A, s1;
	s8 =	simm.s32 @!p0 $0x1BF5;
	p2 =	por !p2, p0  }
0x20: {  	[sflag:s8] =	ssyncset.s32 @!p0 $0xFFFFF086;
	s6 =	sadd.s32 @!p0 s3, s7;
	s7 =	simm.s32 @!p0 $0x108  }
0x21: {  	s3 =	sadd.s32 s3, s9;
	s6 =	sadd.s32 @!p0 $0x88, s6;
	s7 =	simm.s32 @p2 $0x1082  }
0x22: {  	[simem:s7], [sflag:s8] =	dma.local @!p0 [hbm:s6], $0xF7A  }
0x23: {  	s9 =	sor.u32 $0xD0000000, s2;
	s6 =	simm.s32 $0x108;
	_ =	swait.ge @!p0 [sflag:s8], $0x0  }
0x24: {  	s3 =	sadd.s32 $0x88, s3;
	s6 =	simm.s32 @!p1 $0x1082;
	[sflag:s4] =	ssyncset.s32 $0xFFFFF086  }
0x25: {  	[simem:s6], [sflag:s4] =	dma.local [hbm:s3], $0xF7A  }
0x26: {  	[smem:$0x3F8D] =	sst s1;
	(tag) =	ssettag s2;
	_ =	strace s9  }
0x27: {  	s1 =	sld [smem:$0x3F9D]  }
0x28: {  	s2 =	sld [smem:$0x3F9E]  }
0x29: {  	s4 =	sld [smem:$0x3FA0]  }
0x2a: {  	p0 =	seq.s32 s5, $0x0;
	s5 =	sld [smem:$0x3FA1]  }
0x2b: {  	s6 =	sld [smem:$0x3FA2]  }
0x2c: {  	s7 =	sld [smem:$0x3FA3]  }
0x2d: {  	s3 =	simm.s32 $0x108;
	s8 =	sld [smem:$0x3FA4]  }
0x2e: {  	s3 =	simm.s32 @!p0 $0x1082;
	s9 =	sld [smem:$0x3FA5]  }
0x2f: {  	lr =	sadd.s32 s0, s3;
	s0 =	sld [smem:$0x3F9C]  }
0x30: {  	s3 =	sld [smem:$0x3F9F]  }
0x31: {  	[smem:$0x3FA8] =	sst s10  }
0x32: {  	s10 =	sld [smem:$0x3FA6];
	_ =	sdelay $0x3  }
0x33: {  	p0 =	seq.s32 s10, $0x1;
	s10 =	sld [smem:$0x3FA8];
	_ =	sdelay $0x3  }
0x34: {  	[smem:$0x3FA8] =	sst s10  }
0x35: {  	s10 =	sld [smem:$0x3FA7];
	_ =	sdelay $0x3  }
0x36: {  	p1 =	seq.s32 s10, $0x1;
	s10 =	sld [smem:$0x3FA8];
	_ =	sdelay $0x3  }
0x37: {  	[smem:$0x3FA8] =	sst s10  }
0x38: {  	s10 =	sld [smem:$0x3FA9]  }
0x39: {  	_ = 	snop;
	(pc) =	sbr.ind lr, $3  }
0x3a: {  	_ = 	snop  }
0x3b: {  	_ = 	snop  }
0x3c: {  	p2 =	seq.s32 s10, $0x1;
	s10 =	sld [smem:$0x3FA8]  }
0x3d: {  	_ =	shalt  }
0x3e: {  	_ =	shalt  }
0x3f: {  	_ =	shalt  }
0x40: {  	_ =	shalt  }
0x41: {  	_ =	shalt  }
0x42: {  	_ =	shalt  }
0x43: {  	_ =	shalt  }
0x44: {  	_ =	shalt  }
0x45: {  	_ =	shalt  }
0x46: {  	_ =	shalt  }
0x47: {  	_ =	shalt  }
0x48: {  	_ =	shalt  }
0x49: {  	_ =	shalt  }
0x4a: {  	_ =	shalt  }
0x4b: {  	_ =	shalt  }
0x4c: {  	_ =	shalt  }
0x4d: {  	_ =	shalt  }
0x4e: {  	_ =	shalt  }
0x4f: {  	_ =	shalt  }
0x50: {  	_ =	shalt  }
0x51: {  	_ =	shalt  }
0x52: {  	_ =	shalt  }
0x53: {  	_ =	shalt  }
0x54: {  	_ =	shalt  }
0x55: {  	_ =	shalt  }
0x56: {  	_ =	shalt  }
0x57: {  	_ =	shalt  }
0x58: {  	_ =	shalt  }
0x59: {  	_ =	shalt  }
0x5a: {  	_ =	shalt  }
0x5b: {  	_ =	shalt  }
0x5c: {  	_ =	shalt  }
0x5d: {  	_ =	shalt  }
0x5e: {  	_ =	shalt  }
0x5f: {  	_ =	shalt  }
0x60: {  	_ =	shalt  }
0x61: {  	_ =	shalt  }
0x62: {  	_ =	shalt  }
0x63: {  	_ =	shalt  }
0x64: {  	_ =	shalt  }
0x65: {  	_ =	shalt  }
0x66: {  	_ =	shalt  }
0x67: {  	_ =	shalt  }
0x68: {  	_ =	shalt  }
0x69: {  	_ =	shalt  }
0x6a: {  	_ =	shalt  }
0x6b: {  	_ =	shalt  }
0x6c: {  	_ =	shalt  }
0x6d: {  	_ =	shalt  }
0x6e: {  	_ =	shalt  }
0x6f: {  	_ =	shalt  }
0x70: {  	_ =	shalt  }
0x71: {  	_ =	shalt  }
0x72: {  	_ =	shalt  }
0x73: {  	_ =	shalt  }
0x74: {  	_ =	shalt  }
0x75: {  	_ =	shalt  }
0x76: {  	_ =	shalt  }
0x77: {  	_ =	shalt  }
0x78: {  	_ =	shalt  }
0x79: {  	_ =	shalt  }
0x7a: {  	_ =	shalt  }
0x7b: {  	_ =	shalt  }
0x7c: {  	_ =	shalt  }
0x7d: {  	_ =	shalt  }
0x7e: {  	_ =	shalt  }
0x7f: {  	_ =	shalt  }
0x80: {  	_ =	shalt  }
0x81: {  	_ =	shalt  }
0x82: {  	_ =	shalt  }
0x83: {  	_ =	shalt  }
0x84: {  	_ =	shalt  }
0x85: {  	_ =	shalt  }
0x86: {  	_ =	shalt  }
0x87: {  	_ =	shalt  }
.Lfunc_end0:
.L_simem_size_0:
called_computation_lowered:
.L_overlay_start_0:
0x88: {  	s2 =	sld [smem:$0x3FD9]  }
0x89: {  	s3 =	sld [smem:$0x3FFE];
	_ =	sdelay $0x1  }
0x8a: {  	s1 =	srdreg.scid  }
0x8b: {  	s0 =	sand.u32 $0x1, s1  }
0x8c: {  	s14 =	sshll.u32 s0, $0xA;
	s2 =	sadd.s32 s3, s2  }
0x8d: {  	s2 =	sadd.s32 s2, s14  }
0x8e: {  	[smem:$0x3FB4] =	sst s2  }
0x8f: {  	_ = 	snop  }
0x90: {  	s2 =	sld [smem:$0x3FD0];
	_ =	sdelay $0x2  }
0x91: {  	s15 =	simm.s32 $0xA;
	s4 =	simm.s32 $0x10  }
0x92: {  	[smem:s4], [sflag:s15] =	dma.local [hbm:s2], $0x1  }
0x93: {  	_ =	swait.eq [sflag:s15], $0x1  }
0x94: {  	[sflag:s15] =	ssyncset.done $0x0  }
0x95: {  	s16 =	sld [smem:$0x10];
	[sflag:s15] =	ssyncadd.s32 $0xFFFFFFFF  }
0x96: {  	s17 =	sld [smem:$0x12];
	(tm) =	ssettm $0x1  }
0x97: {  	s18 =	sld [smem:$0x3FFB];
	_ =	sdelay $0x3  }
0x98: {  	_ =	strace s18  }
0x99: {  	s4 =	sld [smem:$0x3FFC];
	_ =	sdelay $0x3  }
0x9a: {  	_ =	strace s4  }
0x9b: {  	s4 =	sld [smem:$0x3FFD];
	_ =	sdelay $0x3  }
0x9c: {  	_ =	strace s4  }
0x9d: {  	_ =	strace $0x8FFFFFFF  }
0x9e: {  	s19 =	sld [smem:$0x3FDB];
	_ =	sdelay $0x1  }
0x9f: {  	s5 =	simm.s32 $_scs_section_size  }
0xa0: {  	s6 =	simm.s32 $_size__tile_overlayer_lowered;
	s7 =	simm.s32 $_tile_overlayer_lowered  }
0xa1: {  	s22 =	simm.s32 $0x1BFF;
	s21 =	sshll.u32 s7, $0x1;
	s4 =	sadd.s32 s5, s19  }
0xa2: {  	s8 =	simm.s32 $0x0;
	s20 =	sshll.u32 s6, $0x1;
	s6 =	sadd.s32 s21, s4  }
0xa3: {  	[timem:s8], [sflag:s22] =	dma.local [hbm:s6], s20  }
0xa4: {  	_ =	swait.ge [sflag:s22], s20  }
0xa5: {  	s5 =	ssub.s32 $0x0, s20;
	[sflag:s22] =	ssyncset.done $0x0  }
0xa6: {  	[sflag:s22] =	ssyncadd.s32 s5;
	_ =	sdelay $0x1  }
0xa7: {  	s23 =	simm.s32 $0x1B8B  }
0xa8: {  	_ =	swait.ge [sflag:s23], $0x1  }
0xa9: {  	[sflag:s23] =	ssyncset.done $0x0  }
0xaa: {  	s25 =	simm.s32 $0x1B8E;
	s24 =	sld [smem:$0x3FFE];
	[sflag:s23] =	ssyncadd.s32 $0xFFFFFFFF  }
0xab: {  	s26 =	simm.s32 $execute0_lowered;
	[smem:$0x3FD2] =	sst s25  }
0xac: {  	s6 =	sshll.u32 s26, $0x1;
	_ =	strace $0x80000046;
	[dreg:$0x1] =	wrdreg $0xFFFFFFFF  }
0xad: {  	s28 =	simm.s32 $_size_execute0_lowered;
	s4 =	sadd.s32 s4, s6;
	[dreg:$0x0] =	wrdreg $0x0  }
0xae: {  	s6 =	sshll.u32 s28, $0x1;
	[dreg:$0x2] =	wrdreg s4  }
0xaf: {  	[dreg:$0x3] =	wrdreg s6  }
0xb0: {  	[dreg:$0x4] =	wrdreg $0xC0  }
0xb1: {  	_ =	task [dreg:s8], $0x5FFFF  }
0xb2: {  	[dreg:$0x1] =	wrdreg $0xFFFFFFFF  }
0xb3: {  	[dreg:$0x0] =	wrdreg $0x60  }
0xb4: {  	[dreg:$0x2] =	wrdreg s24  }
0xb5: {  	[dreg:$0x3] =	wrdreg s17  }
0xb6: {  	[dreg:$0x4] =	wrdreg s16  }
0xb7: {  	[dreg:$0x5] =	wrdreg $0x9  }
0xb8: {  	_ =	task.clear_ibuf [dreg:s8], $0x6FFFF;
	_ =	strace $0x90000046  }
0xb9: {  	s29 =	simm.s32 $0x9;
	_ =	strace $0x80000048  }
0xba: {  	_ =	swait.ge [sflag:s29], $0x1  }
0xbb: {  	[sflag:s29] =	ssyncadd.s32 $0xFFFFFFFF  }
0xbc: {  	_ =	strace $0x90000048  }
0xbd: {  	_ =	sfence  }
0xbe: {  	s30 =	sld [smem:$0x0];
	_ =	sdelay $0x2  }
0xbf: {  	s31 =	sshll.u32 s1, $0xD;
	s1 =	sshrl.u32 s1, $0x2  }
0xc0: {  	s3 =	sand.u32 $0x4000, s31;
	s1 =	sadd.s32 s1, s30  }
0xc1: {  	s0 =	sor.u32 s3, s0;
	s1 =	sshll.u32 s1, $0x11  }
0xc2: {  	s0 =	sor.u32 s1, s0  }
0xc3: {  	s0 =	sadd.s32 $0x8F2B, s0  }
0xc4: {  	[sflag:s0] =	ssyncadd.remote.s32 $0x1  }
0xc5: {  	_ =	sfence.sel $0xFFFF  }
0xc6: {  	[dreg:$0x0] =	wrdreg $0xFFFFFFFF;
	(pc) =	sbr.abs _section_cstart, $3  }
0xc7: {  	[dreg:$0x1] =	wrdreg $0xFFFFFFFF  }
0xc8: {  	_ =	task.clear_ibuf [dreg:s8], $0x2FFFF;
	_ =	strace $0x9FFFFFFF  }
0xc9: {  	(tm) =	ssettm $0x7FFFFFFF  }
tec
execute0_lowered:
.L_overlay_start_1:
0x0: {  	(tag) =	ssettag $0x1  }
0x1: {  	s0 =	rddreg [dreg:$0x0]  }
0x2: {  	s1 =	rddreg [dreg:$0x1]  }
0x3: {  	s7 =	rddreg [dreg:$0x2]  }
0x4: {  	s2 =	simm.s32 $0x0;
	s3 =	srdreg.scid;
	s5 =	stileid.u32  }
0x5: {  	s13 =	simm.s32 $0x3;
	s15 =	simm.s32 $0x5000;
	s29 =	simm.s32 $0x19400  }
0x6: {  	s30 =	simm.s32 $0x19C00;
	s31 =	simm.s32 $0x1A000;
	s14 =	simm.s32 $0x1B400  }
0x7: {  	s16 =	simm.s32 $0x1CC00;
	s17 =	simm.s32 $0x1;
	s18 =	simm.s32 $0x2  }
0x8: {  	s20 =	simm.s32 $0x0;
	[smem:$0x7FF] =	sst s2;
	s4 =	sand.u32 $0x1, s3  }
0x9: {  	s5 =	sshll.u32 s5, $0x1;
	s3 =	sadd.s32 $0x2FC00, s0;
	_ =	strace $0x80000047  }
0xa: {  	s6 =	ssub.s32 $0x2, s4;
	s8 =	sor.u32 s4, s5;
	s4 =	sadd.s32 $0xA5000, s0  }
0xb: {  	s5 =	sadd.s32 $0x11A400, s0;
	s9 =	sshrl.u32 s6, $0x1;
	s10 =	smul.u32 $0x500, s8  }
0xc: {  	s12 =	ssub.s32 s6, s9;
	s6 =	smul.u32 $0x1400, s8;
	s9 =	sadd.s32 $0x2FD00, s0  }
.Ltmp0:
0xd: {  	s8 =	simm.s32 $0x1C000;
	s1 =	sadd.s32 s1, s10;
	(pc) =	sbr.rel .LBB2_1-.Ltmp0, $4  }
0xe: {  	s26 =	sadd.s32 s7, s10;
	s10 =	sadd.s32 $0xA5100, s0;
	s28 =	smax.u32 s12, $0x1  }
0xf: {  	v2 =	vlaneseq.u32;
	s0 =	simm.s32 $0x1A800;
	s7 =	simm.s32 $0x1B800;
	[dreg:$0x4] =	wrdreg s1  }
0x10: {  	vm0 =	vmmov $0xffff;
	vm1 =	vmmov $0xff;
	v1 =	vshrl.u32 v2, $0x3;
	s12 =	simm.s32 $0x1C400;
	[dreg:$0x5] =	wrdreg s26;
	s11 =	sor.u32 $0x40, s6  }
0x11: {  	v0 =	vand.u32 $0x7, v2;
	v2 =	vor.u32 $0x8, v2;
	v1 =	vmul.u32 $0x8, v1;
	[dreg:$0x6] =	wrdreg s28;
	s26 =	simm.s32 $0x11000;
	s1 =	simm.s32 $0x1AC00  }
.LBB2_10:
0x12: {  	s20 =	rddreg [dreg:$0x7]  }
0x13: {  	s19 =	rddreg [dreg:$0x6];
	s20 =	sadd.s32 $0x1, s20  }
0x14: {  	p0 =	sne.s32 s20, s19  }
.Ltmp1:
0x15: {  	_ = 	snop;
	(pc) =	sbr.rel @!p0 .LBB2_11-.Ltmp1, $1  }
0x16: {  	_ =	sdelay $0x3  }
.LBB2_1:
0x17: {  	[dreg:$0x7] =	wrdreg s20  }
0x18: {  	s19 =	rddreg [dreg:$0x4]  }
0x19: {  	[tilespmem:s2], [sflag:$0x3] =	stream.linear.gather [hbm4b:s19+s2], $0x2800, $0x38;
	[tilespmem:$0x1D000] =	vst v63  }
0x1a: {  	_ =	swait.ge [sflag:s13], $0x2800  }
0x1b: {  	[sflag:s13] =	ssyncset.done $0x0  }
0x1c: {  	s23 =	simm.s32 $0x2800;
	s22 =	rddreg [dreg:$0x5];
	[sflag:s13] =	ssyncadd.s32 $0xFFFFD800  }
0x1d: {  	[tilespmem:s23], [sflag:$0x3] =	stream.linear.gather [hbm4b:s22+s2], $0x2800, $0x38;
	[tilespmem:$0x1D000] =	vst v63  }
0x1e: {  	_ =	swait.ge [sflag:s13], $0x2800  }
0x1f: {  	[sflag:s13] =	ssyncset.done $0x0  }
0x20: {  	[sflag:s13] =	ssyncadd.s32 $0xFFFFD800  }
0x21: {  	v3 =	vld [tilespmem:$0x0];
	_ =	sdelay $0x4  }
0x22: {  	v4 =	vshrl.u32 v3, $0x3  }
0x23: {  	v4 =	vmul.u32 $0x18, v4  }
0x24: {  	v3 =	vand.u32 $0x7, v3  }
0x25: {  	v3 =	vor.u32 v3, v4  }
0x26: {  	v4 =	vperm.xlane v3, v0;
	_ =	sdelay $0x1  }
0x27: {  	v4 =	vadd.s32 v1, v4;
	_ =	sdelay $0x1  }
0x28: {  	v3 =	vperm.xlane v3, v2;
	_ =	sdelay $0x1  }
0x29: {  	v3 =	vadd.s32 v1, v3  }
0x2a: {  	[tilespmem:s15], [sflag:$0x1] =	stream.indirect_vreg.gather [hbm4b:s3+s2], $0x80, v4, vm0, $0xb8;
	[tilespmem:$0x1D000] =	vst v63  }
0x2b: {  	s24 =	simm.s32 $0x5800  }
0x2c: {  	[tilespmem:s24], [sflag:$0x1] =	stream.indirect_vreg.gather [hbm4b:s9+s2], $0x80, v4, vm1, $0xb8;
	[tilespmem:$0x1D000] =	vst v63  }
0x2d: {  	s25 =	simm.s32 $0x5C00  }
0x2e: {  	[tilespmem:s25], [sflag:$0x1] =	stream.indirect_vreg.gather [hbm4b:s3+s2], $0x80, v3, vm0, $0xb8;
	[tilespmem:$0x1D000] =	vst v63  }
0x2f: {  	s28 =	simm.s32 $0x6400  }
0x30: {  	[tilespmem:s28], [sflag:$0x1] =	stream.indirect_vreg.gather [hbm4b:s9+s2], $0x80, v3, vm1, $0xb8;
	[tilespmem:$0x1D000] =	vst v63  }
0x31: {  	v3 =	vld [tilespmem:$0x10];
	_ =	sdelay $0x4  }
0x32: {  	v49 =	vshrl.u32 v3, $0x3  }
0x33: {  	v4 =	vmul.u32 $0x18, v49  }
0x34: {  	v3 =	vand.u32 $0x7, v3  }
0x35: {  	v3 =	vor.u32 v3, v4  }
0x36: {  	v4 =	vperm.xlane v3, v0;
	_ =	sdelay $0x1  }
0x37: {  	v4 =	vadd.s32 v1, v4;
	_ =	sdelay $0x1  }
0x38: {  	v3 =	vperm.xlane v3, v2;
	_ =	sdelay $0x1  }
0x39: {  	s20 =	simm.s32 $0x6800;
	v3 =	vadd.s32 v1, v3  }
0x3a: {  	[tilespmem:s20], [sflag:$0x1] =	stream.indirect_vreg.gather [hbm4b:s3+s2], $0x80, v4, vm0, $0xb8;
	[tilespmem:$0x1D000] =	vst v63  }
0x3b: {  	s21 =	simm.s32 $0x7000  }
0x3c: {  	[tilespmem:s21], [sflag:$0x1] =	stream.indirect_vreg.gather [hbm4b:s9+s2], $0x80, v4, vm1, $0xb8;
	[tilespmem:$0x1D000] =	vst v63  }
0x3d: {  	s22 =	simm.s32 $0x7400  }
0x3e: {  	[tilespmem:s22], [sflag:$0x1] =	stream.indirect_vreg.gather [hbm4b:s3+s2], $0x80, v3, vm0, $0xb8;
	[tilespmem:$0x1D000] =	vst v63  }
0x3f: {  	s23 =	simm.s32 $0x7C00  }
0x40: {  	[tilespmem:s23], [sflag:$0x1] =	stream.indirect_vreg.gather [hbm4b:s9+s2], $0x80, v3, vm1, $0xb8;
	[tilespmem:$0x1D000] =	vst v63  }
0x41: {  	v3 =	vld [tilespmem:$0x20];
	_ =	sdelay $0x4  }
0x42: {  	v50 =	vshrl.u32 v3, $0x3  }
0x43: {  	v4 =	vmul.u32 $0x18, v50  }
0x44: {  	v3 =	vand.u32 $0x7, v3  }
0x45: {  	v3 =	vor.u32 v3, v4  }
0x46: {  	v4 =	vperm.xlane v3, v0;
	_ =	sdelay $0x1  }
0x47: {  	v4 =	vadd.s32 v1, v4;
	_ =	sdelay $0x1  }
0x48: {  	v3 =	vperm.xlane v3, v2;
	_ =	sdelay $0x1  }
0x49: {  	s24 =	simm.s32 $0x8000;
	v3 =	vadd.s32 v1, v3  }
0x4a: {  	[tilespmem:s24], [sflag:$0x1] =	stream.indirect_vreg.gather [hbm4b:s3+s2], $0x80, v4, vm0, $0xb8;
	[tilespmem:$0x1D000] =	vst v63  }
0x4b: {  	s25 =	simm.s32 $0x8800  }
0x4c: {  	[tilespmem:s25], [sflag:$0x1] =	stream.indirect_vreg.gather [hbm4b:s9+s2], $0x80, v4, vm1, $0xb8;
	[tilespmem:$0x1D000] =	vst v63  }
0x4d: {  	s28 =	simm.s32 $0x8C00  }
0x4e: {  	[tilespmem:s28], [sflag:$0x1] =	stream.indirect_vreg.gather [hbm4b:s3+s2], $0x80, v3, vm0, $0xb8;
	[tilespmem:$0x1D000] =	vst v63  }
0x4f: {  	s20 =	simm.s32 $0x9400  }
0x50: {  	[tilespmem:s20], [sflag:$0x1] =	stream.indirect_vreg.gather [hbm4b:s9+s2], $0x80, v3, vm1, $0xb8;
	[tilespmem:$0x1D000] =	vst v63  }
0x51: {  	v3 =	vld [tilespmem:$0x30];
	_ =	sdelay $0x4  }
0x52: {  	v51 =	vshrl.u32 v3, $0x3  }
0x53: {  	v4 =	vmul.u32 $0x18, v51  }
0x54: {  	v3 =	vand.u32 $0x7, v3  }
0x55: {  	v3 =	vor.u32 v3, v4  }
0x56: {  	v4 =	vperm.xlane v3, v0;
	_ =	sdelay $0x1  }
0x57: {  	v4 =	vadd.s32 v1, v4;
	_ =	sdelay $0x1  }
0x58: {  	v3 =	vperm.xlane v3, v2;
	_ =	sdelay $0x1  }
0x59: {  	s21 =	simm.s32 $0x9800;
	v3 =	vadd.s32 v1, v3  }
0x5a: {  	[tilespmem:s21], [sflag:$0x1] =	stream.indirect_vreg.gather [hbm4b:s3+s2], $0x80, v4, vm0, $0xb8;
	[tilespmem:$0x1D000] =	vst v63  }
0x5b: {  	s22 =	simm.s32 $0xA000  }
0x5c: {  	[tilespmem:s22], [sflag:$0x1] =	stream.indirect_vreg.gather [hbm4b:s9+s2], $0x80, v4, vm1, $0xb8;
	[tilespmem:$0x1D000] =	vst v63  }
0x5d: {  	s23 =	simm.s32 $0xA400  }
0x5e: {  	[tilespmem:s23], [sflag:$0x1] =	stream.indirect_vreg.gather [hbm4b:s3+s2], $0x80, v3, vm0, $0xb8;
	[tilespmem:$0x1D000] =	vst v63  }
0x5f: {  	s24 =	simm.s32 $0xAC00  }
0x60: {  	[tilespmem:s24], [sflag:$0x1] =	stream.indirect_vreg.gather [hbm4b:s9+s2], $0x80, v3, vm1, $0xb8;
	[tilespmem:$0x1D000] =	vst v63  }
0x61: {  	v3 =	vld [tilespmem:$0x2800];
	_ =	sdelay $0x4  }
0x62: {  	v52 =	vshrl.u32 v3, $0x3  }
0x63: {  	v4 =	vmul.u32 $0x18, v52  }
0x64: {  	v3 =	vand.u32 $0x7, v3  }
0x65: {  	v3 =	vor.u32 v3, v4  }
0x66: {  	v4 =	vperm.xlane v3, v0;
	_ =	sdelay $0x1  }
0x67: {  	v4 =	vadd.s32 v1, v4;
	_ =	sdelay $0x1  }
0x68: {  	v3 =	vperm.xlane v3, v2;
	_ =	sdelay $0x1  }
0x69: {  	s25 =	simm.s32 $0xB000;
	v3 =	vadd.s32 v1, v3  }
0x6a: {  	[tilespmem:s25], [sflag:$0x1] =	stream.indirect_vreg.gather [hbm4b:s4+s2], $0x80, v4, vm0, $0xb8;
	[tilespmem:$0x1D000] =	vst v63  }
0x6b: {  	s28 =	simm.s32 $0xB800  }
0x6c: {  	[tilespmem:s28], [sflag:$0x1] =	stream.indirect_vreg.gather [hbm4b:s10+s2], $0x80, v4, vm1, $0xb8;
	[tilespmem:$0x1D000] =	vst v63  }
0x6d: {  	s20 =	simm.s32 $0xBC00  }
0x6e: {  	[tilespmem:s20], [sflag:$0x1] =	stream.indirect_vreg.gather [hbm4b:s4+s2], $0x80, v3, vm0, $0xb8;
	[tilespmem:$0x1D000] =	vst v63  }
0x6f: {  	s21 =	simm.s32 $0xC400  }
0x70: {  	[tilespmem:s21], [sflag:$0x1] =	stream.indirect_vreg.gather [hbm4b:s10+s2], $0x80, v3, vm1, $0xb8;
	[tilespmem:$0x1D000] =	vst v63  }
0x71: {  	v3 =	vld [tilespmem:$0x2810];
	_ =	sdelay $0x4  }
0x72: {  	v53 =	vshrl.u32 v3, $0x3  }
0x73: {  	v4 =	vmul.u32 $0x18, v53  }
0x74: {  	v3 =	vand.u32 $0x7, v3  }
0x75: {  	v3 =	vor.u32 v3, v4  }
0x76: {  	v4 =	vperm.xlane v3, v0;
	_ =	sdelay $0x1  }
0x77: {  	v4 =	vadd.s32 v1, v4;
	_ =	sdelay $0x1  }
0x78: {  	v3 =	vperm.xlane v3, v2;
	_ =	sdelay $0x1  }
0x79: {  	s22 =	simm.s32 $0xC800;
	v3 =	vadd.s32 v1, v3  }
0x7a: {  	[tilespmem:s22], [sflag:$0x1] =	stream.indirect_vreg.gather [hbm4b:s4+s2], $0x80, v4, vm0, $0xb8;
	[tilespmem:$0x1D000] =	vst v63  }
0x7b: {  	s23 =	simm.s32 $0xD000  }
0x7c: {  	[tilespmem:s23], [sflag:$0x1] =	stream.indirect_vreg.gather [hbm4b:s10+s2], $0x80, v4, vm1, $0xb8;
	[tilespmem:$0x1D000] =	vst v63  }
0x7d: {  	s24 =	simm.s32 $0xD400  }
0x7e: {  	[tilespmem:s24], [sflag:$0x1] =	stream.indirect_vreg.gather [hbm4b:s4+s2], $0x80, v3, vm0, $0xb8;
	[tilespmem:$0x1D000] =	vst v63  }
0x7f: {  	s25 =	simm.s32 $0xDC00  }
0x80: {  	[tilespmem:s25], [sflag:$0x1] =	stream.indirect_vreg.gather [hbm4b:s10+s2], $0x80, v3, vm1, $0xb8;
	[tilespmem:$0x1D000] =	vst v63  }
0x81: {  	v3 =	vld [tilespmem:$0x2820];
	_ =	sdelay $0x4  }
0x82: {  	v54 =	vshrl.u32 v3, $0x3  }
0x83: {  	v4 =	vmul.u32 $0x18, v54  }
0x84: {  	v3 =	vand.u32 $0x7, v3  }
0x85: {  	v3 =	vor.u32 v3, v4  }
0x86: {  	v4 =	vperm.xlane v3, v0;
	_ =	sdelay $0x1  }
0x87: {  	v4 =	vadd.s32 v1, v4;
	_ =	sdelay $0x1  }
0x88: {  	v3 =	vperm.xlane v3, v2;
	_ =	sdelay $0x1  }
0x89: {  	s28 =	simm.s32 $0xE000;
	v3 =	vadd.s32 v1, v3  }
0x8a: {  	[tilespmem:s28], [sflag:$0x1] =	stream.indirect_vreg.gather [hbm4b:s4+s2], $0x80, v4, vm0, $0xb8;
	[tilespmem:$0x1D000] =	vst v63  }
0x8b: {  	s20 =	simm.s32 $0xE800  }
0x8c: {  	[tilespmem:s20], [sflag:$0x1] =	stream.indirect_vreg.gather [hbm4b:s10+s2], $0x80, v4, vm1, $0xb8;
	[tilespmem:$0x1D000] =	vst v63  }
0x8d: {  	s21 =	simm.s32 $0xEC00  }
0x8e: {  	[tilespmem:s21], [sflag:$0x1] =	stream.indirect_vreg.gather [hbm4b:s4+s2], $0x80, v3, vm0, $0xb8;
	[tilespmem:$0x1D000] =	vst v63  }
0x8f: {  	s22 =	simm.s32 $0xF400  }
0x90: {  	[tilespmem:s22], [sflag:$0x1] =	stream.indirect_vreg.gather [hbm4b:s10+s2], $0x80, v3, vm1, $0xb8;
	[tilespmem:$0x1D000] =	vst v63  }
0x91: {  	v3 =	vld [tilespmem:$0x2830];
	_ =	sdelay $0x4  }
0x92: {  	v55 =	vshrl.u32 v3, $0x3  }
0x93: {  	v4 =	vmul.u32 $0x18, v55  }
0x94: {  	v3 =	vand.u32 $0x7, v3  }
0x95: {  	v3 =	vor.u32 v3, v4  }
0x96: {  	v4 =	vperm.xlane v3, v0;
	_ =	sdelay $0x1  }
0x97: {  	v4 =	vadd.s32 v1, v4;
	_ =	sdelay $0x1  }
0x98: {  	v3 =	vperm.xlane v3, v2;
	_ =	sdelay $0x1  }
0x99: {  	s23 =	simm.s32 $0xF800;
	v3 =	vadd.s32 v1, v3  }
0x9a: {  	[tilespmem:s23], [sflag:$0x1] =	stream.indirect_vreg.gather [hbm4b:s4+s2], $0x80, v4, vm0, $0xb8;
	[tilespmem:$0x1D000] =	vst v63  }
0x9b: {  	s24 =	simm.s32 $0x10000  }
0x9c: {  	[tilespmem:s24], [sflag:$0x1] =	stream.indirect_vreg.gather [hbm4b:s10+s2], $0x80, v4, vm1, $0xb8;
	[tilespmem:$0x1D000] =	vst v63  }
0x9d: {  	s25 =	simm.s32 $0x10400  }
0x9e: {  	[tilespmem:s25], [sflag:$0x1] =	stream.indirect_vreg.gather [hbm4b:s4+s2], $0x80, v3, vm0, $0xb8;
	[tilespmem:$0x1D000] =	vst v63  }
0x9f: {  	s28 =	simm.s32 $0x10C00  }
0xa0: {  	[tilespmem:s28], [sflag:$0x1] =	stream.indirect_vreg.gather [hbm4b:s10+s2], $0x80, v3, vm1, $0xb8;
	[tilespmem:$0x1D000] =	vst v63  }
0xa1: {  	v3 =	vld [tilespmem:$0x80];
	_ =	sdelay $0x4  }
0xa2: {  	v56 =	vshrl.u32 v3, $0x3  }
0xa3: {  	v4 =	vmul.u32 $0x18, v56  }
0xa4: {  	v3 =	vand.u32 $0x7, v3  }
0xa5: {  	v3 =	vor.u32 v3, v4  }
0xa6: {  	v4 =	vperm.xlane v3, v0;
	_ =	sdelay $0x1  }
0xa7: {  	v4 =	vadd.s32 v1, v4;
	_ =	sdelay $0x1  }
0xa8: {  	v3 =	vperm.xlane v3, v2;
	_ =	sdelay $0x1  }
0xa9: {  	v3 =	vadd.s32 v1, v3  }
0xaa: {  	[tilespmem:s26], [sflag:$0x2] =	stream.indirect_vreg.gather [hbm4b:s3+s2], $0x80, v4, vm0, $0xb8;
	[tilespmem:$0x1D000] =	vst v63  }
0xab: {  	s20 =	simm.s32 $0x11800  }
0xac: {  	[tilespmem:s20], [sflag:$0x2] =	stream.indirect_vreg.gather [hbm4b:s9+s2], $0x80, v4, vm1, $0xb8;
	[tilespmem:$0x1D000] =	vst v63  }
0xad: {  	s21 =	simm.s32 $0x11C00  }
0xae: {  	[tilespmem:s21], [sflag:$0x2] =	stream.indirect_vreg.gather [hbm4b:s3+s2], $0x80, v3, vm0, $0xb8;
	[tilespmem:$0x1D000] =	vst v63  }
0xaf: {  	s22 =	simm.s32 $0x12400  }
0xb0: {  	[tilespmem:s22], [sflag:$0x2] =	stream.indirect_vreg.gather [hbm4b:s9+s2], $0x80, v3, vm1, $0xb8;
	[tilespmem:$0x1D000] =	vst v63  }
0xb1: {  	v3 =	vld [tilespmem:$0x90];
	_ =	sdelay $0x4  }
0xb2: {  	v57 =	vshrl.u32 v3, $0x3  }
0xb3: {  	v4 =	vmul.u32 $0x18, v57  }
0xb4: {  	v3 =	vand.u32 $0x7, v3  }
0xb5: {  	v3 =	vor.u32 v3, v4  }
0xb6: {  	v4 =	vperm.xlane v3, v0;
	_ =	sdelay $0x1  }
0xb7: {  	v4 =	vadd.s32 v1, v4;
	_ =	sdelay $0x1  }
0xb8: {  	v3 =	vperm.xlane v3, v2;
	_ =	sdelay $0x1  }
0xb9: {  	s23 =	simm.s32 $0x12800;
	v3 =	vadd.s32 v1, v3  }
0xba: {  	[tilespmem:s23], [sflag:$0x2] =	stream.indirect_vreg.gather [hbm4b:s3+s2], $0x80, v4, vm0, $0xb8;
	[tilespmem:$0x1D000] =	vst v63  }
0xbb: {  	s24 =	simm.s32 $0x13000  }
0xbc: {  	[tilespmem:s24], [sflag:$0x2] =	stream.indirect_vreg.gather [hbm4b:s9+s2], $0x80, v4, vm1, $0xb8;
	[tilespmem:$0x1D000] =	vst v63  }
0xbd: {  	s25 =	simm.s32 $0x13400  }
0xbe: {  	[tilespmem:s25], [sflag:$0x2] =	stream.indirect_vreg.gather [hbm4b:s3+s2], $0x80, v3, vm0, $0xb8;
	[tilespmem:$0x1D000] =	vst v63  }
0xbf: {  	s28 =	simm.s32 $0x13C00  }
0xc0: {  	[tilespmem:s28], [sflag:$0x2] =	stream.indirect_vreg.gather [hbm4b:s9+s2], $0x80, v3, vm1, $0xb8;
	[tilespmem:$0x1D000] =	vst v63  }
0xc1: {  	v3 =	vld [tilespmem:$0xA0];
	_ =	sdelay $0x4  }
0xc2: {  	v58 =	vshrl.u32 v3, $0x3  }
0xc3: {  	v4 =	vmul.u32 $0x18, v58  }
0xc4: {  	v3 =	vand.u32 $0x7, v3  }
0xc5: {  	v3 =	vor.u32 v3, v4  }
0xc6: {  	v4 =	vperm.xlane v3, v0;
	_ =	sdelay $0x1  }
0xc7: {  	v4 =	vadd.s32 v1, v4;
	_ =	sdelay $0x1  }
0xc8: {  	v3 =	vperm.xlane v3, v2;
	_ =	sdelay $0x1  }
0xc9: {  	s20 =	simm.s32 $0x14000;
	v3 =	vadd.s32 v1, v3  }
0xca: {  	[tilespmem:s20], [sflag:$0x2] =	stream.indirect_vreg.gather [hbm4b:s3+s2], $0x80, v4, vm0, $0xb8;
	[tilespmem:$0x1D000] =	vst v63  }
0xcb: {  	s21 =	simm.s32 $0x14800  }
0xcc: {  	[tilespmem:s21], [sflag:$0x2] =	stream.indirect_vreg.gather [hbm4b:s9+s2], $0x80, v4, vm1, $0xb8;
	[tilespmem:$0x1D000] =	vst v63  }
0xcd: {  	s22 =	simm.s32 $0x14C00  }
0xce: {  	[tilespmem:s22], [sflag:$0x2] =	stream.indirect_vreg.gather [hbm4b:s3+s2], $0x80, v3, vm0, $0xb8;
	[tilespmem:$0x1D000] =	vst v63  }
0xcf: {  	s23 =	simm.s32 $0x15400  }
0xd0: {  	[tilespmem:s23], [sflag:$0x2] =	stream.indirect_vreg.gather [hbm4b:s9+s2], $0x80, v3, vm1, $0xb8;
	[tilespmem:$0x1D000] =	vst v63  }
0xd1: {  	v3 =	vld [tilespmem:$0xB0];
	_ =	sdelay $0x4  }
0xd2: {  	v59 =	vshrl.u32 v3, $0x3  }
0xd3: {  	v4 =	vmul.u32 $0x18, v59  }
0xd4: {  	v3 =	vand.u32 $0x7, v3  }
0xd5: {  	v3 =	vor.u32 v3, v4  }
0xd6: {  	v4 =	vperm.xlane v3, v0;
	_ =	sdelay $0x1  }
0xd7: {  	v4 =	vadd.s32 v1, v4;
	_ =	sdelay $0x1  }
0xd8: {  	v3 =	vperm.xlane v3, v2;
	_ =	sdelay $0x1  }
0xd9: {  	s24 =	simm.s32 $0x15800;
	v3 =	vadd.s32 v1, v3  }
0xda: {  	[tilespmem:s24], [sflag:$0x2] =	stream.indirect_vreg.gather [hbm4b:s3+s2], $0x80, v4, vm0, $0xb8;
	[tilespmem:$0x1D000] =	vst v63  }
0xdb: {  	s25 =	simm.s32 $0x16000  }
0xdc: {  	[tilespmem:s25], [sflag:$0x2] =	stream.indirect_vreg.gather [hbm4b:s9+s2], $0x80, v4, vm1, $0xb8;
	[tilespmem:$0x1D000] =	vst v63  }
0xdd: {  	s28 =	simm.s32 $0x16400  }
0xde: {  	[tilespmem:s28], [sflag:$0x2] =	stream.indirect_vreg.gather [hbm4b:s3+s2], $0x80, v3, vm0, $0xb8;
	[tilespmem:$0x1D000] =	vst v63  }
0xdf: {  	s20 =	simm.s32 $0x16C00  }
0xe0: {  	[tilespmem:s20], [sflag:$0x2] =	stream.indirect_vreg.gather [hbm4b:s9+s2], $0x80, v3, vm1, $0xb8;
	[tilespmem:$0x1D000] =	vst v63  }
0xe1: {  	v3 =	vld [tilespmem:$0x2880];
	_ =	sdelay $0x4  }
0xe2: {  	v60 =	vshrl.u32 v3, $0x3  }
0xe3: {  	v4 =	vmul.u32 $0x18, v60  }
0xe4: {  	v3 =	vand.u32 $0x7, v3  }
0xe5: {  	v3 =	vor.u32 v3, v4  }
0xe6: {  	v4 =	vperm.xlane v3, v0;
	_ =	sdelay $0x1  }
0xe7: {  	v4 =	vadd.s32 v1, v4;
	_ =	sdelay $0x1  }
0xe8: {  	v3 =	vperm.xlane v3, v2;
	_ =	sdelay $0x1  }
0xe9: {  	s21 =	simm.s32 $0x17000;
	v3 =	vadd.s32 v1, v3  }
0xea: {  	[tilespmem:s21], [sflag:$0x2] =	stream.indirect_vreg.gather [hbm4b:s4+s2], $0x80, v4, vm0, $0xb8;
	[tilespmem:$0x1D000] =	vst v63  }
0xeb: {  	s22 =	simm.s32 $0x17800  }
0xec: {  	[tilespmem:s22], [sflag:$0x2] =	stream.indirect_vreg.gather [hbm4b:s10+s2], $0x80, v4, vm1, $0xb8;
	[tilespmem:$0x1D000] =	vst v63  }
0xed: {  	s23 =	simm.s32 $0x17C00  }
0xee: {  	[tilespmem:s23], [sflag:$0x2] =	stream.indirect_vreg.gather [hbm4b:s4+s2], $0x80, v3, vm0, $0xb8;
	[tilespmem:$0x1D000] =	vst v63  }
0xef: {  	s24 =	simm.s32 $0x18400  }
0xf0: {  	[tilespmem:s24], [sflag:$0x2] =	stream.indirect_vreg.gather [hbm4b:s10+s2], $0x80, v3, vm1, $0xb8;
	[tilespmem:$0x1D000] =	vst v63  }
0xf1: {  	v3 =	vld [tilespmem:$0x2890];
	_ =	sdelay $0x4  }
0xf2: {  	v61 =	vshrl.u32 v3, $0x3  }
0xf3: {  	v4 =	vmul.u32 $0x18, v61  }
0xf4: {  	v3 =	vand.u32 $0x7, v3  }
0xf5: {  	v3 =	vor.u32 v3, v4  }
0xf6: {  	v4 =	vperm.xlane v3, v0;
	_ =	sdelay $0x1  }
0xf7: {  	v4 =	vadd.s32 v1, v4;
	_ =	sdelay $0x1  }
0xf8: {  	v3 =	vperm.xlane v3, v2;
	_ =	sdelay $0x1  }
0xf9: {  	s25 =	simm.s32 $0x18800;
	v3 =	vadd.s32 v1, v3  }
0xfa: {  	[tilespmem:s25], [sflag:$0x2] =	stream.indirect_vreg.gather [hbm4b:s4+s2], $0x80, v4, vm0, $0xb8;
	[tilespmem:$0x1D000] =	vst v63  }
0xfb: {  	s28 =	simm.s32 $0x19000  }
0xfc: {  	[tilespmem:s28], [sflag:$0x2] =	stream.indirect_vreg.gather [hbm4b:s10+s2], $0x80, v4, vm1, $0xb8;
	[tilespmem:$0x1D000] =	vst v63  }
0xfd: {  	_ = 	snop  }
0xfe: {  	[tilespmem:s29], [sflag:$0x2] =	stream.indirect_vreg.gather [hbm4b:s4+s2], $0x80, v3, vm0, $0xb8;
	[tilespmem:$0x1D000] =	vst v63  }
0xff: {  	_ = 	snop  }
0x100: {  	[tilespmem:s30], [sflag:$0x2] =	stream.indirect_vreg.gather [hbm4b:s10+s2], $0x80, v3, vm1, $0xb8;
	[tilespmem:$0x1D000] =	vst v63  }
0x101: {  	v3 =	vld [tilespmem:$0x28A0];
	_ =	sdelay $0x4  }
0x102: {  	v62 =	vshrl.u32 v3, $0x3  }
0x103: {  	v4 =	vmul.u32 $0x18, v62  }
0x104: {  	v3 =	vand.u32 $0x7, v3  }
0x105: {  	v3 =	vor.u32 v3, v4  }
0x106: {  	v4 =	vperm.xlane v3, v0;
	_ =	sdelay $0x1  }
0x107: {  	v4 =	vadd.s32 v1, v4;
	_ =	sdelay $0x1  }
0x108: {  	v3 =	vperm.xlane v3, v2;
	_ =	sdelay $0x1  }
0x109: {  	v3 =	vadd.s32 v1, v3  }
0x10a: {  	[tilespmem:s31], [sflag:$0x2] =	stream.indirect_vreg.gather [hbm4b:s4+s2], $0x80, v4, vm0, $0xb8;
	[tilespmem:$0x1D000] =	vst v63  }
0x10b: {  	_ = 	snop  }
0x10c: {  	[tilespmem:s0], [sflag:$0x2] =	stream.indirect_vreg.gather [hbm4b:s10+s2], $0x80, v4, vm1, $0xb8;
	[tilespmem:$0x1D000] =	vst v63  }
0x10d: {  	_ = 	snop  }
0x10e: {  	[tilespmem:s1], [sflag:$0x2] =	stream.indirect_vreg.gather [hbm4b:s4+s2], $0x80, v3, vm0, $0xb8;
	[tilespmem:$0x1D000] =	vst v63  }
0x10f: {  	_ = 	snop  }
0x110: {  	[tilespmem:s14], [sflag:$0x2] =	stream.indirect_vreg.gather [hbm4b:s10+s2], $0x80, v3, vm1, $0xb8;
	[tilespmem:$0x1D000] =	vst v63  }
0x111: {  	v3 =	vld [tilespmem:$0x28B0];
	_ =	sdelay $0x4  }
0x112: {  	v63 =	vshrl.u32 v3, $0x3  }
0x113: {  	v4 =	vmul.u32 $0x18, v63  }
0x114: {  	v3 =	vand.u32 $0x7, v3  }
0x115: {  	v3 =	vor.u32 v3, v4  }
0x116: {  	v4 =	vperm.xlane v3, v0;
	_ =	sdelay $0x1  }
0x117: {  	v4 =	vadd.s32 v1, v4;
	_ =	sdelay $0x1  }
0x118: {  	v3 =	vperm.xlane v3, v2;
	_ =	sdelay $0x1  }
0x119: {  	v3 =	vadd.s32 v1, v3  }
0x11a: {  	[tilespmem:s7], [sflag:$0x2] =	stream.indirect_vreg.gather [hbm4b:s4+s2], $0x80, v4, vm0, $0xb8;
	[tilespmem:$0x1D000] =	vst v63  }
0x11b: {  	_ = 	snop  }
0x11c: {  	[tilespmem:s8], [sflag:$0x2] =	stream.indirect_vreg.gather [hbm4b:s10+s2], $0x80, v4, vm1, $0xb8;
	[tilespmem:$0x1D000] =	vst v63  }
0x11d: {  	_ = 	snop  }
0x11e: {  	[tilespmem:s12], [sflag:$0x2] =	stream.indirect_vreg.gather [hbm4b:s4+s2], $0x80, v3, vm0, $0xb8;
	[tilespmem:$0x1D000] =	vst v63  }
0x11f: {  	s19 =	simm.s32 $0x0  }
0x120: {  	[tilespmem:s16], [sflag:$0x2] =	stream.indirect_vreg.gather [hbm4b:s10+s2], $0x80, v3, vm1, $0xb8;
	[tilespmem:$0x1D000] =	vst v63  }
.LBB2_2:
0x121: {  	_ =	swait.ge [sflag:s17], $0x6000  }
0x122: {  	[sflag:s17] =	ssyncset.done $0x0  }
0x123: {  	s21 =	simm.s32 $0x0;
	[sflag:s17] =	ssyncadd.s32 $0xFFFFA000  }
0x124: {  	s20 =	simm.s32 $0x0;
	s21 =	smul.u32 $0xC00, s21;
	_ =	swait.ge [sflag:s17], $0x6000  }
0x125: {  	s22 =	sand.u32 $0x380, s20;
	[sflag:s17] =	ssyncset.done $0x0  }
0x126: {  	s21 =	sor.u32 s22, s21;
	[sflag:s17] =	ssyncadd.s32 $0xFFFFA000  }
0x127: {  	v3 =	vld [tilespmem:s21+$0xB800]  }
0x128: {  	v6 =	vld [tilespmem:s21+$0xB000]  }
0x129: {  	v7 =	vld [tilespmem:s21+$0xB010]  }
0x12a: {  	v8 =	vld [tilespmem:s21+$0xB020]  }
0x12b: {  	v9 =	vld [tilespmem:s21+$0xB030]  }
0x12c: {  	v10 =	vld [tilespmem:s21+$0xB040]  }
0x12d: {  	v11 =	vld [tilespmem:s21+$0xB050]  }
0x12e: {  	v12 =	vld [tilespmem:s21+$0xB060]  }
0x12f: {  	v13 =	vld [tilespmem:s21+$0xB070]  }
0x130: {  	v14 =	vld [tilespmem:s21+$0xB400]  }
0x131: {  	v15 =	vld [tilespmem:s21+$0xB410]  }
0x132: {  	v16 =	vld [tilespmem:s21+$0xB420]  }
0x133: {  	v17 =	vld [tilespmem:s21+$0xB430]  }
0x134: {  	v18 =	vld [tilespmem:s21+$0xB440]  }
0x135: {  	v5 =	vld [tilespmem:s21+$0xB450]  }
0x136: {  	v4 =	vld [tilespmem:s21+$0xB460]  }
0x137: {  	[tilespmem:s21+$0x5800] =	vst.add.f32.msk $0xffff, v3  }
0x138: {  	v3 =	vld [tilespmem:s21+$0xB470]  }
0x139: {  	[tilespmem:s21+$0x5000] =	vst.add.f32.msk $0xffff, v6  }
0x13a: {  	[tilespmem:s21+$0x5010] =	vst.add.f32.msk $0xffff, v7  }
0x13b: {  	[tilespmem:s21+$0x5020] =	vst.add.f32.msk $0xffff, v8  }
0x13c: {  	[tilespmem:s21+$0x5030] =	vst.add.f32.msk $0xffff, v9  }
0x13d: {  	[tilespmem:s21+$0x5040] =	vst.add.f32.msk $0xffff, v10  }
0x13e: {  	[tilespmem:s21+$0x5050] =	vst.add.f32.msk $0xffff, v11  }
0x13f: {  	[tilespmem:s21+$0x5060] =	vst.add.f32.msk $0xffff, v12  }
0x140: {  	[tilespmem:s21+$0x5070] =	vst.add.f32.msk $0xffff, v13  }
0x141: {  	[tilespmem:s21+$0x5400] =	vst.add.f32.msk $0xffff, v14  }
0x142: {  	[tilespmem:s21+$0x5410] =	vst.add.f32.msk $0xffff, v15  }
0x143: {  	[tilespmem:s21+$0x5420] =	vst.add.f32.msk $0xffff, v16  }
0x144: {  	[tilespmem:s21+$0x5430] =	vst.add.f32.msk $0xffff, v17  }
0x145: {  	s23 =	simm.s32 $0x0;
	s22 =	simm.s32 $0x2;
	[tilespmem:s21+$0x5440] =	vst.add.f32.msk $0xffff, v18  }
.LBB2_3:
0x146: {  	p0 =	sne.s32 s22, $0x3F;
	s23 =	smul.u32 $0xC00, s23;
	[tilespmem:s21+$0x5450] =	vst.add.f32.msk $0xffff, v5;
	s20 =	sadd.s32 $0x80, s20  }
0x147: {  	s24 =	sand.u32 $0x380, s20;
	[tilespmem:s21+$0x5460] =	vst.add.f32.msk $0xffff, v4  }
0x148: {  	[tilespmem:s21+$0x5470] =	vst.add.f32.msk $0xffff, v3;
	s21 =	sor.u32 s24, s23  }
0x149: {  	v3 =	vld [tilespmem:s21+$0xB800]  }
0x14a: {  	v6 =	vld [tilespmem:s21+$0xB000]  }
0x14b: {  	v7 =	vld [tilespmem:s21+$0xB010]  }
0x14c: {  	v8 =	vld [tilespmem:s21+$0xB020]  }
0x14d: {  	v9 =	vld [tilespmem:s21+$0xB030]  }
0x14e: {  	[tilespmem:s21+$0x5800] =	vst.add.f32.msk $0xffff, v3  }
0x14f: {  	v10 =	vld [tilespmem:s21+$0xB040]  }
0x150: {  	v11 =	vld [tilespmem:s21+$0xB050]  }
0x151: {  	v12 =	vld [tilespmem:s21+$0xB060]  }
0x152: {  	v13 =	vld [tilespmem:s21+$0xB070]  }
0x153: {  	v14 =	vld [tilespmem:s21+$0xB400]  }
0x154: {  	v15 =	vld [tilespmem:s21+$0xB410]  }
0x155: {  	v16 =	vld [tilespmem:s21+$0xB420]  }
0x156: {  	v17 =	vld [tilespmem:s21+$0xB430]  }
0x157: {  	v18 =	vld [tilespmem:s21+$0xB440]  }
0x158: {  	v5 =	vld [tilespmem:s21+$0xB450]  }
0x159: {  	v4 =	vld [tilespmem:s21+$0xB460]  }
0x15a: {  	v3 =	vld [tilespmem:s21+$0xB470]  }
0x15b: {  	[tilespmem:s21+$0x5000] =	vst.add.f32.msk $0xffff, v6  }
0x15c: {  	[tilespmem:s21+$0x5010] =	vst.add.f32.msk $0xffff, v7  }
0x15d: {  	[tilespmem:s21+$0x5020] =	vst.add.f32.msk $0xffff, v8  }
0x15e: {  	[tilespmem:s21+$0x5030] =	vst.add.f32.msk $0xffff, v9  }
0x15f: {  	[tilespmem:s21+$0x5040] =	vst.add.f32.msk $0xffff, v10  }
0x160: {  	[tilespmem:s21+$0x5050] =	vst.add.f32.msk $0xffff, v11  }
0x161: {  	[tilespmem:s21+$0x5060] =	vst.add.f32.msk $0xffff, v12  }
0x162: {  	[tilespmem:s21+$0x5070] =	vst.add.f32.msk $0xffff, v13  }
.Ltmp2:
0x163: {  	[tilespmem:s21+$0x5400] =	vst.add.f32.msk $0xffff, v14;
	(pc) =	sbr.rel @p0 .LBB2_3-.Ltmp2, $4  }
0x164: {  	[tilespmem:s21+$0x5410] =	vst.add.f32.msk $0xffff, v15  }
0x165: {  	[tilespmem:s21+$0x5420] =	vst.add.f32.msk $0xffff, v16  }
0x166: {  	[tilespmem:s21+$0x5430] =	vst.add.f32.msk $0xffff, v17  }
0x167: {  	s23 =	sshrl.u32 s22, $0x3;
	s22 =	sadd.s32 $0x1, s22;
	[tilespmem:s21+$0x5440] =	vst.add.f32.msk $0xffff, v18  }
0x168: {  	s22 =	smul.u32 $0xC00, s23;
	[tilespmem:s21+$0x5450] =	vst.add.f32.msk $0xffff, v5;
	s20 =	sadd.s32 $0x80, s20  }
0x169: {  	[tilespmem:s21+$0x5460] =	vst.add.f32.msk $0xffff, v4;
	s20 =	sand.u32 $0x380, s20  }
0x16a: {  	[tilespmem:s21+$0x5470] =	vst.add.f32.msk $0xffff, v3;
	s20 =	sor.u32 s20, s22  }
0x16b: {  	v3 =	vld [tilespmem:s20+$0xB800]  }
0x16c: {  	v4 =	vld [tilespmem:s20+$0xB000]  }
0x16d: {  	v5 =	vld [tilespmem:s20+$0xB010]  }
0x16e: {  	v6 =	vld [tilespmem:s20+$0xB020]  }
0x16f: {  	v7 =	vld [tilespmem:s20+$0xB030]  }
0x170: {  	v8 =	vld [tilespmem:s20+$0xB050]  }
0x171: {  	v9 =	vld [tilespmem:s20+$0xB060]  }
0x172: {  	v10 =	vld [tilespmem:s20+$0xB070]  }
0x173: {  	v11 =	vld [tilespmem:s20+$0xB400]  }
0x174: {  	v12 =	vld [tilespmem:s20+$0xB410]  }
0x175: {  	v13 =	vld [tilespmem:s20+$0xB420]  }
0x176: {  	v14 =	vld [tilespmem:s20+$0xB430]  }
0x177: {  	v15 =	vld [tilespmem:s20+$0xB440]  }
0x178: {  	v16 =	vld [tilespmem:s20+$0xB450]  }
0x179: {  	v17 =	vld [tilespmem:s20+$0xB460]  }
0x17a: {  	v18 =	vld [tilespmem:s20+$0xB470]  }
0x17b: {  	[tilespmem:s20+$0x5800] =	vst.add.f32.msk $0xffff, v3  }
0x17c: {  	v3 =	vld [tilespmem:s20+$0xB040]  }
0x17d: {  	[tilespmem:s20+$0x5000] =	vst.add.f32.msk $0xffff, v4  }
0x17e: {  	[tilespmem:s20+$0x5010] =	vst.add.f32.msk $0xffff, v5  }
0x17f: {  	[tilespmem:s20+$0x5020] =	vst.add.f32.msk $0xffff, v6  }
0x180: {  	[tilespmem:s20+$0x5030] =	vst.add.f32.msk $0xffff, v7  }
0x181: {  	[tilespmem:s20+$0x5050] =	vst.add.f32.msk $0xffff, v8  }
0x182: {  	[tilespmem:s20+$0x5060] =	vst.add.f32.msk $0xffff, v9  }
0x183: {  	[tilespmem:s20+$0x5070] =	vst.add.f32.msk $0xffff, v10  }
0x184: {  	[tilespmem:s20+$0x5400] =	vst.add.f32.msk $0xffff, v11  }
0x185: {  	[tilespmem:s20+$0x5410] =	vst.add.f32.msk $0xffff, v12  }
0x186: {  	[tilespmem:s20+$0x5420] =	vst.add.f32.msk $0xffff, v13  }
0x187: {  	s21 =	sshll.u32 s19, $0x7;
	[tilespmem:s20+$0x5430] =	vst.add.f32.msk $0xffff, v14  }
0x188: {  	s25 =	sadd.s32 s6, s21;
	[tilespmem:s20+$0x5440] =	vst.add.f32.msk $0xffff, v15  }
0x189: {  	s22 =	sshrl.u32 s25, $0x3;
	[tilespmem:s20+$0x5450] =	vst.add.f32.msk $0xffff, v16  }
0x18a: {  	s22 =	smul.u32 $0x180, s22;
	[tilespmem:s20+$0x5460] =	vst.add.f32.msk $0xffff, v17  }
0x18b: {  	p0 =	seq.s32 s19, $0x27;
	[tilespmem:s20+$0x5470] =	vst.add.f32.msk $0xffff, v18  }
.Ltmp3:
0x18c: {  	s28 =	sadd.s32 s5, s22;
	[tilespmem:s20+$0x5040] =	vst.add.f32.msk $0xffff, v3;
	(pc) =	sbr.rel @p0 .LBB2_6-.Ltmp3, $4  }
0x18d: {  	[hbm4b:s28+s2] =	stream.linear.scatter [tilespmem:s15], [sflag:$0x3], $0x6000, $0x38;
	[tilespmem:$0x1D000] =	vst v63  }
0x18e: {  	_ =	swait.ge [sflag:s13], $0x6000  }
0x18f: {  	[sflag:s13] =	ssyncset.done $0x0  }
0x190: {  	s20 =	sshll.u32 s19, $0x8;
	[sflag:s13] =	ssyncadd.s32 $0xFFFFA000  }
0x191: {  	v3 =	vld [tilespmem:s20+$0x100];
	_ =	sdelay $0x4  }
0x192: {  	v4 =	vshrl.u32 v3, $0x3  }
0x193: {  	v4 =	vmul.u32 $0x18, v4  }
0x194: {  	v3 =	vand.u32 $0x7, v3  }
0x195: {  	v3 =	vor.u32 v3, v4  }
0x196: {  	v4 =	vperm.xlane v3, v0;
	_ =	sdelay $0x1  }
0x197: {  	v4 =	vadd.s32 v1, v4;
	_ =	sdelay $0x1  }
0x198: {  	v3 =	vperm.xlane v3, v2;
	_ =	sdelay $0x1  }
0x199: {  	v3 =	vadd.s32 v1, v3  }
0x19a: {  	[tilespmem:s15], [sflag:$0x1] =	stream.indirect_vreg.gather [hbm4b:s3+s2], $0x80, v4, vm0, $0xb8;
	[tilespmem:$0x1D000] =	vst v63  }
0x19b: {  	s22 =	simm.s32 $0x5800  }
0x19c: {  	[tilespmem:s22], [sflag:$0x1] =	stream.indirect_vreg.gather [hbm4b:s9+s2], $0x80, v4, vm1, $0xb8;
	[tilespmem:$0x1D000] =	vst v63  }
0x19d: {  	s25 =	simm.s32 $0x5C00  }
0x19e: {  	[tilespmem:s25], [sflag:$0x1] =	stream.indirect_vreg.gather [hbm4b:s3+s2], $0x80, v3, vm0, $0xb8;
	[tilespmem:$0x1D000] =	vst v63  }
0x19f: {  	s28 =	simm.s32 $0x6400  }
0x1a0: {  	[tilespmem:s28], [sflag:$0x1] =	stream.indirect_vreg.gather [hbm4b:s9+s2], $0x80, v3, vm1, $0xb8;
	[tilespmem:$0x1D000] =	vst v63  }
0x1a1: {  	v3 =	vld [tilespmem:s20+$0x110];
	_ =	sdelay $0x4  }
0x1a2: {  	v57 =	vshrl.u32 v3, $0x3  }
0x1a3: {  	v4 =	vmul.u32 $0x18, v57  }
0x1a4: {  	v3 =	vand.u32 $0x7, v3  }
0x1a5: {  	v3 =	vor.u32 v3, v4  }
0x1a6: {  	v4 =	vperm.xlane v3, v0;
	_ =	sdelay $0x1  }
0x1a7: {  	v4 =	vadd.s32 v1, v4;
	_ =	sdelay $0x1  }
0x1a8: {  	v3 =	vperm.xlane v3, v2;
	_ =	sdelay $0x1  }
0x1a9: {  	s23 =	simm.s32 $0x6800;
	v3 =	vadd.s32 v1, v3  }
0x1aa: {  	[tilespmem:s23], [sflag:$0x1] =	stream.indirect_vreg.gather [hbm4b:s3+s2], $0x80, v4, vm0, $0xb8;
	[tilespmem:$0x1D000] =	vst v63  }
0x1ab: {  	s24 =	simm.s32 $0x7000  }
0x1ac: {  	[tilespmem:s24], [sflag:$0x1] =	stream.indirect_vreg.gather [hbm4b:s9+s2], $0x80, v4, vm1, $0xb8;
	[tilespmem:$0x1D000] =	vst v63  }
0x1ad: {  	s25 =	simm.s32 $0x7400  }
0x1ae: {  	[tilespmem:s25], [sflag:$0x1] =	stream.indirect_vreg.gather [hbm4b:s3+s2], $0x80, v3, vm0, $0xb8;
	[tilespmem:$0x1D000] =	vst v63  }
0x1af: {  	s28 =	simm.s32 $0x7C00  }
0x1b0: {  	[tilespmem:s28], [sflag:$0x1] =	stream.indirect_vreg.gather [hbm4b:s9+s2], $0x80, v3, vm1, $0xb8;
	[tilespmem:$0x1D000] =	vst v63  }
0x1b1: {  	v3 =	vld [tilespmem:s20+$0x120];
	_ =	sdelay $0x4  }
0x1b2: {  	v58 =	vshrl.u32 v3, $0x3  }
0x1b3: {  	v4 =	vmul.u32 $0x18, v58  }
0x1b4: {  	v3 =	vand.u32 $0x7, v3  }
0x1b5: {  	v3 =	vor.u32 v3, v4  }
0x1b6: {  	v4 =	vperm.xlane v3, v0;
	_ =	sdelay $0x1  }
0x1b7: {  	v4 =	vadd.s32 v1, v4;
	_ =	sdelay $0x1  }
0x1b8: {  	v3 =	vperm.xlane v3, v2;
	_ =	sdelay $0x1  }
0x1b9: {  	s23 =	simm.s32 $0x8000;
	v3 =	vadd.s32 v1, v3  }
0x1ba: {  	[tilespmem:s23], [sflag:$0x1] =	stream.indirect_vreg.gather [hbm4b:s3+s2], $0x80, v4, vm0, $0xb8;
	[tilespmem:$0x1D000] =	vst v63  }
0x1bb: {  	s24 =	simm.s32 $0x8800  }
0x1bc: {  	[tilespmem:s24], [sflag:$0x1] =	stream.indirect_vreg.gather [hbm4b:s9+s2], $0x80, v4, vm1, $0xb8;
	[tilespmem:$0x1D000] =	vst v63  }
0x1bd: {  	s25 =	simm.s32 $0x8C00  }
0x1be: {  	[tilespmem:s25], [sflag:$0x1] =	stream.indirect_vreg.gather [hbm4b:s3+s2], $0x80, v3, vm0, $0xb8;
	[tilespmem:$0x1D000] =	vst v63  }
0x1bf: {  	s28 =	simm.s32 $0x9400  }
0x1c0: {  	[tilespmem:s28], [sflag:$0x1] =	stream.indirect_vreg.gather [hbm4b:s9+s2], $0x80, v3, vm1, $0xb8;
	[tilespmem:$0x1D000] =	vst v63  }
0x1c1: {  	v3 =	vld [tilespmem:s20+$0x130];
	_ =	sdelay $0x4  }
0x1c2: {  	v59 =	vshrl.u32 v3, $0x3  }
0x1c3: {  	v4 =	vmul.u32 $0x18, v59  }
0x1c4: {  	v3 =	vand.u32 $0x7, v3  }
0x1c5: {  	v3 =	vor.u32 v3, v4  }
0x1c6: {  	v4 =	vperm.xlane v3, v0;
	_ =	sdelay $0x1  }
0x1c7: {  	v4 =	vadd.s32 v1, v4;
	_ =	sdelay $0x1  }
0x1c8: {  	v3 =	vperm.xlane v3, v2;
	_ =	sdelay $0x1  }
0x1c9: {  	s23 =	simm.s32 $0x9800;
	v3 =	vadd.s32 v1, v3  }
0x1ca: {  	[tilespmem:s23], [sflag:$0x1] =	stream.indirect_vreg.gather [hbm4b:s3+s2], $0x80, v4, vm0, $0xb8;
	[tilespmem:$0x1D000] =	vst v63  }
0x1cb: {  	s24 =	simm.s32 $0xA000  }
0x1cc: {  	[tilespmem:s24], [sflag:$0x1] =	stream.indirect_vreg.gather [hbm4b:s9+s2], $0x80, v4, vm1, $0xb8;
	[tilespmem:$0x1D000] =	vst v63  }
0x1cd: {  	s25 =	simm.s32 $0xA400  }
0x1ce: {  	[tilespmem:s25], [sflag:$0x1] =	stream.indirect_vreg.gather [hbm4b:s3+s2], $0x80, v3, vm0, $0xb8;
	[tilespmem:$0x1D000] =	vst v63  }
0x1cf: {  	s28 =	simm.s32 $0xAC00  }
0x1d0: {  	[tilespmem:s28], [sflag:$0x1] =	stream.indirect_vreg.gather [hbm4b:s9+s2], $0x80, v3, vm1, $0xb8;
	[tilespmem:$0x1D000] =	vst v63  }
0x1d1: {  	v3 =	vld [tilespmem:s20+$0x2900];
	_ =	sdelay $0x4  }
0x1d2: {  	v60 =	vshrl.u32 v3, $0x3  }
0x1d3: {  	v4 =	vmul.u32 $0x18, v60  }
0x1d4: {  	v3 =	vand.u32 $0x7, v3  }
0x1d5: {  	v3 =	vor.u32 v3, v4  }
0x1d6: {  	v4 =	vperm.xlane v3, v0;
	_ =	sdelay $0x1  }
0x1d7: {  	v4 =	vadd.s32 v1, v4;
	_ =	sdelay $0x1  }
0x1d8: {  	v3 =	vperm.xlane v3, v2;
	_ =	sdelay $0x1  }
0x1d9: {  	s23 =	simm.s32 $0xB000;
	v3 =	vadd.s32 v1, v3  }
0x1da: {  	[tilespmem:s23], [sflag:$0x1] =	stream.indirect_vreg.gather [hbm4b:s4+s2], $0x80, v4, vm0, $0xb8;
	[tilespmem:$0x1D000] =	vst v63  }
0x1db: {  	s24 =	simm.s32 $0xB800  }
0x1dc: {  	[tilespmem:s24], [sflag:$0x1] =	stream.indirect_vreg.gather [hbm4b:s10+s2], $0x80, v4, vm1, $0xb8;
	[tilespmem:$0x1D000] =	vst v63  }
0x1dd: {  	s25 =	simm.s32 $0xBC00  }
0x1de: {  	[tilespmem:s25], [sflag:$0x1] =	stream.indirect_vreg.gather [hbm4b:s4+s2], $0x80, v3, vm0, $0xb8;
	[tilespmem:$0x1D000] =	vst v63  }
0x1df: {  	s28 =	simm.s32 $0xC400  }
0x1e0: {  	[tilespmem:s28], [sflag:$0x1] =	stream.indirect_vreg.gather [hbm4b:s10+s2], $0x80, v3, vm1, $0xb8;
	[tilespmem:$0x1D000] =	vst v63  }
0x1e1: {  	v3 =	vld [tilespmem:s20+$0x2910];
	_ =	sdelay $0x4  }
0x1e2: {  	v61 =	vshrl.u32 v3, $0x3  }
0x1e3: {  	v4 =	vmul.u32 $0x18, v61  }
0x1e4: {  	v3 =	vand.u32 $0x7, v3  }
0x1e5: {  	v3 =	vor.u32 v3, v4  }
0x1e6: {  	v4 =	vperm.xlane v3, v0;
	_ =	sdelay $0x1  }
0x1e7: {  	v4 =	vadd.s32 v1, v4;
	_ =	sdelay $0x1  }
0x1e8: {  	v3 =	vperm.xlane v3, v2;
	_ =	sdelay $0x1  }
0x1e9: {  	s23 =	simm.s32 $0xC800;
	v3 =	vadd.s32 v1, v3  }
0x1ea: {  	[tilespmem:s23], [sflag:$0x1] =	stream.indirect_vreg.gather [hbm4b:s4+s2], $0x80, v4, vm0, $0xb8;
	[tilespmem:$0x1D000] =	vst v63  }
0x1eb: {  	s24 =	simm.s32 $0xD000  }
0x1ec: {  	[tilespmem:s24], [sflag:$0x1] =	stream.indirect_vreg.gather [hbm4b:s10+s2], $0x80, v4, vm1, $0xb8;
	[tilespmem:$0x1D000] =	vst v63  }
0x1ed: {  	s25 =	simm.s32 $0xD400  }
0x1ee: {  	[tilespmem:s25], [sflag:$0x1] =	stream.indirect_vreg.gather [hbm4b:s4+s2], $0x80, v3, vm0, $0xb8;
	[tilespmem:$0x1D000] =	vst v63  }
0x1ef: {  	s28 =	simm.s32 $0xDC00  }
0x1f0: {  	[tilespmem:s28], [sflag:$0x1] =	stream.indirect_vreg.gather [hbm4b:s10+s2], $0x80, v3, vm1, $0xb8;
	[tilespmem:$0x1D000] =	vst v63  }
0x1f1: {  	v3 =	vld [tilespmem:s20+$0x2920];
	_ =	sdelay $0x4  }
0x1f2: {  	v62 =	vshrl.u32 v3, $0x3  }
0x1f3: {  	v4 =	vmul.u32 $0x18, v62  }
0x1f4: {  	v3 =	vand.u32 $0x7, v3  }
0x1f5: {  	v3 =	vor.u32 v3, v4  }
0x1f6: {  	v4 =	vperm.xlane v3, v0;
	_ =	sdelay $0x1  }
0x1f7: {  	v4 =	vadd.s32 v1, v4;
	_ =	sdelay $0x1  }
0x1f8: {  	v3 =	vperm.xlane v3, v2;
	_ =	sdelay $0x1  }
0x1f9: {  	s23 =	simm.s32 $0xE000;
	v3 =	vadd.s32 v1, v3  }
0x1fa: {  	[tilespmem:s23], [sflag:$0x1] =	stream.indirect_vreg.gather [hbm4b:s4+s2], $0x80, v4, vm0, $0xb8;
	[tilespmem:$0x1D000] =	vst v63  }
0x1fb: {  	s24 =	simm.s32 $0xE800  }
0x1fc: {  	[tilespmem:s24], [sflag:$0x1] =	stream.indirect_vreg.gather [hbm4b:s10+s2], $0x80, v4, vm1, $0xb8;
	[tilespmem:$0x1D000] =	vst v63  }
0x1fd: {  	s25 =	simm.s32 $0xEC00  }
0x1fe: {  	[tilespmem:s25], [sflag:$0x1] =	stream.indirect_vreg.gather [hbm4b:s4+s2], $0x80, v3, vm0, $0xb8;
	[tilespmem:$0x1D000] =	vst v63  }
0x1ff: {  	s28 =	simm.s32 $0xF400  }
0x200: {  	[tilespmem:s28], [sflag:$0x1] =	stream.indirect_vreg.gather [hbm4b:s10+s2], $0x80, v3, vm1, $0xb8;
	[tilespmem:$0x1D000] =	vst v63  }
0x201: {  	v3 =	vld [tilespmem:s20+$0x2930];
	_ =	sdelay $0x4  }
0x202: {  	v63 =	vshrl.u32 v3, $0x3  }
0x203: {  	v4 =	vmul.u32 $0x18, v63  }
0x204: {  	v3 =	vand.u32 $0x7, v3  }
0x205: {  	v3 =	vor.u32 v3, v4  }
0x206: {  	v4 =	vperm.xlane v3, v0;
	_ =	sdelay $0x1  }
0x207: {  	v4 =	vadd.s32 v1, v4;
	_ =	sdelay $0x1  }
0x208: {  	v3 =	vperm.xlane v3, v2;
	_ =	sdelay $0x1  }
0x209: {  	s23 =	simm.s32 $0xF800;
	v3 =	vadd.s32 v1, v3  }
0x20a: {  	[tilespmem:s23], [sflag:$0x1] =	stream.indirect_vreg.gather [hbm4b:s4+s2], $0x80, v4, vm0, $0xb8;
	[tilespmem:$0x1D000] =	vst v63  }
0x20b: {  	s24 =	simm.s32 $0x10000  }
0x20c: {  	[tilespmem:s24], [sflag:$0x1] =	stream.indirect_vreg.gather [hbm4b:s10+s2], $0x80, v4, vm1, $0xb8;
	[tilespmem:$0x1D000] =	vst v63  }
0x20d: {  	s25 =	simm.s32 $0x10400  }
0x20e: {  	[tilespmem:s25], [sflag:$0x1] =	stream.indirect_vreg.gather [hbm4b:s4+s2], $0x80, v3, vm0, $0xb8;
	[tilespmem:$0x1D000] =	vst v63  }
0x20f: {  	s28 =	simm.s32 $0x10C00  }
0x210: {  	[tilespmem:s28], [sflag:$0x1] =	stream.indirect_vreg.gather [hbm4b:s10+s2], $0x80, v3, vm1, $0xb8;
	[tilespmem:$0x1D000] =	vst v63  }
.LBB2_6:
0x211: {  	_ =	swait.ge [sflag:s18], $0x6000  }
0x212: {  	[sflag:s18] =	ssyncset.done $0x0  }
0x213: {  	s23 =	simm.s32 $0x0;
	[sflag:s18] =	ssyncadd.s32 $0xFFFFA000  }
0x214: {  	s22 =	simm.s32 $0x0;
	s23 =	smul.u32 $0xC00, s23;
	_ =	swait.ge [sflag:s18], $0x6000  }
0x215: {  	s24 =	sand.u32 $0x380, s22;
	[sflag:s18] =	ssyncset.done $0x0  }
0x216: {  	s23 =	sor.u32 s24, s23;
	[sflag:s18] =	ssyncadd.s32 $0xFFFFA000  }
0x217: {  	v3 =	vld [tilespmem:s23+$0x17800]  }
0x218: {  	v6 =	vld [tilespmem:s23+$0x17000]  }
0x219: {  	v7 =	vld [tilespmem:s23+$0x17010]  }
0x21a: {  	v8 =	vld [tilespmem:s23+$0x17020]  }
0x21b: {  	v9 =	vld [tilespmem:s23+$0x17030]  }
0x21c: {  	v10 =	vld [tilespmem:s23+$0x17040]  }
0x21d: {  	v11 =	vld [tilespmem:s23+$0x17050]  }
0x21e: {  	v12 =	vld [tilespmem:s23+$0x17060]  }
0x21f: {  	v13 =	vld [tilespmem:s23+$0x17070]  }
0x220: {  	v14 =	vld [tilespmem:s23+$0x17400]  }
0x221: {  	v15 =	vld [tilespmem:s23+$0x17410]  }
0x222: {  	v16 =	vld [tilespmem:s23+$0x17420]  }
0x223: {  	v17 =	vld [tilespmem:s23+$0x17430]  }
0x224: {  	v18 =	vld [tilespmem:s23+$0x17440]  }
0x225: {  	v5 =	vld [tilespmem:s23+$0x17450]  }
0x226: {  	v4 =	vld [tilespmem:s23+$0x17460]  }
0x227: {  	[tilespmem:s23+$0x11800] =	vst.add.f32.msk $0xffff, v3  }
0x228: {  	v3 =	vld [tilespmem:s23+$0x17470]  }
0x229: {  	[tilespmem:s23+$0x11000] =	vst.add.f32.msk $0xffff, v6  }
0x22a: {  	[tilespmem:s23+$0x11010] =	vst.add.f32.msk $0xffff, v7  }
0x22b: {  	[tilespmem:s23+$0x11020] =	vst.add.f32.msk $0xffff, v8  }
0x22c: {  	[tilespmem:s23+$0x11030] =	vst.add.f32.msk $0xffff, v9  }
0x22d: {  	[tilespmem:s23+$0x11040] =	vst.add.f32.msk $0xffff, v10  }
0x22e: {  	[tilespmem:s23+$0x11050] =	vst.add.f32.msk $0xffff, v11  }
0x22f: {  	[tilespmem:s23+$0x11060] =	vst.add.f32.msk $0xffff, v12  }
0x230: {  	[tilespmem:s23+$0x11070] =	vst.add.f32.msk $0xffff, v13  }
0x231: {  	[tilespmem:s23+$0x11400] =	vst.add.f32.msk $0xffff, v14  }
0x232: {  	[tilespmem:s23+$0x11410] =	vst.add.f32.msk $0xffff, v15  }
0x233: {  	[tilespmem:s23+$0x11420] =	vst.add.f32.msk $0xffff, v16  }
0x234: {  	[tilespmem:s23+$0x11430] =	vst.add.f32.msk $0xffff, v17  }
0x235: {  	s25 =	simm.s32 $0x0;
	s24 =	simm.s32 $0x2;
	[tilespmem:s23+$0x11440] =	vst.add.f32.msk $0xffff, v18  }
.LBB2_7:
0x236: {  	p1 =	sne.s32 s24, $0x3F;
	s25 =	smul.u32 $0xC00, s25;
	[tilespmem:s23+$0x11450] =	vst.add.f32.msk $0xffff, v5;
	s22 =	sadd.s32 $0x80, s22  }
0x237: {  	s28 =	sand.u32 $0x380, s22;
	[tilespmem:s23+$0x11460] =	vst.add.f32.msk $0xffff, v4  }
0x238: {  	[tilespmem:s23+$0x11470] =	vst.add.f32.msk $0xffff, v3;
	s23 =	sor.u32 s28, s25  }
0x239: {  	v3 =	vld [tilespmem:s23+$0x17800]  }
0x23a: {  	v6 =	vld [tilespmem:s23+$0x17000]  }
0x23b: {  	v7 =	vld [tilespmem:s23+$0x17010]  }
0x23c: {  	v8 =	vld [tilespmem:s23+$0x17020]  }
0x23d: {  	v9 =	vld [tilespmem:s23+$0x17030]  }
0x23e: {  	[tilespmem:s23+$0x11800] =	vst.add.f32.msk $0xffff, v3  }
0x23f: {  	v10 =	vld [tilespmem:s23+$0x17040]  }
0x240: {  	v11 =	vld [tilespmem:s23+$0x17050]  }
0x241: {  	v12 =	vld [tilespmem:s23+$0x17060]  }
0x242: {  	v13 =	vld [tilespmem:s23+$0x17070]  }
0x243: {  	v14 =	vld [tilespmem:s23+$0x17400]  }
0x244: {  	v15 =	vld [tilespmem:s23+$0x17410]  }
0x245: {  	v16 =	vld [tilespmem:s23+$0x17420]  }
0x246: {  	v17 =	vld [tilespmem:s23+$0x17430]  }
0x247: {  	v18 =	vld [tilespmem:s23+$0x17440]  }
0x248: {  	v5 =	vld [tilespmem:s23+$0x17450]  }
0x249: {  	v4 =	vld [tilespmem:s23+$0x17460]  }
0x24a: {  	v3 =	vld [tilespmem:s23+$0x17470]  }
0x24b: {  	[tilespmem:s23+$0x11000] =	vst.add.f32.msk $0xffff, v6  }
0x24c: {  	[tilespmem:s23+$0x11010] =	vst.add.f32.msk $0xffff, v7  }
0x24d: {  	[tilespmem:s23+$0x11020] =	vst.add.f32.msk $0xffff, v8  }
0x24e: {  	[tilespmem:s23+$0x11030] =	vst.add.f32.msk $0xffff, v9  }
0x24f: {  	[tilespmem:s23+$0x11040] =	vst.add.f32.msk $0xffff, v10  }
0x250: {  	[tilespmem:s23+$0x11050] =	vst.add.f32.msk $0xffff, v11  }
0x251: {  	[tilespmem:s23+$0x11060] =	vst.add.f32.msk $0xffff, v12  }
0x252: {  	[tilespmem:s23+$0x11070] =	vst.add.f32.msk $0xffff, v13  }
.Ltmp4:
0x253: {  	[tilespmem:s23+$0x11400] =	vst.add.f32.msk $0xffff, v14;
	(pc) =	sbr.rel @p1 .LBB2_7-.Ltmp4, $4  }
0x254: {  	[tilespmem:s23+$0x11410] =	vst.add.f32.msk $0xffff, v15  }
0x255: {  	[tilespmem:s23+$0x11420] =	vst.add.f32.msk $0xffff, v16  }
0x256: {  	[tilespmem:s23+$0x11430] =	vst.add.f32.msk $0xffff, v17  }
0x257: {  	s25 =	sshrl.u32 s24, $0x3;
	s24 =	sadd.s32 $0x1, s24;
	[tilespmem:s23+$0x11440] =	vst.add.f32.msk $0xffff, v18  }
0x258: {  	s24 =	smul.u32 $0xC00, s25;
	[tilespmem:s23+$0x11450] =	vst.add.f32.msk $0xffff, v5;
	s22 =	sadd.s32 $0x80, s22  }
0x259: {  	[tilespmem:s23+$0x11460] =	vst.add.f32.msk $0xffff, v4;
	s22 =	sand.u32 $0x380, s22  }
0x25a: {  	[tilespmem:s23+$0x11470] =	vst.add.f32.msk $0xffff, v3;
	s22 =	sor.u32 s22, s24  }
0x25b: {  	v3 =	vld [tilespmem:s22+$0x17800]  }
0x25c: {  	v4 =	vld [tilespmem:s22+$0x17000]  }
0x25d: {  	v5 =	vld [tilespmem:s22+$0x17010]  }
0x25e: {  	v6 =	vld [tilespmem:s22+$0x17020]  }
0x25f: {  	v7 =	vld [tilespmem:s22+$0x17030]  }
0x260: {  	v8 =	vld [tilespmem:s22+$0x17050]  }
0x261: {  	v9 =	vld [tilespmem:s22+$0x17060]  }
0x262: {  	v10 =	vld [tilespmem:s22+$0x17070]  }
0x263: {  	v11 =	vld [tilespmem:s22+$0x17400]  }
0x264: {  	v12 =	vld [tilespmem:s22+$0x17410]  }
0x265: {  	v13 =	vld [tilespmem:s22+$0x17420]  }
0x266: {  	v14 =	vld [tilespmem:s22+$0x17430]  }
0x267: {  	v15 =	vld [tilespmem:s22+$0x17440]  }
0x268: {  	v16 =	vld [tilespmem:s22+$0x17450]  }
0x269: {  	v17 =	vld [tilespmem:s22+$0x17460]  }
0x26a: {  	v18 =	vld [tilespmem:s22+$0x17470]  }
0x26b: {  	[tilespmem:s22+$0x11800] =	vst.add.f32.msk $0xffff, v3  }
0x26c: {  	v3 =	vld [tilespmem:s22+$0x17040]  }
0x26d: {  	[tilespmem:s22+$0x11000] =	vst.add.f32.msk $0xffff, v4  }
0x26e: {  	[tilespmem:s22+$0x11010] =	vst.add.f32.msk $0xffff, v5  }
0x26f: {  	[tilespmem:s22+$0x11020] =	vst.add.f32.msk $0xffff, v6  }
0x270: {  	[tilespmem:s22+$0x11030] =	vst.add.f32.msk $0xffff, v7  }
0x271: {  	[tilespmem:s22+$0x11050] =	vst.add.f32.msk $0xffff, v8  }
0x272: {  	[tilespmem:s22+$0x11060] =	vst.add.f32.msk $0xffff, v9  }
0x273: {  	[tilespmem:s22+$0x11070] =	vst.add.f32.msk $0xffff, v10  }
0x274: {  	[tilespmem:s22+$0x11400] =	vst.add.f32.msk $0xffff, v11  }
0x275: {  	[tilespmem:s22+$0x11410] =	vst.add.f32.msk $0xffff, v12  }
0x276: {  	[tilespmem:s22+$0x11420] =	vst.add.f32.msk $0xffff, v13  }
0x277: {  	[tilespmem:s22+$0x11430] =	vst.add.f32.msk $0xffff, v14  }
0x278: {  	s21 =	sadd.s32 s21, s11;
	[tilespmem:s22+$0x11440] =	vst.add.f32.msk $0xffff, v15  }
0x279: {  	s21 =	sshrl.u32 s21, $0x3;
	[tilespmem:s22+$0x11450] =	vst.add.f32.msk $0xffff, v16  }
0x27a: {  	s21 =	smul.u32 $0x180, s21;
	[tilespmem:s22+$0x11460] =	vst.add.f32.msk $0xffff, v17  }
0x27b: {  	[tilespmem:s22+$0x11470] =	vst.add.f32.msk $0xffff, v18  }
.Ltmp5:
0x27c: {  	s21 =	sadd.s32 s5, s21;
	[tilespmem:s22+$0x11040] =	vst.add.f32.msk $0xffff, v3;
	(pc) =	sbr.rel @p0 .LBB2_10-.Ltmp5, $4  }
0x27d: {  	[hbm4b:s21+s2] =	stream.linear.scatter [tilespmem:s26], [sflag:$0x3], $0x6000, $0x38;
	[tilespmem:$0x1D000] =	vst v63  }
0x27e: {  	_ =	swait.ge [sflag:s13], $0x6000  }
0x27f: {  	[sflag:s13] =	ssyncset.done $0x0  }
0x280: {  	[sflag:s13] =	ssyncadd.s32 $0xFFFFA000  }
0x281: {  	v3 =	vld [tilespmem:s20+$0x180];
	_ =	sdelay $0x4  }
0x282: {  	v4 =	vshrl.u32 v3, $0x3  }
0x283: {  	v4 =	vmul.u32 $0x18, v4  }
0x284: {  	v3 =	vand.u32 $0x7, v3  }
0x285: {  	v3 =	vor.u32 v3, v4  }
0x286: {  	v4 =	vperm.xlane v3, v0;
	_ =	sdelay $0x1  }
0x287: {  	v4 =	vadd.s32 v1, v4;
	_ =	sdelay $0x1  }
0x288: {  	v3 =	vperm.xlane v3, v2;
	_ =	sdelay $0x1  }
0x289: {  	v3 =	vadd.s32 v1, v3  }
0x28a: {  	[tilespmem:s26], [sflag:$0x2] =	stream.indirect_vreg.gather [hbm4b:s3+s2], $0x80, v4, vm0, $0xb8;
	[tilespmem:$0x1D000] =	vst v63  }
0x28b: {  	s21 =	simm.s32 $0x11800  }
0x28c: {  	[tilespmem:s21], [sflag:$0x2] =	stream.indirect_vreg.gather [hbm4b:s9+s2], $0x80, v4, vm1, $0xb8;
	[tilespmem:$0x1D000] =	vst v63  }
0x28d: {  	s22 =	simm.s32 $0x11C00  }
0x28e: {  	[tilespmem:s22], [sflag:$0x2] =	stream.indirect_vreg.gather [hbm4b:s3+s2], $0x80, v3, vm0, $0xb8;
	[tilespmem:$0x1D000] =	vst v63  }
0x28f: {  	s23 =	simm.s32 $0x12400  }
0x290: {  	[tilespmem:s23], [sflag:$0x2] =	stream.indirect_vreg.gather [hbm4b:s9+s2], $0x80, v3, vm1, $0xb8;
	[tilespmem:$0x1D000] =	vst v63  }
0x291: {  	v3 =	vld [tilespmem:s20+$0x190];
	_ =	sdelay $0x4  }
0x292: {  	v57 =	vshrl.u32 v3, $0x3  }
0x293: {  	v4 =	vmul.u32 $0x18, v57  }
0x294: {  	v3 =	vand.u32 $0x7, v3  }
0x295: {  	v3 =	vor.u32 v3, v4  }
0x296: {  	v4 =	vperm.xlane v3, v0;
	_ =	sdelay $0x1  }
0x297: {  	v4 =	vadd.s32 v1, v4;
	_ =	sdelay $0x1  }
0x298: {  	v3 =	vperm.xlane v3, v2;
	_ =	sdelay $0x1  }
0x299: {  	s24 =	simm.s32 $0x12800;
	v3 =	vadd.s32 v1, v3  }
0x29a: {  	[tilespmem:s24], [sflag:$0x2] =	stream.indirect_vreg.gather [hbm4b:s3+s2], $0x80, v4, vm0, $0xb8;
	[tilespmem:$0x1D000] =	vst v63  }
0x29b: {  	s25 =	simm.s32 $0x13000  }
0x29c: {  	[tilespmem:s25], [sflag:$0x2] =	stream.indirect_vreg.gather [hbm4b:s9+s2], $0x80, v4, vm1, $0xb8;
	[tilespmem:$0x1D000] =	vst v63  }
0x29d: {  	s28 =	simm.s32 $0x13400  }
0x29e: {  	[tilespmem:s28], [sflag:$0x2] =	stream.indirect_vreg.gather [hbm4b:s3+s2], $0x80, v3, vm0, $0xb8;
	[tilespmem:$0x1D000] =	vst v63  }
0x29f: {  	s22 =	simm.s32 $0x13C00  }
0x2a0: {  	[tilespmem:s22], [sflag:$0x2] =	stream.indirect_vreg.gather [hbm4b:s9+s2], $0x80, v3, vm1, $0xb8;
	[tilespmem:$0x1D000] =	vst v63  }
0x2a1: {  	v3 =	vld [tilespmem:s20+$0x1A0];
	_ =	sdelay $0x4  }
0x2a2: {  	v58 =	vshrl.u32 v3, $0x3  }
0x2a3: {  	v4 =	vmul.u32 $0x18, v58  }
0x2a4: {  	v3 =	vand.u32 $0x7, v3  }
0x2a5: {  	v3 =	vor.u32 v3, v4  }
0x2a6: {  	v4 =	vperm.xlane v3, v0;
	_ =	sdelay $0x1  }
0x2a7: {  	v4 =	vadd.s32 v1, v4;
	_ =	sdelay $0x1  }
0x2a8: {  	v3 =	vperm.xlane v3, v2;
	_ =	sdelay $0x1  }
0x2a9: {  	s23 =	simm.s32 $0x14000;
	v3 =	vadd.s32 v1, v3  }
0x2aa: {  	[tilespmem:s23], [sflag:$0x2] =	stream.indirect_vreg.gather [hbm4b:s3+s2], $0x80, v4, vm0, $0xb8;
	[tilespmem:$0x1D000] =	vst v63  }
0x2ab: {  	s24 =	simm.s32 $0x14800  }
0x2ac: {  	[tilespmem:s24], [sflag:$0x2] =	stream.indirect_vreg.gather [hbm4b:s9+s2], $0x80, v4, vm1, $0xb8;
	[tilespmem:$0x1D000] =	vst v63  }
0x2ad: {  	s25 =	simm.s32 $0x14C00  }
0x2ae: {  	[tilespmem:s25], [sflag:$0x2] =	stream.indirect_vreg.gather [hbm4b:s3+s2], $0x80, v3, vm0, $0xb8;
	[tilespmem:$0x1D000] =	vst v63  }
0x2af: {  	s28 =	simm.s32 $0x15400  }
0x2b0: {  	[tilespmem:s28], [sflag:$0x2] =	stream.indirect_vreg.gather [hbm4b:s9+s2], $0x80, v3, vm1, $0xb8;
	[tilespmem:$0x1D000] =	vst v63  }
0x2b1: {  	v3 =	vld [tilespmem:s20+$0x1B0];
	_ =	sdelay $0x4  }
0x2b2: {  	v59 =	vshrl.u32 v3, $0x3  }
0x2b3: {  	v4 =	vmul.u32 $0x18, v59  }
0x2b4: {  	v3 =	vand.u32 $0x7, v3  }
0x2b5: {  	v3 =	vor.u32 v3, v4  }
0x2b6: {  	v4 =	vperm.xlane v3, v0;
	_ =	sdelay $0x1  }
0x2b7: {  	v4 =	vadd.s32 v1, v4;
	_ =	sdelay $0x1  }
0x2b8: {  	v3 =	vperm.xlane v3, v2;
	_ =	sdelay $0x1  }
0x2b9: {  	s22 =	simm.s32 $0x15800;
	v3 =	vadd.s32 v1, v3  }
0x2ba: {  	[tilespmem:s22], [sflag:$0x2] =	stream.indirect_vreg.gather [hbm4b:s3+s2], $0x80, v4, vm0, $0xb8;
	[tilespmem:$0x1D000] =	vst v63  }
0x2bb: {  	s23 =	simm.s32 $0x16000  }
0x2bc: {  	[tilespmem:s23], [sflag:$0x2] =	stream.indirect_vreg.gather [hbm4b:s9+s2], $0x80, v4, vm1, $0xb8;
	[tilespmem:$0x1D000] =	vst v63  }
0x2bd: {  	s24 =	simm.s32 $0x16400  }
0x2be: {  	[tilespmem:s24], [sflag:$0x2] =	stream.indirect_vreg.gather [hbm4b:s3+s2], $0x80, v3, vm0, $0xb8;
	[tilespmem:$0x1D000] =	vst v63  }
0x2bf: {  	s25 =	simm.s32 $0x16C00  }
0x2c0: {  	[tilespmem:s25], [sflag:$0x2] =	stream.indirect_vreg.gather [hbm4b:s9+s2], $0x80, v3, vm1, $0xb8;
	[tilespmem:$0x1D000] =	vst v63  }
0x2c1: {  	v3 =	vld [tilespmem:s20+$0x2980];
	_ =	sdelay $0x4  }
0x2c2: {  	v60 =	vshrl.u32 v3, $0x3  }
0x2c3: {  	v4 =	vmul.u32 $0x18, v60  }
0x2c4: {  	v3 =	vand.u32 $0x7, v3  }
0x2c5: {  	v3 =	vor.u32 v3, v4  }
0x2c6: {  	v4 =	vperm.xlane v3, v0;
	_ =	sdelay $0x1  }
0x2c7: {  	v4 =	vadd.s32 v1, v4;
	_ =	sdelay $0x1  }
0x2c8: {  	v3 =	vperm.xlane v3, v2;
	_ =	sdelay $0x1  }
0x2c9: {  	s28 =	simm.s32 $0x17000;
	v3 =	vadd.s32 v1, v3  }
0x2ca: {  	[tilespmem:s28], [sflag:$0x2] =	stream.indirect_vreg.gather [hbm4b:s4+s2], $0x80, v4, vm0, $0xb8;
	[tilespmem:$0x1D000] =	vst v63  }
0x2cb: {  	s22 =	simm.s32 $0x17800  }
0x2cc: {  	[tilespmem:s22], [sflag:$0x2] =	stream.indirect_vreg.gather [hbm4b:s10+s2], $0x80, v4, vm1, $0xb8;
	[tilespmem:$0x1D000] =	vst v63  }
0x2cd: {  	s23 =	simm.s32 $0x17C00  }
0x2ce: {  	[tilespmem:s23], [sflag:$0x2] =	stream.indirect_vreg.gather [hbm4b:s4+s2], $0x80, v3, vm0, $0xb8;
	[tilespmem:$0x1D000] =	vst v63  }
0x2cf: {  	s24 =	simm.s32 $0x18400  }
0x2d0: {  	[tilespmem:s24], [sflag:$0x2] =	stream.indirect_vreg.gather [hbm4b:s10+s2], $0x80, v3, vm1, $0xb8;
	[tilespmem:$0x1D000] =	vst v63  }
0x2d1: {  	v3 =	vld [tilespmem:s20+$0x2990];
	_ =	sdelay $0x4  }
0x2d2: {  	v61 =	vshrl.u32 v3, $0x3  }
0x2d3: {  	v4 =	vmul.u32 $0x18, v61  }
0x2d4: {  	v3 =	vand.u32 $0x7, v3  }
0x2d5: {  	v3 =	vor.u32 v3, v4  }
0x2d6: {  	v4 =	vperm.xlane v3, v0;
	_ =	sdelay $0x1  }
0x2d7: {  	v4 =	vadd.s32 v1, v4;
	_ =	sdelay $0x1  }
0x2d8: {  	v3 =	vperm.xlane v3, v2;
	_ =	sdelay $0x1  }
0x2d9: {  	s25 =	simm.s32 $0x18800;
	v3 =	vadd.s32 v1, v3  }
0x2da: {  	[tilespmem:s25], [sflag:$0x2] =	stream.indirect_vreg.gather [hbm4b:s4+s2], $0x80, v4, vm0, $0xb8;
	[tilespmem:$0x1D000] =	vst v63  }
0x2db: {  	s28 =	simm.s32 $0x19000  }
0x2dc: {  	[tilespmem:s28], [sflag:$0x2] =	stream.indirect_vreg.gather [hbm4b:s10+s2], $0x80, v4, vm1, $0xb8;
	[tilespmem:$0x1D000] =	vst v63  }
0x2dd: {  	_ = 	snop  }
0x2de: {  	[tilespmem:s29], [sflag:$0x2] =	stream.indirect_vreg.gather [hbm4b:s4+s2], $0x80, v3, vm0, $0xb8;
	[tilespmem:$0x1D000] =	vst v63  }
0x2df: {  	_ = 	snop  }
0x2e0: {  	[tilespmem:s30], [sflag:$0x2] =	stream.indirect_vreg.gather [hbm4b:s10+s2], $0x80, v3, vm1, $0xb8;
	[tilespmem:$0x1D000] =	vst v63  }
0x2e1: {  	v3 =	vld [tilespmem:s20+$0x29A0];
	_ =	sdelay $0x4  }
0x2e2: {  	v62 =	vshrl.u32 v3, $0x3  }
0x2e3: {  	v4 =	vmul.u32 $0x18, v62  }
0x2e4: {  	v3 =	vand.u32 $0x7, v3  }
0x2e5: {  	v3 =	vor.u32 v3, v4  }
0x2e6: {  	v4 =	vperm.xlane v3, v0;
	_ =	sdelay $0x1  }
0x2e7: {  	v4 =	vadd.s32 v1, v4;
	_ =	sdelay $0x1  }
0x2e8: {  	v3 =	vperm.xlane v3, v2;
	_ =	sdelay $0x1  }
0x2e9: {  	v3 =	vadd.s32 v1, v3  }
0x2ea: {  	[tilespmem:s31], [sflag:$0x2] =	stream.indirect_vreg.gather [hbm4b:s4+s2], $0x80, v4, vm0, $0xb8;
	[tilespmem:$0x1D000] =	vst v63  }
0x2eb: {  	_ = 	snop  }
0x2ec: {  	[tilespmem:s0], [sflag:$0x2] =	stream.indirect_vreg.gather [hbm4b:s10+s2], $0x80, v4, vm1, $0xb8;
	[tilespmem:$0x1D000] =	vst v63  }
0x2ed: {  	_ = 	snop  }
0x2ee: {  	[tilespmem:s1], [sflag:$0x2] =	stream.indirect_vreg.gather [hbm4b:s4+s2], $0x80, v3, vm0, $0xb8;
	[tilespmem:$0x1D000] =	vst v63  }
0x2ef: {  	_ = 	snop  }
0x2f0: {  	[tilespmem:s14], [sflag:$0x2] =	stream.indirect_vreg.gather [hbm4b:s10+s2], $0x80, v3, vm1, $0xb8;
	[tilespmem:$0x1D000] =	vst v63  }
0x2f1: {  	v3 =	vld [tilespmem:s20+$0x29B0];
	_ =	sdelay $0x4  }
0x2f2: {  	v63 =	vshrl.u32 v3, $0x3  }
0x2f3: {  	v4 =	vmul.u32 $0x18, v63  }
0x2f4: {  	v3 =	vand.u32 $0x7, v3  }
0x2f5: {  	v3 =	vor.u32 v3, v4  }
0x2f6: {  	v4 =	vperm.xlane v3, v0;
	_ =	sdelay $0x1  }
0x2f7: {  	v4 =	vadd.s32 v1, v4;
	_ =	sdelay $0x2  }
0x2f8: {  	v3 =	vperm.xlane v3, v2;
	_ =	sdelay $0x1  }
0x2f9: {  	v3 =	vadd.s32 v1, v3;
	[tilespmem:s7], [sflag:$0x2] =	stream.indirect_vreg.gather [hbm4b:s4+s2], $0x80, v4, vm0, $0xb8;
	[tilespmem:$0x1D000] =	vst v63  }
0x2fa: {  	_ = 	snop  }
0x2fb: {  	[tilespmem:s8], [sflag:$0x2] =	stream.indirect_vreg.gather [hbm4b:s10+s2], $0x80, v4, vm1, $0xb8;
	[tilespmem:$0x1D000] =	vst v63  }
.Ltmp6:
0x2fc: {  	_ = 	snop;
	(pc) =	sbr.rel .LBB2_2-.Ltmp6, $4  }
0x2fd: {  	_ = 	snop  }
0x2fe: {  	[tilespmem:s12], [sflag:$0x2] =	stream.indirect_vreg.gather [hbm4b:s4+s2], $0x80, v3, vm0, $0xb8;
	[tilespmem:$0x1D000] =	vst v63  }
0x2ff: {  	s19 =	sadd.s32 $0x1, s19  }
0x300: {  	[tilespmem:s16], [sflag:$0x2] =	stream.indirect_vreg.gather [hbm4b:s10+s2], $0x80, v3, vm1, $0xb8;
	[tilespmem:$0x1D000] =	vst v63  }
.LBB2_11:
0x301: {  	_ =	sfence.sel $0x180000  }
0x302: {  	[bflag:$0x0] =	sbarrier.arrive $0xFFFF  }
0x303: {  	_ =	strace $0x90000047  }
0x304: {  	s0 =	stileid.u32;
	[bflag:$0x2] =	sbarrier.arrive $0xFFFF  }
0x305: {  	p0 =	sne.s32 s0, $0x0;
	s0 =	rddreg [dreg:$0x3]  }
0x306: {  	s0 =	sadd.s32 @!p0 $0x100000, s0  }
0x307: {  	[sflag:s0] =	ssyncadd.tile.s32 @!p0 $0x1;
	_ =	shalt  }
.Lfunc_end2:
_tile_overlayer_lowered:
.L_overlay_start_2:
0x308: {  	(tag) =	ssettag $0x2  }
0x309: {  	s0 =	rddreg [dreg:$0x0];
	s2 =	stileid.u32  }
0x30a: {  	s1 =	rddreg [dreg:$0x1];
	p0 =	sne.s32 s2, $0x0  }
0x30b: {  	s3 =	rddreg [dreg:$0x2];
	[bflag:$0x3] =	sbarrier.arrive $0xFFFF;
	s2 =	simm.s32 @!p0 $0x1C03  }
0x30c: {  	[timem:s3], [sflag:s2] =	dma.local @!p0 [hbm:s0], s1  }
0x30d: {  	s0 =	simm.s32 @!p0 $0x3  }
0x30e: {  	_ =	swait.ge @!p0 [sflag:s0], s1  }
0x30f: {  	s1 =	ssub.s32 @!p0 $0x0, s1;
	[sflag:s0] =	ssyncset.done @!p0 $0x0  }
0x310: {  	[sflag:s0] =	ssyncadd.s32 @!p0 s1  }
0x311: {  	[bflag:$0x3] =	sbarrier.arrive $0xFFFF  }
0x312: {  	_ =	shalt  }

</sc_bundles>
